<compile_context>
chip_gen: v7x
topology: tpu7x:2x2x1
jax: 0.10.2.dev20260603
libtpu: 0.0.44.dev20260713+nightly
codegen_flags: <defaults>
</compile_context>

<pallas_src>
import functools

import numpy as _np

import jax
import jax.numpy as jnp
from jax import lax
from jax.experimental import pallas as pl
from jax.experimental.pallas import tpu as pltpu
from jax.experimental.pallas import tpu_sc as plsc

VOCAB = 1000000
DIM = 16
B, W = 16384, 26
N = B * W
NC, NS = 2, 16
NW = NC * NS
NPW = N // NW
SUB = 3328
NSUB = NPW // SUB
VPS = SUB // 16

_mesh = plsc.VectorSubcoreMesh(core_axis_name="c", subcore_axis_name="s")


@functools.partial(
    pl.kernel,
    mesh=_mesh,
    compiler_params=pltpu.CompilerParams(use_tc_tiling_on_sc=False),
    out_type=jax.ShapeDtypeStruct((N, DIM), jnp.float32),
    scratch_types=[
        pltpu.VMEM((NPW,), jnp.int32),
        pltpu.VMEM((SUB, DIM), jnp.float32),
        pltpu.SemaphoreType.DMA,
    ],
)
def _embed(idx_hbm, table_hbm, out_hbm, idx_v, rows_v, sem):
    wid = lax.axis_index("s") * NC + lax.axis_index("c")
    base = wid * NPW
    pltpu.sync_copy(idx_hbm.at[pl.ds(base, NPW)], idx_v)

    iota16 = lax.iota(jnp.int32, 16)
    zeros_f = jnp.zeros((16,), jnp.float32)

    for s in range(NSUB):
        off = s * SUB
        pltpu.async_copy(
            table_hbm.at[idx_v.at[pl.ds(off, SUB)]], rows_v, sem
        ).wait()

        def scan_body(i, acc, off=off):
            v = idx_v[pl.ds(off + i * 16, 16)]
            return acc | jnp.where(v == 0, 1, 0)

        acc = lax.fori_loop(0, VPS, scan_body, jnp.zeros((16,), jnp.int32))
        for step in (8, 4, 2, 1):
            perm = iota16 ^ step
            acc = acc | acc.at[perm].get(mode="promise_in_bounds")
        any_zero = acc[0] > 0

        @pl.when(any_zero)
        def _fixup(off=off):
            def fix_body(i, carry):
                v = idx_v[pl.ds(off + i * 16, 16)]
                mvec = jnp.where(v == 0, 0.0, 1.0).astype(jnp.float32)
                for j in range(16):
                    r = i * 16 + j
                    scale = mvec.at[iota16 * 0 + j].get(
                        mode="promise_in_bounds")
                    rows_v[r, :] = rows_v[r, :] * scale
                return carry

            lax.fori_loop(0, VPS, fix_body, 0)

        pltpu.sync_copy(rows_v, out_hbm.at[pl.ds(base + off, SUB)])


def kernel(input, table):
    idx = input.reshape(-1).astype(jnp.int32)
    tab_flat = lax.optimization_barrier(table.reshape(-1))
    out = _embed(idx, tab_flat.reshape(VOCAB, DIM))
    return out.reshape(B, W, DIM)

# --- scband reference (transcript-rebuilt; emitter-appended) ---
"""Pipeline reference for scband-embedding-67937792688798 (READ-ONLY COPY).

The authoritative reference and input builder live on the scoring server;
editing this copy changes nothing except your own understanding.
"""

import jax, jax.numpy as jnp
import numpy as np

VOCAB = 1000000
DIM = 16

def setup_inputs(seed: int = 0) -> dict:
    key = jax.random.key(seed)
    k_idx, k_tab = jax.random.split(key)
    indices = jax.random.randint(k_idx, (16384, 26), 0, VOCAB, dtype=jnp.int64)
    table = jax.random.normal(k_tab, (VOCAB, DIM), dtype=jnp.float32) * 0.01
    return {"input": indices, "table": table}

def reference(input, table):
    # Emulates pull(): gather rows of the (remote) embedding table for each key.
    # Key 0 is treated as padding -> zero vector, matching `if key != 0` in torch code.
    emb = jnp.take(table, input, axis=0)  # (B, W, DIM)
    mask = (input != 0)[..., None].astype(emb.dtype)
    return emb * mask

if __name__ == "__main__":
    import jax
    _d = setup_inputs()
    print(jax.jit(kernel)(*tuple(_d.values())))

</pallas_src>

<mosaic_0001>
#map = affine_map<(d0, d1) -> (0)>
#map1 = affine_map<(d0, d1) -> (0, 0)>
module attributes {stable_mosaic.version = 14 : i64} {
  func.func @_embed(%arg0: i32, %arg1: i32, %arg2: memref<425984xi32, #tpu.memory_space<hbm>>, %arg3: memref<1000000x16xf32, #tpu.memory_space<hbm>>, %arg4: memref<425984x16xf32, #tpu.memory_space<hbm>>, %arg5: memref<13312xi32, #tpu.memory_space<vmem>>, %arg6: memref<3328x16xf32, #tpu.memory_space<vmem>>, %arg7: memref<!tpu.dma_semaphore, #tpu.memory_space<semaphore_mem>>) attributes {dimension_semantics = [#tpu.dimension_semantics<core_parallel>, #tpu.dimension_semantics<subcore_parallel>], iteration_bounds = array<i64: 2, 16>, scalar_prefetch = 0 : i64, scratch_operands = 3 : i64, tpu.core_type = #tpu.core_type<sc_vector_subcore>, window_params = [{transform_indices = #map}, {transform_indices = #map1}, {transform_indices = #map1}]} {
    %mul3A = arith.constant 2 : i32
    %mul3A_0 = arith.muli %arg1, %mul3A : i32
    %add3A = arith.addi %mul3A_0, %arg0 : i32
    %mul3A_1 = arith.constant 13312 : i32
    %mul3A_2 = arith.muli %add3A, %mul3A_1 : i32
    "tpu.region"() ({
      %run_scoped3A = tpu.sem_alloc : memref<!tpu.dma_semaphore, #tpu.memory_space<semaphore_mem>>
      %dma_start3A_323 = tpu.memref_slice %arg2[%mul3A_2] : memref<425984xi32, #tpu.memory_space<hbm>> -> memref<13312xi32, #tpu.memory_space<hbm>>
      %dma_start3A_324 = tpu.memref_slice %arg2[%mul3A_2] : memref<425984xi32, #tpu.memory_space<hbm>> -> memref<13312xi32, #tpu.memory_space<hbm>>
      tpu.enqueue_dma source(%dma_start3A_324 : memref<13312xi32, #tpu.memory_space<hbm>>) target(%arg5 : memref<13312xi32, #tpu.memory_space<vmem>>) target_semaphore(%run_scoped3A : memref<!tpu.dma_semaphore, #tpu.memory_space<semaphore_mem>>)
      %dma_wait3A_325 = tpu.memref_slice %arg2[%mul3A_2] : memref<425984xi32, #tpu.memory_space<hbm>> -> memref<13312xi32, #tpu.memory_space<hbm>>
      %dma_wait3A_326 = tpu.memref_slice %arg2[%mul3A_2] : memref<425984xi32, #tpu.memory_space<hbm>> -> memref<13312xi32, #tpu.memory_space<hbm>>
      tpu.wait_dma2 semaphore(%run_scoped3A : memref<!tpu.dma_semaphore, #tpu.memory_space<semaphore_mem>>) src(%dma_wait3A_326 : memref<13312xi32, #tpu.memory_space<hbm>>) dst(%arg5 : memref<13312xi32, #tpu.memory_space<vmem>>)
      tpu.yield
    }) : () -> ()
    %iota3A = tpu.iota {dimensions = array<i32: 0>} : vector<16xi32>
    %broadcast_in_dim3A = arith.constant 0.000000e+00 : f32
    %broadcast_in_dim3A_3 = vector.broadcast %broadcast_in_dim3A : f32 to vector<16xf32>
    %dma_start3A = arith.constant 0 : i32
    %dma_start3A_4 = tpu.memref_slice %arg5[%dma_start3A] : memref<13312xi32, #tpu.memory_space<vmem>> -> memref<3328xi32, #tpu.memory_space<vmem>>
    %dma_start3A_5 = arith.constant 0 : i32
    %dma_start3A_6 = arith.constant 0 : i32
    %dma_start3A_7 = tpu.memref_slice %arg3[%dma_start3A_5, %dma_start3A_6] : memref<1000000x16xf32, #tpu.memory_space<hbm>> -> memref<1000000x16xf32, #tpu.memory_space<hbm>>
    tpu.enqueue_indirect_dma source(%dma_start3A_7 : memref<1000000x16xf32, #tpu.memory_space<hbm>>) target(%arg6 : memref<3328x16xf32, #tpu.memory_space<vmem>>) offsets(%dma_start3A_4 : memref<3328xi32, #tpu.memory_space<vmem>>) semaphore(%arg7 : memref<!tpu.dma_semaphore, #tpu.memory_space<semaphore_mem>>)
    %dma_wait3A = arith.constant 0 : i32
    %dma_wait3A_8 = tpu.memref_slice %arg5[%dma_wait3A] : memref<13312xi32, #tpu.memory_space<vmem>> -> memref<3328xi32, #tpu.memory_space<vmem>>
    %dma_wait3A_9 = arith.constant 0 : i32
    %dma_wait3A_10 = arith.constant 0 : i32
    %dma_wait3A_11 = tpu.memref_slice %arg3[%dma_wait3A_9, %dma_wait3A_10] : memref<1000000x16xf32, #tpu.memory_space<hbm>> -> memref<1000000x16xf32, #tpu.memory_space<hbm>>
    tpu.wait_indirect_dma semaphore(%arg7 : memref<!tpu.dma_semaphore, #tpu.memory_space<semaphore_mem>>) src(%dma_wait3A_11 : memref<1000000x16xf32, #tpu.memory_space<hbm>>) dst(%arg6 : memref<3328x16xf32, #tpu.memory_space<vmem>>)
    %broadcast_in_dim3A_12 = arith.constant 0 : i32
    %broadcast_in_dim3A_13 = vector.broadcast %broadcast_in_dim3A_12 : i32 to vector<16xi32>
    %scan3A = arith.constant 0 : i32
    %scan3A_14 = arith.constant 208 : i32
    %scan3A_15 = arith.addi %scan3A, %scan3A_14 : i32
    %scan3A_16 = arith.constant 1 : i32
    %scan3A_17 = scf.for %scan3A_323 = %scan3A to %scan3A_15 step %scan3A_16 iter_args(%scan3A_324 = %broadcast_in_dim3A_13) -> (vector<16xi32>)  : i32 {
      %mul3A_325 = arith.constant 16 : i32
      %mul3A_326 = arith.muli %scan3A_323, %mul3A_325 : i32
      %add3A_327 = arith.constant 0 : i32
      %add3A_328 = arith.addi %add3A_327, %mul3A_326 : i32
      %get3A = arith.index_cast %add3A_328 : i32 to index
      %get3A_329 = tpu.vector_load %arg5[%get3A] {strides = array<i32>} : memref<13312xi32, #tpu.memory_space<vmem>>, vector<16xi32>,
      %get3A_330 = vector.shape_cast %get3A_329 : vector<16xi32> to vector<16xi32>
      %eq3A = arith.constant 0 : i32
      %eq3A_331 = vector.broadcast %eq3A : i32 to vector<16xi32>
      %eq3A_332 = arith.cmpi eq, %get3A_330, %eq3A_331 : vector<16xi32>
      %jit3A = arith.constant 1 : i32
      %jit3A_333 = arith.constant 0 : i32
      %broadcast_in_dim3A_334 = vector.broadcast %jit3A : i32 to vector<16xi32>
      %broadcast_in_dim3A_335 = vector.broadcast %jit3A_333 : i32 to vector<16xi32>
      %select_n3A_336 = arith.select %eq3A_332, %broadcast_in_dim3A_334, %broadcast_in_dim3A_335 : vector<16xi1>, vector<16xi32>
      %or3A_337 = arith.ori %scan3A_324, %select_n3A_336 : vector<16xi32>
      scf.yield %or3A_337 : vector<16xi32>
    }
    %scan3A_18 = arith.constant 208 : i32
    %xor3A = arith.constant 8 : i32
    %xor3A_19 = vector.broadcast %xor3A : i32 to vector<16xi32>
    %xor3A_20 = arith.xori %iota3A, %xor3A_19 : vector<16xi32>
    %lt3A = arith.constant 0 : i32
    %lt3A_21 = vector.broadcast %lt3A : i32 to vector<16xi32>
    %lt3A_22 = arith.cmpi slt, %xor3A_20, %lt3A_21 : vector<16xi32>
    %add3A_23 = arith.constant 16 : i32
    %add3A_24 = vector.broadcast %add3A_23 : i32 to vector<16xi32>
    %add3A_25 = arith.addi %xor3A_20, %add3A_24 : vector<16xi32>
    %select_n3A = arith.select %lt3A_22, %add3A_25, %xor3A_20 : vector<16xi1>, vector<16xi32>
    %broadcast_in_dim3A_26 = vector.shape_cast %select_n3A : vector<16xi32> to vector<16x1xi32>
    %gather3A = vector.shape_cast %broadcast_in_dim3A_26 : vector<16x1xi32> to vector<16xi32>
    %gather3A_27 = tpu.dynamic_gather %scan3A_17[%gather3A] in [0] : vector<16xi32>, vector<16xi32> -> vector<16xi32>
    %or3A = arith.ori %scan3A_17, %gather3A_27 : vector<16xi32>
    %xor3A_28 = arith.constant 4 : i32
    %xor3A_29 = vector.broadcast %xor3A_28 : i32 to vector<16xi32>
    %xor3A_30 = arith.xori %iota3A, %xor3A_29 : vector<16xi32>
    %lt3A_31 = arith.constant 0 : i32
    %lt3A_32 = vector.broadcast %lt3A_31 : i32 to vector<16xi32>
    %lt3A_33 = arith.cmpi slt, %xor3A_30, %lt3A_32 : vector<16xi32>
    %add3A_34 = arith.constant 16 : i32
    %add3A_35 = vector.broadcast %add3A_34 : i32 to vector<16xi32>
    %add3A_36 = arith.addi %xor3A_30, %add3A_35 : vector<16xi32>
    %select_n3A_37 = arith.select %lt3A_33, %add3A_36, %xor3A_30 : vector<16xi1>, vector<16xi32>
    %broadcast_in_dim3A_38 = vector.shape_cast %select_n3A_37 : vector<16xi32> to vector<16x1xi32>
    %gather3A_39 = vector.shape_cast %broadcast_in_dim3A_38 : vector<16x1xi32> to vector<16xi32>
    %gather3A_40 = tpu.dynamic_gather %or3A[%gather3A_39] in [0] : vector<16xi32>, vector<16xi32> -> vector<16xi32>
    %or3A_41 = arith.ori %or3A, %gather3A_40 : vector<16xi32>
    %xor3A_42 = arith.constant 2 : i32
    %xor3A_43 = vector.broadcast %xor3A_42 : i32 to vector<16xi32>
    %xor3A_44 = arith.xori %iota3A, %xor3A_43 : vector<16xi32>
    %lt3A_45 = arith.constant 0 : i32
    %lt3A_46 = vector.broadcast %lt3A_45 : i32 to vector<16xi32>
    %lt3A_47 = arith.cmpi slt, %xor3A_44, %lt3A_46 : vector<16xi32>
    %add3A_48 = arith.constant 16 : i32
    %add3A_49 = vector.broadcast %add3A_48 : i32 to vector<16xi32>
    %add3A_50 = arith.addi %xor3A_44, %add3A_49 : vector<16xi32>
    %select_n3A_51 = arith.select %lt3A_47, %add3A_50, %xor3A_44 : vector<16xi1>, vector<16xi32>
    %broadcast_in_dim3A_52 = vector.shape_cast %select_n3A_51 : vector<16xi32> to vector<16x1xi32>
    %gather3A_53 = vector.shape_cast %broadcast_in_dim3A_52 : vector<16x1xi32> to vector<16xi32>
    %gather3A_54 = tpu.dynamic_gather %or3A_41[%gather3A_53] in [0] : vector<16xi32>, vector<16xi32> -> vector<16xi32>
    %or3A_55 = arith.ori %or3A_41, %gather3A_54 : vector<16xi32>
    %xor3A_56 = arith.constant 1 : i32
    %xor3A_57 = vector.broadcast %xor3A_56 : i32 to vector<16xi32>
    %xor3A_58 = arith.xori %iota3A, %xor3A_57 : vector<16xi32>
    %lt3A_59 = arith.constant 0 : i32
    %lt3A_60 = vector.broadcast %lt3A_59 : i32 to vector<16xi32>
    %lt3A_61 = arith.cmpi slt, %xor3A_58, %lt3A_60 : vector<16xi32>
    %add3A_62 = arith.constant 16 : i32
    %add3A_63 = vector.broadcast %add3A_62 : i32 to vector<16xi32>
    %add3A_64 = arith.addi %xor3A_58, %add3A_63 : vector<16xi32>
    %select_n3A_65 = arith.select %lt3A_61, %add3A_64, %xor3A_58 : vector<16xi1>, vector<16xi32>
    %broadcast_in_dim3A_66 = vector.shape_cast %select_n3A_65 : vector<16xi32> to vector<16x1xi32>
    %gather3A_67 = vector.shape_cast %broadcast_in_dim3A_66 : vector<16x1xi32> to vector<16xi32>
    %gather3A_68 = tpu.dynamic_gather %or3A_55[%gather3A_67] in [0] : vector<16xi32>, vector<16xi32> -> vector<16xi32>
    %or3A_69 = arith.ori %or3A_55, %gather3A_68 : vector<16xi32>
    %slice3A = vector.extract_strided_slice %or3A_69 {offsets = [0], sizes = [1], strides = [1]} : vector<16xi32> to vector<1xi32>
    %squeeze3A = vector.extract %slice3A[0] : i32 from vector<1xi32>
    %gt3A = arith.constant 0 : i32
    %gt3A_70 = arith.cmpi sgt, %squeeze3A, %gt3A : i32
    %convert_element_type3A = arith.extui %gt3A_70 : i1 to i32
    %cond3A = arith.constant 0 : i32
    %cond3A_71 = arith.cmpi ne, %convert_element_type3A, %cond3A : i32
    scf.if %cond3A_71 {
      %scan3A_323 = arith.constant 0 : i32
      %scan3A_324 = arith.constant 0 : i32
      %scan3A_325 = arith.constant 208 : i32
      %scan3A_326 = arith.addi %scan3A_324, %scan3A_325 : i32
      %scan3A_327 = arith.constant 1 : i32
      scf.for %scan3A_329 = %scan3A_324 to %scan3A_326 step %scan3A_327  : i32 {
        %mul3A_330 = arith.constant 16 : i32
        %mul3A_331 = arith.muli %scan3A_329, %mul3A_330 : i32
        %add3A_332 = arith.constant 0 : i32
        %add3A_333 = arith.addi %add3A_332, %mul3A_331 : i32
        %get3A = arith.index_cast %add3A_333 : i32 to index
        %get3A_334 = tpu.vector_load %arg5[%get3A] {strides = array<i32>} : memref<13312xi32, #tpu.memory_space<vmem>>, vector<16xi32>,
        %get3A_335 = vector.shape_cast %get3A_334 : vector<16xi32> to vector<16xi32>
        %eq3A = arith.constant 0 : i32
        %eq3A_336 = vector.broadcast %eq3A : i32 to vector<16xi32>
        %eq3A_337 = arith.cmpi eq, %get3A_335, %eq3A_336 : vector<16xi32>
        %jit3A = arith.constant 0.000000e+00 : f32
        %jit3A_338 = arith.constant 1.000000e+00 : f32
        %broadcast_in_dim3A_339 = vector.broadcast %jit3A : f32 to vector<16xf32>
        %broadcast_in_dim3A_340 = vector.broadcast %jit3A_338 : f32 to vector<16xf32>
        %select_n3A_341 = arith.select %eq3A_337, %broadcast_in_dim3A_339, %broadcast_in_dim3A_340 : vector<16xi1>, vector<16xf32>
        %mul3A_342 = arith.constant 16 : i32
        %mul3A_343 = arith.muli %scan3A_329, %mul3A_342 : i32
        %add3A_344 = arith.constant 0 : i32
        %add3A_345 = arith.addi %mul3A_343, %add3A_344 : i32
        %mul3A_346 = arith.constant 0 : i32
        %mul3A_347 = vector.broadcast %mul3A_346 : i32 to vector<16xi32>
        %mul3A_348 = arith.muli %iota3A, %mul3A_347 : vector<16xi32>
        %add3A_349 = arith.constant 0 : i32
        %add3A_350 = vector.broadcast %add3A_349 : i32 to vector<16xi32>
        %add3A_351 = arith.addi %mul3A_348, %add3A_350 : vector<16xi32>
        %lt3A_352 = arith.constant 0 : i32
        %lt3A_353 = vector.broadcast %lt3A_352 : i32 to vector<16xi32>
        %lt3A_354 = arith.cmpi slt, %add3A_351, %lt3A_353 : vector<16xi32>
        %add3A_355 = arith.constant 16 : i32
        %add3A_356 = vector.broadcast %add3A_355 : i32 to vector<16xi32>
        %add3A_357 = arith.addi %add3A_351, %add3A_356 : vector<16xi32>
        %select_n3A_358 = arith.select %lt3A_354, %add3A_357, %add3A_351 : vector<16xi1>, vector<16xi32>
        %broadcast_in_dim3A_359 = vector.shape_cast %select_n3A_358 : vector<16xi32> to vector<16x1xi32>
        %gather3A_360 = vector.shape_cast %broadcast_in_dim3A_359 : vector<16x1xi32> to vector<16xi32>
        %gather3A_361 = tpu.dynamic_gather %select_n3A_341[%gather3A_360] in [0] : vector<16xf32>, vector<16xi32> -> vector<16xf32>
        %get3A_362 = arith.index_cast %add3A_345 : i32 to index
        %get3A_363 = arith.constant 0 : index
        %get3A_364 = tpu.vector_load %arg6[%get3A_362, %get3A_363] {strides = array<i32>} : memref<3328x16xf32, #tpu.memory_space<vmem>>, vector<1x16xf32>,
        %get3A_365 = vector.shape_cast %get3A_364 : vector<1x16xf32> to vector<16xf32>
        %mul3A_366 = arith.mulf %get3A_365, %gather3A_361 : vector<16xf32>
        %swap3A = arith.index_cast %add3A_345 : i32 to index
        %swap3A_367 = arith.constant 0 : index
        %swap3A_368 = tpu.vector_load %arg6[%swap3A, %swap3A_367] {strides = array<i32>} : memref<3328x16xf32, #tpu.memory_space<vmem>>, vector<1x16xf32>,
        %swap3A_369 = vector.shape_cast %swap3A_368 : vector<1x16xf32> to vector<16xf32>
        %swap3A_370 = vector.shape_cast %mul3A_366 : vector<16xf32> to vector<1x16xf32>
        tpu.vector_store %arg6[%swap3A, %swap3A_367], %swap3A_370 {strides = array<i32>} : memref<3328x16xf32, #tpu.memory_space<vmem>>, vector<1x16xf32>,
        %mul3A_371 = arith.constant 16 : i32
        %mul3A_372 = arith.muli %scan3A_329, %mul3A_371 : i32
        %add3A_373 = arith.constant 1 : i32
        %add3A_374 = arith.addi %mul3A_372, %add3A_373 : i32
        %mul3A_375 = arith.constant 0 : i32
        %mul3A_376 = vector.broadcast %mul3A_375 : i32 to vector<16xi32>
        %mul3A_377 = arith.muli %iota3A, %mul3A_376 : vector<16xi32>
        %add3A_378 = arith.constant 1 : i32
        %add3A_379 = vector.broadcast %add3A_378 : i32 to vector<16xi32>
        %add3A_380 = arith.addi %mul3A_377, %add3A_379 : vector<16xi32>
        %lt3A_381 = arith.constant 0 : i32
        %lt3A_382 = vector.broadcast %lt3A_381 : i32 to vector<16xi32>
        %lt3A_383 = arith.cmpi slt, %add3A_380, %lt3A_382 : vector<16xi32>
        %add3A_384 = arith.constant 16 : i32
        %add3A_385 = vector.broadcast %add3A_384 : i32 to vector<16xi32>
        %add3A_386 = arith.addi %add3A_380, %add3A_385 : vector<16xi32>
        %select_n3A_387 = arith.select %lt3A_383, %add3A_386, %add3A_380 : vector<16xi1>, vector<16xi32>
        %broadcast_in_dim3A_388 = vector.shape_cast %select_n3A_387 : vector<16xi32> to vector<16x1xi32>
        %gather3A_389 = vector.shape_cast %broadcast_in_dim3A_388 : vector<16x1xi32> to vector<16xi32>
        %gather3A_390 = tpu.dynamic_gather %select_n3A_341[%gather3A_389] in [0] : vector<16xf32>, vector<16xi32> -> vector<16xf32>
        %get3A_391 = arith.index_cast %add3A_374 : i32 to index
        %get3A_392 = arith.constant 0 : index
        %get3A_393 = tpu.vector_load %arg6[%get3A_391, %get3A_392] {strides = array<i32>} : memref<3328x16xf32, #tpu.memory_space<vmem>>, vector<1x16xf32>,
        %get3A_394 = vector.shape_cast %get3A_393 : vector<1x16xf32> to vector<16xf32>
        %mul3A_395 = arith.mulf %get3A_394, %gather3A_390 : vector<16xf32>
        %swap3A_396 = arith.index_cast %add3A_374 : i32 to index
        %swap3A_397 = arith.constant 0 : index
        %swap3A_398 = tpu.vector_load %arg6[%swap3A_396, %swap3A_397] {strides = array<i32>} : memref<3328x16xf32, #tpu.memory_space<vmem>>, vector<1x16xf32>,
        %swap3A_399 = vector.shape_cast %swap3A_398 : vector<1x16xf32> to vector<16xf32>
        %swap3A_400 = vector.shape_cast %mul3A_395 : vector<16xf32> to vector<1x16xf32>
        tpu.vector_store %arg6[%swap3A_396, %swap3A_397], %swap3A_400 {strides = array<i32>} : memref<3328x16xf32, #tpu.memory_space<vmem>>, vector<1x16xf32>,
        %mul3A_401 = arith.constant 16 : i32
        %mul3A_402 = arith.muli %scan3A_329, %mul3A_401 : i32
        %add3A_403 = arith.constant 2 : i32
        %add3A_404 = arith.addi %mul3A_402, %add3A_403 : i32
        %mul3A_405 = arith.constant 0 : i32
        %mul3A_406 = vector.broadcast %mul3A_405 : i32 to vector<16xi32>
        %mul3A_407 = arith.muli %iota3A, %mul3A_406 : vector<16xi32>
        %add3A_408 = arith.constant 2 : i32
        %add3A_409 = vector.broadcast %add3A_408 : i32 to vector<16xi32>
        %add3A_410 = arith.addi %mul3A_407, %add3A_409 : vector<16xi32>
        %lt3A_411 = arith.constant 0 : i32
        %lt3A_412 = vector.broadcast %lt3A_411 : i32 to vector<16xi32>
        %lt3A_413 = arith.cmpi slt, %add3A_410, %lt3A_412 : vector<16xi32>
        %add3A_414 = arith.constant 16 : i32
        %add3A_415 = vector.broadcast %add3A_414 : i32 to vector<16xi32>
        %add3A_416 = arith.addi %add3A_410, %add3A_415 : vector<16xi32>
        %select_n3A_417 = arith.select %lt3A_413, %add3A_416, %add3A_410 : vector<16xi1>, vector<16xi32>
        %broadcast_in_dim3A_418 = vector.shape_cast %select_n3A_417 : vector<16xi32> to vector<16x1xi32>
        %gather3A_419 = vector.shape_cast %broadcast_in_dim3A_418 : vector<16x1xi32> to vector<16xi32>
        %gather3A_420 = tpu.dynamic_gather %select_n3A_341[%gather3A_419] in [0] : vector<16xf32>, vector<16xi32> -> vector<16xf32>
        %get3A_421 = arith.index_cast %add3A_404 : i32 to index
        %get3A_422 = arith.constant 0 : index
        %get3A_423 = tpu.vector_load %arg6[%get3A_421, %get3A_422] {strides = array<i32>} : memref<3328x16xf32, #tpu.memory_space<vmem>>, vector<1x16xf32>,
        %get3A_424 = vector.shape_cast %get3A_423 : vector<1x16xf32> to vector<16xf32>
        %mul3A_425 = arith.mulf %get3A_424, %gather3A_420 : vector<16xf32>
        %swap3A_426 = arith.index_cast %add3A_404 : i32 to index
        %swap3A_427 = arith.constant 0 : index
        %swap3A_428 = tpu.vector_load %arg6[%swap3A_426, %swap3A_427] {strides = array<i32>} : memref<3328x16xf32, #tpu.memory_space<vmem>>, vector<1x16xf32>,
        %swap3A_429 = vector.shape_cast %swap3A_428 : vector<1x16xf32> to vector<16xf32>
        %swap3A_430 = vector.shape_cast %mul3A_425 : vector<16xf32> to vector<1x16xf32>
        tpu.vector_store %arg6[%swap3A_426, %swap3A_427], %swap3A_430 {strides = array<i32>} : memref<3328x16xf32, #tpu.memory_space<vmem>>, vector<1x16xf32>,
        %mul3A_431 = arith.constant 16 : i32
        %mul3A_432 = arith.muli %scan3A_329, %mul3A_431 : i32
        %add3A_433 = arith.constant 3 : i32
        %add3A_434 = arith.addi %mul3A_432, %add3A_433 : i32
        %mul3A_435 = arith.constant 0 : i32
        %mul3A_436 = vector.broadcast %mul3A_435 : i32 to vector<16xi32>
        %mul3A_437 = arith.muli %iota3A, %mul3A_436 : vector<16xi32>
        %add3A_438 = arith.constant 3 : i32
        %add3A_439 = vector.broadcast %add3A_438 : i32 to vector<16xi32>
        %add3A_440 = arith.addi %mul3A_437, %add3A_439 : vector<16xi32>
        %lt3A_441 = arith.constant 0 : i32
        %lt3A_442 = vector.broadcast %lt3A_441 : i32 to vector<16xi32>
        %lt3A_443 = arith.cmpi slt, %add3A_440, %lt3A_442 : vector<16xi32>
        %add3A_444 = arith.constant 16 : i32
        %add3A_445 = vector.broadcast %add3A_444 : i32 to vector<16xi32>
        %add3A_446 = arith.addi %add3A_440, %add3A_445 : vector<16xi32>
        %select_n3A_447 = arith.select %lt3A_443, %add3A_446, %add3A_440 : vector<16xi1>, vector<16xi32>
        %broadcast_in_dim3A_448 = vector.shape_cast %select_n3A_447 : vector<16xi32> to vector<16x1xi32>
        %gather3A_449 = vector.shape_cast %broadcast_in_dim3A_448 : vector<16x1xi32> to vector<16xi32>
        %gather3A_450 = tpu.dynamic_gather %select_n3A_341[%gather3A_449] in [0] : vector<16xf32>, vector<16xi32> -> vector<16xf32>
        %get3A_451 = arith.index_cast %add3A_434 : i32 to index
        %get3A_452 = arith.constant 0 : index
        %get3A_453 = tpu.vector_load %arg6[%get3A_451, %get3A_452] {strides = array<i32>} : memref<3328x16xf32, #tpu.memory_space<vmem>>, vector<1x16xf32>,
        %get3A_454 = vector.shape_cast %get3A_453 : vector<1x16xf32> to vector<16xf32>
        %mul3A_455 = arith.mulf %get3A_454, %gather3A_450 : vector<16xf32>
        %swap3A_456 = arith.index_cast %add3A_434 : i32 to index
        %swap3A_457 = arith.constant 0 : index
        %swap3A_458 = tpu.vector_load %arg6[%swap3A_456, %swap3A_457] {strides = array<i32>} : memref<3328x16xf32, #tpu.memory_space<vmem>>, vector<1x16xf32>,
        %swap3A_459 = vector.shape_cast %swap3A_458 : vector<1x16xf32> to vector<16xf32>
        %swap3A_460 = vector.shape_cast %mul3A_455 : vector<16xf32> to vector<1x16xf32>
        tpu.vector_store %arg6[%swap3A_456, %swap3A_457], %swap3A_460 {strides = array<i32>} : memref<3328x16xf32, #tpu.memory_space<vmem>>, vector<1x16xf32>,
        %mul3A_461 = arith.constant 16 : i32
        %mul3A_462 = arith.muli %scan3A_329, %mul3A_461 : i32
        %add3A_463 = arith.constant 4 : i32
        %add3A_464 = arith.addi %mul3A_462, %add3A_463 : i32
        %mul3A_465 = arith.constant 0 : i32
        %mul3A_466 = vector.broadcast %mul3A_465 : i32 to vector<16xi32>
        %mul3A_467 = arith.muli %iota3A, %mul3A_466 : vector<16xi32>
        %add3A_468 = arith.constant 4 : i32
        %add3A_469 = vector.broadcast %add3A_468 : i32 to vector<16xi32>
        %add3A_470 = arith.addi %mul3A_467, %add3A_469 : vector<16xi32>
        %lt3A_471 = arith.constant 0 : i32
        %lt3A_472 = vector.broadcast %lt3A_471 : i32 to vector<16xi32>
        %lt3A_473 = arith.cmpi slt, %add3A_470, %lt3A_472 : vector<16xi32>
        %add3A_474 = arith.constant 16 : i32
        %add3A_475 = vector.broadcast %add3A_474 : i32 to vector<16xi32>
        %add3A_476 = arith.addi %add3A_470, %add3A_475 : vector<16xi32>
        %select_n3A_477 = arith.select %lt3A_473, %add3A_476, %add3A_470 : vector<16xi1>, vector<16xi32>
        %broadcast_in_dim3A_478 = vector.shape_cast %select_n3A_477 : vector<16xi32> to vector<16x1xi32>
        %gather3A_479 = vector.shape_cast %broadcast_in_dim3A_478 : vector<16x1xi32> to vector<16xi32>
        %gather3A_480 = tpu.dynamic_gather %select_n3A_341[%gather3A_479] in [0] : vector<16xf32>, vector<16xi32> -> vector<16xf32>
        %get3A_481 = arith.index_cast %add3A_464 : i32 to index
        %get3A_482 = arith.constant 0 : index
        %get3A_483 = tpu.vector_load %arg6[%get3A_481, %get3A_482] {strides = array<i32>} : memref<3328x16xf32, #tpu.memory_space<vmem>>, vector<1x16xf32>,
        %get3A_484 = vector.shape_cast %get3A_483 : vector<1x16xf32> to vector<16xf32>
        %mul3A_485 = arith.mulf %get3A_484, %gather3A_480 : vector<16xf32>
        %swap3A_486 = arith.index_cast %add3A_464 : i32 to index
        %swap3A_487 = arith.constant 0 : index
        %swap3A_488 = tpu.vector_load %arg6[%swap3A_486, %swap3A_487] {strides = array<i32>} : memref<3328x16xf32, #tpu.memory_space<vmem>>, vector<1x16xf32>,
        %swap3A_489 = vector.shape_cast %swap3A_488 : vector<1x16xf32> to vector<16xf32>
        %swap3A_490 = vector.shape_cast %mul3A_485 : vector<16xf32> to vector<1x16xf32>
        tpu.vector_store %arg6[%swap3A_486, %swap3A_487], %swap3A_490 {strides = array<i32>} : memref<3328x16xf32, #tpu.memory_space<vmem>>, vector<1x16xf32>,
        %mul3A_491 = arith.constant 16 : i32
        %mul3A_492 = arith.muli %scan3A_329, %mul3A_491 : i32
        %add3A_493 = arith.constant 5 : i32
        %add3A_494 = arith.addi %mul3A_492, %add3A_493 : i32
        %mul3A_495 = arith.constant 0 : i32
        %mul3A_496 = vector.broadcast %mul3A_495 : i32 to vector<16xi32>
        %mul3A_497 = arith.muli %iota3A, %mul3A_496 : vector<16xi32>
        %add3A_498 = arith.constant 5 : i32
        %add3A_499 = vector.broadcast %add3A_498 : i32 to vector<16xi32>
        %add3A_500 = arith.addi %mul3A_497, %add3A_499 : vector<16xi32>
        %lt3A_501 = arith.constant 0 : i32
        %lt3A_502 = vector.broadcast %lt3A_501 : i32 to vector<16xi32>
        %lt3A_503 = arith.cmpi slt, %add3A_500, %lt3A_502 : vector<16xi32>
        %add3A_504 = arith.constant 16 : i32
        %add3A_505 = vector.broadcast %add3A_504 : i32 to vector<16xi32>
        %add3A_506 = arith.addi %add3A_500, %add3A_505 : vector<16xi32>
        %select_n3A_507 = arith.select %lt3A_503, %add3A_506, %add3A_500 : vector<16xi1>, vector<16xi32>
        %broadcast_in_dim3A_508 = vector.shape_cast %select_n3A_507 : vector<16xi32> to vector<16x1xi32>
        %gather3A_509 = vector.shape_cast %broadcast_in_dim3A_508 : vector<16x1xi32> to vector<16xi32>
        %gather3A_510 = tpu.dynamic_gather %select_n3A_341[%gather3A_509] in [0] : vector<16xf32>, vector<16xi32> -> vector<16xf32>
        %get3A_511 = arith.index_cast %add3A_494 : i32 to index
        %get3A_512 = arith.constant 0 : index
        %get3A_513 = tpu.vector_load %arg6[%get3A_511, %get3A_512] {strides = array<i32>} : memref<3328x16xf32, #tpu.memory_space<vmem>>, vector<1x16xf32>,
        %get3A_514 = vector.shape_cast %get3A_513 : vector<1x16xf32> to vector<16xf32>
        %mul3A_515 = arith.mulf %get3A_514, %gather3A_510 : vector<16xf32>
        %swap3A_516 = arith.index_cast %add3A_494 : i32 to index
        %swap3A_517 = arith.constant 0 : index
        %swap3A_518 = tpu.vector_load %arg6[%swap3A_516, %swap3A_517] {strides = array<i32>} : memref<3328x16xf32, #tpu.memory_space<vmem>>, vector<1x16xf32>,
        %swap3A_519 = vector.shape_cast %swap3A_518 : vector<1x16xf32> to vector<16xf32>
        %swap3A_520 = vector.shape_cast %mul3A_515 : vector<16xf32> to vector<1x16xf32>
        tpu.vector_store %arg6[%swap3A_516, %swap3A_517], %swap3A_520 {strides = array<i32>} : memref<3328x16xf32, #tpu.memory_space<vmem>>, vector<1x16xf32>,
        %mul3A_521 = arith.constant 16 : i32
        %mul3A_522 = arith.muli %scan3A_329, %mul3A_521 : i32
        %add3A_523 = arith.constant 6 : i32
        %add3A_524 = arith.addi %mul3A_522, %add3A_523 : i32
        %mul3A_525 = arith.constant 0 : i32
        %mul3A_526 = vector.broadcast %mul3A_525 : i32 to vector<16xi32>
        %mul3A_527 = arith.muli %iota3A, %mul3A_526 : vector<16xi32>
        %add3A_528 = arith.constant 6 : i32
        %add3A_529 = vector.broadcast %add3A_528 : i32 to vector<16xi32>
        %add3A_530 = arith.addi %mul3A_527, %add3A_529 : vector<16xi32>
        %lt3A_531 = arith.constant 0 : i32
        %lt3A_532 = vector.broadcast %lt3A_531 : i32 to vector<16xi32>
        %lt3A_533 = arith.cmpi slt, %add3A_530, %lt3A_532 : vector<16xi32>
        %add3A_534 = arith.constant 16 : i32
        %add3A_535 = vector.broadcast %add3A_534 : i32 to vector<16xi32>
        %add3A_536 = arith.addi %add3A_530, %add3A_535 : vector<16xi32>
        %select_n3A_537 = arith.select %lt3A_533, %add3A_536, %add3A_530 : vector<16xi1>, vector<16xi32>
        %broadcast_in_dim3A_538 = vector.shape_cast %select_n3A_537 : vector<16xi32> to vector<16x1xi32>
        %gather3A_539 = vector.shape_cast %broadcast_in_dim3A_538 : vector<16x1xi32> to vector<16xi32>
        %gather3A_540 = tpu.dynamic_gather %select_n3A_341[%gather3A_539] in [0] : vector<16xf32>, vector<16xi32> -> vector<16xf32>
        %get3A_541 = arith.index_cast %add3A_524 : i32 to index
        %get3A_542 = arith.constant 0 : index
        %get3A_543 = tpu.vector_load %arg6[%get3A_541, %get3A_542] {strides = array<i32>} : memref<3328x16xf32, #tpu.memory_space<vmem>>, vector<1x16xf32>,
        %get3A_544 = vector.shape_cast %get3A_543 : vector<1x16xf32> to vector<16xf32>
        %mul3A_545 = arith.mulf %get3A_544, %gather3A_540 : vector<16xf32>
        %swap3A_546 = arith.index_cast %add3A_524 : i32 to index
        %swap3A_547 = arith.constant 0 : index
        %swap3A_548 = tpu.vector_load %arg6[%swap3A_546, %swap3A_547] {strides = array<i32>} : memref<3328x16xf32, #tpu.memory_space<vmem>>, vector<1x16xf32>,
        %swap3A_549 = vector.shape_cast %swap3A_548 : vector<1x16xf32> to vector<16xf32>
        %swap3A_550 = vector.shape_cast %mul3A_545 : vector<16xf32> to vector<1x16xf32>
        tpu.vector_store %arg6[%swap3A_546, %swap3A_547], %swap3A_550 {strides = array<i32>} : memref<3328x16xf32, #tpu.memory_space<vmem>>, vector<1x16xf32>,
        %mul3A_551 = arith.constant 16 : i32
        %mul3A_552 = arith.muli %scan3A_329, %mul3A_551 : i32
        %add3A_553 = arith.constant 7 : i32
        %add3A_554 = arith.addi %mul3A_552, %add3A_553 : i32
        %mul3A_555 = arith.constant 0 : i32
        %mul3A_556 = vector.broadcast %mul3A_555 : i32 to vector<16xi32>
        %mul3A_557 = arith.muli %iota3A, %mul3A_556 : vector<16xi32>
        %add3A_558 = arith.constant 7 : i32
        %add3A_559 = vector.broadcast %add3A_558 : i32 to vector<16xi32>
        %add3A_560 = arith.addi %mul3A_557, %add3A_559 : vector<16xi32>
        %lt3A_561 = arith.constant 0 : i32
        %lt3A_562 = vector.broadcast %lt3A_561 : i32 to vector<16xi32>
        %lt3A_563 = arith.cmpi slt, %add3A_560, %lt3A_562 : vector<16xi32>
        %add3A_564 = arith.constant 16 : i32
        %add3A_565 = vector.broadcast %add3A_564 : i32 to vector<16xi32>
        %add3A_566 = arith.addi %add3A_560, %add3A_565 : vector<16xi32>
        %select_n3A_567 = arith.select %lt3A_563, %add3A_566, %add3A_560 : vector<16xi1>, vector<16xi32>
        %broadcast_in_dim3A_568 = vector.shape_cast %select_n3A_567 : vector<16xi32> to vector<16x1xi32>
        %gather3A_569 = vector.shape_cast %broadcast_in_dim3A_568 : vector<16x1xi32> to vector<16xi32>
        %gather3A_570 = tpu.dynamic_gather %select_n3A_341[%gather3A_569] in [0] : vector<16xf32>, vector<16xi32> -> vector<16xf32>
        %get3A_571 = arith.index_cast %add3A_554 : i32 to index
        %get3A_572 = arith.constant 0 : index
        %get3A_573 = tpu.vector_load %arg6[%get3A_571, %get3A_572] {strides = array<i32>} : memref<3328x16xf32, #tpu.memory_space<vmem>>, vector<1x16xf32>,
        %get3A_574 = vector.shape_cast %get3A_573 : vector<1x16xf32> to vector<16xf32>
        %mul3A_575 = arith.mulf %get3A_574, %gather3A_570 : vector<16xf32>
        %swap3A_576 = arith.index_cast %add3A_554 : i32 to index
        %swap3A_577 = arith.constant 0 : index
        %swap3A_578 = tpu.vector_load %arg6[%swap3A_576, %swap3A_577] {strides = array<i32>} : memref<3328x16xf32, #tpu.memory_space<vmem>>, vector<1x16xf32>,
        %swap3A_579 = vector.shape_cast %swap3A_578 : vector<1x16xf32> to vector<16xf32>
        %swap3A_580 = vector.shape_cast %mul3A_575 : vector<16xf32> to vector<1x16xf32>
        tpu.vector_store %arg6[%swap3A_576, %swap3A_577], %swap3A_580 {strides = array<i32>} : memref<3328x16xf32, #tpu.memory_space<vmem>>, vector<1x16xf32>,
        %mul3A_581 = arith.constant 16 : i32
        %mul3A_582 = arith.muli %scan3A_329, %mul3A_581 : i32
        %add3A_583 = arith.constant 8 : i32
        %add3A_584 = arith.addi %mul3A_582, %add3A_583 : i32
        %mul3A_585 = arith.constant 0 : i32
        %mul3A_586 = vector.broadcast %mul3A_585 : i32 to vector<16xi32>
        %mul3A_587 = arith.muli %iota3A, %mul3A_586 : vector<16xi32>
        %add3A_588 = arith.constant 8 : i32
        %add3A_589 = vector.broadcast %add3A_588 : i32 to vector<16xi32>
        %add3A_590 = arith.addi %mul3A_587, %add3A_589 : vector<16xi32>
        %lt3A_591 = arith.constant 0 : i32
        %lt3A_592 = vector.broadcast %lt3A_591 : i32 to vector<16xi32>
        %lt3A_593 = arith.cmpi slt, %add3A_590, %lt3A_592 : vector<16xi32>
        %add3A_594 = arith.constant 16 : i32
        %add3A_595 = vector.broadcast %add3A_594 : i32 to vector<16xi32>
        %add3A_596 = arith.addi %add3A_590, %add3A_595 : vector<16xi32>
        %select_n3A_597 = arith.select %lt3A_593, %add3A_596, %add3A_590 : vector<16xi1>, vector<16xi32>
        %broadcast_in_dim3A_598 = vector.shape_cast %select_n3A_597 : vector<16xi32> to vector<16x1xi32>
        %gather3A_599 = vector.shape_cast %broadcast_in_dim3A_598 : vector<16x1xi32> to vector<16xi32>
        %gather3A_600 = tpu.dynamic_gather %select_n3A_341[%gather3A_599] in [0] : vector<16xf32>, vector<16xi32> -> vector<16xf32>
        %get3A_601 = arith.index_cast %add3A_584 : i32 to index
        %get3A_602 = arith.constant 0 : index
        %get3A_603 = tpu.vector_load %arg6[%get3A_601, %get3A_602] {strides = array<i32>} : memref<3328x16xf32, #tpu.memory_space<vmem>>, vector<1x16xf32>,
        %get3A_604 = vector.shape_cast %get3A_603 : vector<1x16xf32> to vector<16xf32>
        %mul3A_605 = arith.mulf %get3A_604, %gather3A_600 : vector<16xf32>
        %swap3A_606 = arith.index_cast %add3A_584 : i32 to index
        %swap3A_607 = arith.constant 0 : index
        %swap3A_608 = tpu.vector_load %arg6[%swap3A_606, %swap3A_607] {strides = array<i32>} : memref<3328x16xf32, #tpu.memory_space<vmem>>, vector<1x16xf32>,
        %swap3A_609 = vector.shape_cast %swap3A_608 : vector<1x16xf32> to vector<16xf32>
        %swap3A_610 = vector.shape_cast %mul3A_605 : vector<16xf32> to vector<1x16xf32>
        tpu.vector_store %arg6[%swap3A_606, %swap3A_607], %swap3A_610 {strides = array<i32>} : memref<3328x16xf32, #tpu.memory_space<vmem>>, vector<1x16xf32>,
        %mul3A_611 = arith.constant 16 : i32
        %mul3A_612 = arith.muli %scan3A_329, %mul3A_611 : i32
        %add3A_613 = arith.constant 9 : i32
        %add3A_614 = arith.addi %mul3A_612, %add3A_613 : i32
        %mul3A_615 = arith.constant 0 : i32
        %mul3A_616 = vector.broadcast %mul3A_615 : i32 to vector<16xi32>
        %mul3A_617 = arith.muli %iota3A, %mul3A_616 : vector<16xi32>
        %add3A_618 = arith.constant 9 : i32
        %add3A_619 = vector.broadcast %add3A_618 : i32 to vector<16xi32>
        %add3A_620 = arith.addi %mul3A_617, %add3A_619 : vector<16xi32>
        %lt3A_621 = arith.constant 0 : i32
        %lt3A_622 = vector.broadcast %lt3A_621 : i32 to vector<16xi32>
        %lt3A_623 = arith.cmpi slt, %add3A_620, %lt3A_622 : vector<16xi32>
        %add3A_624 = arith.constant 16 : i32
        %add3A_625 = vector.broadcast %add3A_624 : i32 to vector<16xi32>
        %add3A_626 = arith.addi %add3A_620, %add3A_625 : vector<16xi32>
        %select_n3A_627 = arith.select %lt3A_623, %add3A_626, %add3A_620 : vector<16xi1>, vector<16xi32>
        %broadcast_in_dim3A_628 = vector.shape_cast %select_n3A_627 : vector<16xi32> to vector<16x1xi32>
        %gather3A_629 = vector.shape_cast %broadcast_in_dim3A_628 : vector<16x1xi32> to vector<16xi32>
        %gather3A_630 = tpu.dynamic_gather %select_n3A_341[%gather3A_629] in [0] : vector<16xf32>, vector<16xi32> -> vector<16xf32>
        %get3A_631 = arith.index_cast %add3A_614 : i32 to index
        %get3A_632 = arith.constant 0 : index
        %get3A_633 = tpu.vector_load %arg6[%get3A_631, %get3A_632] {strides = array<i32>} : memref<3328x16xf32, #tpu.memory_space<vmem>>, vector<1x16xf32>,
        %get3A_634 = vector.shape_cast %get3A_633 : vector<1x16xf32> to vector<16xf32>
        %mul3A_635 = arith.mulf %get3A_634, %gather3A_630 : vector<16xf32>
        %swap3A_636 = arith.index_cast %add3A_614 : i32 to index
        %swap3A_637 = arith.constant 0 : index
        %swap3A_638 = tpu.vector_load %arg6[%swap3A_636, %swap3A_637] {strides = array<i32>} : memref<3328x16xf32, #tpu.memory_space<vmem>>, vector<1x16xf32>,
        %swap3A_639 = vector.shape_cast %swap3A_638 : vector<1x16xf32> to vector<16xf32>
        %swap3A_640 = vector.shape_cast %mul3A_635 : vector<16xf32> to vector<1x16xf32>
        tpu.vector_store %arg6[%swap3A_636, %swap3A_637], %swap3A_640 {strides = array<i32>} : memref<3328x16xf32, #tpu.memory_space<vmem>>, vector<1x16xf32>,
        %mul3A_641 = arith.constant 16 : i32
        %mul3A_642 = arith.muli %scan3A_329, %mul3A_641 : i32
        %add3A_643 = arith.constant 10 : i32
        %add3A_644 = arith.addi %mul3A_642, %add3A_643 : i32
        %mul3A_645 = arith.constant 0 : i32
        %mul3A_646 = vector.broadcast %mul3A_645 : i32 to vector<16xi32>
        %mul3A_647 = arith.muli %iota3A, %mul3A_646 : vector<16xi32>
        %add3A_648 = arith.constant 10 : i32
        %add3A_649 = vector.broadcast %add3A_648 : i32 to vector<16xi32>
        %add3A_650 = arith.addi %mul3A_647, %add3A_649 : vector<16xi32>
        %lt3A_651 = arith.constant 0 : i32
        %lt3A_652 = vector.broadcast %lt3A_651 : i32 to vector<16xi32>
        %lt3A_653 = arith.cmpi slt, %add3A_650, %lt3A_652 : vector<16xi32>
        %add3A_654 = arith.constant 16 : i32
        %add3A_655 = vector.broadcast %add3A_654 : i32 to vector<16xi32>
        %add3A_656 = arith.addi %add3A_650, %add3A_655 : vector<16xi32>
        %select_n3A_657 = arith.select %lt3A_653, %add3A_656, %add3A_650 : vector<16xi1>, vector<16xi32>
        %broadcast_in_dim3A_658 = vector.shape_cast %select_n3A_657 : vector<16xi32> to vector<16x1xi32>
        %gather3A_659 = vector.shape_cast %broadcast_in_dim3A_658 : vector<16x1xi32> to vector<16xi32>
        %gather3A_660 = tpu.dynamic_gather %select_n3A_341[%gather3A_659] in [0] : vector<16xf32>, vector<16xi32> -> vector<16xf32>
        %get3A_661 = arith.index_cast %add3A_644 : i32 to index
        %get3A_662 = arith.constant 0 : index
        %get3A_663 = tpu.vector_load %arg6[%get3A_661, %get3A_662] {strides = array<i32>} : memref<3328x16xf32, #tpu.memory_space<vmem>>, vector<1x16xf32>,
        %get3A_664 = vector.shape_cast %get3A_663 : vector<1x16xf32> to vector<16xf32>
        %mul3A_665 = arith.mulf %get3A_664, %gather3A_660 : vector<16xf32>
        %swap3A_666 = arith.index_cast %add3A_644 : i32 to index
        %swap3A_667 = arith.constant 0 : index
        %swap3A_668 = tpu.vector_load %arg6[%swap3A_666, %swap3A_667] {strides = array<i32>} : memref<3328x16xf32, #tpu.memory_space<vmem>>, vector<1x16xf32>,
        %swap3A_669 = vector.shape_cast %swap3A_668 : vector<1x16xf32> to vector<16xf32>
        %swap3A_670 = vector.shape_cast %mul3A_665 : vector<16xf32> to vector<1x16xf32>
        tpu.vector_store %arg6[%swap3A_666, %swap3A_667], %swap3A_670 {strides = array<i32>} : memref<3328x16xf32, #tpu.memory_space<vmem>>, vector<1x16xf32>,
        %mul3A_671 = arith.constant 16 : i32
        %mul3A_672 = arith.muli %scan3A_329, %mul3A_671 : i32
        %add3A_673 = arith.constant 11 : i32
        %add3A_674 = arith.addi %mul3A_672, %add3A_673 : i32
        %mul3A_675 = arith.constant 0 : i32
        %mul3A_676 = vector.broadcast %mul3A_675 : i32 to vector<16xi32>
        %mul3A_677 = arith.muli %iota3A, %mul3A_676 : vector<16xi32>
        %add3A_678 = arith.constant 11 : i32
        %add3A_679 = vector.broadcast %add3A_678 : i32 to vector<16xi32>
        %add3A_680 = arith.addi %mul3A_677, %add3A_679 : vector<16xi32>
        %lt3A_681 = arith.constant 0 : i32
        %lt3A_682 = vector.broadcast %lt3A_681 : i32 to vector<16xi32>
        %lt3A_683 = arith.cmpi slt, %add3A_680, %lt3A_682 : vector<16xi32>
        %add3A_684 = arith.constant 16 : i32
        %add3A_685 = vector.broadcast %add3A_684 : i32 to vector<16xi32>
        %add3A_686 = arith.addi %add3A_680, %add3A_685 : vector<16xi32>
        %select_n3A_687 = arith.select %lt3A_683, %add3A_686, %add3A_680 : vector<16xi1>, vector<16xi32>
        %broadcast_in_dim3A_688 = vector.shape_cast %select_n3A_687 : vector<16xi32> to vector<16x1xi32>
        %gather3A_689 = vector.shape_cast %broadcast_in_dim3A_688 : vector<16x1xi32> to vector<16xi32>
        %gather3A_690 = tpu.dynamic_gather %select_n3A_341[%gather3A_689] in [0] : vector<16xf32>, vector<16xi32> -> vector<16xf32>
        %get3A_691 = arith.index_cast %add3A_674 : i32 to index
        %get3A_692 = arith.constant 0 : index
        %get3A_693 = tpu.vector_load %arg6[%get3A_691, %get3A_692] {strides = array<i32>} : memref<3328x16xf32, #tpu.memory_space<vmem>>, vector<1x16xf32>,
        %get3A_694 = vector.shape_cast %get3A_693 : vector<1x16xf32> to vector<16xf32>
        %mul3A_695 = arith.mulf %get3A_694, %gather3A_690 : vector<16xf32>
        %swap3A_696 = arith.index_cast %add3A_674 : i32 to index
        %swap3A_697 = arith.constant 0 : index
        %swap3A_698 = tpu.vector_load %arg6[%swap3A_696, %swap3A_697] {strides = array<i32>} : memref<3328x16xf32, #tpu.memory_space<vmem>>, vector<1x16xf32>,
        %swap3A_699 = vector.shape_cast %swap3A_698 : vector<1x16xf32> to vector<16xf32>
        %swap3A_700 = vector.shape_cast %mul3A_695 : vector<16xf32> to vector<1x16xf32>
        tpu.vector_store %arg6[%swap3A_696, %swap3A_697], %swap3A_700 {strides = array<i32>} : memref<3328x16xf32, #tpu.memory_space<vmem>>, vector<1x16xf32>,
        %mul3A_701 = arith.constant 16 : i32
        %mul3A_702 = arith.muli %scan3A_329, %mul3A_701 : i32
        %add3A_703 = arith.constant 12 : i32
        %add3A_704 = arith.addi %mul3A_702, %add3A_703 : i32
        %mul3A_705 = arith.constant 0 : i32
        %mul3A_706 = vector.broadcast %mul3A_705 : i32 to vector<16xi32>
        %mul3A_707 = arith.muli %iota3A, %mul3A_706 : vector<16xi32>
        %add3A_708 = arith.constant 12 : i32
        %add3A_709 = vector.broadcast %add3A_708 : i32 to vector<16xi32>
        %add3A_710 = arith.addi %mul3A_707, %add3A_709 : vector<16xi32>
        %lt3A_711 = arith.constant 0 : i32
        %lt3A_712 = vector.broadcast %lt3A_711 : i32 to vector<16xi32>
        %lt3A_713 = arith.cmpi slt, %add3A_710, %lt3A_712 : vector<16xi32>
        %add3A_714 = arith.constant 16 : i32
        %add3A_715 = vector.broadcast %add3A_714 : i32 to vector<16xi32>
        %add3A_716 = arith.addi %add3A_710, %add3A_715 : vector<16xi32>
        %select_n3A_717 = arith.select %lt3A_713, %add3A_716, %add3A_710 : vector<16xi1>, vector<16xi32>
        %broadcast_in_dim3A_718 = vector.shape_cast %select_n3A_717 : vector<16xi32> to vector<16x1xi32>
        %gather3A_719 = vector.shape_cast %broadcast_in_dim3A_718 : vector<16x1xi32> to vector<16xi32>
        %gather3A_720 = tpu.dynamic_gather %select_n3A_341[%gather3A_719] in [0] : vector<16xf32>, vector<16xi32> -> vector<16xf32>
        %get3A_721 = arith.index_cast %add3A_704 : i32 to index
        %get3A_722 = arith.constant 0 : index
        %get3A_723 = tpu.vector_load %arg6[%get3A_721, %get3A_722] {strides = array<i32>} : memref<3328x16xf32, #tpu.memory_space<vmem>>, vector<1x16xf32>,
        %get3A_724 = vector.shape_cast %get3A_723 : vector<1x16xf32> to vector<16xf32>
        %mul3A_725 = arith.mulf %get3A_724, %gather3A_720 : vector<16xf32>
        %swap3A_726 = arith.index_cast %add3A_704 : i32 to index
        %swap3A_727 = arith.constant 0 : index
        %swap3A_728 = tpu.vector_load %arg6[%swap3A_726, %swap3A_727] {strides = array<i32>} : memref<3328x16xf32, #tpu.memory_space<vmem>>, vector<1x16xf32>,
        %swap3A_729 = vector.shape_cast %swap3A_728 : vector<1x16xf32> to vector<16xf32>
        %swap3A_730 = vector.shape_cast %mul3A_725 : vector<16xf32> to vector<1x16xf32>
        tpu.vector_store %arg6[%swap3A_726, %swap3A_727], %swap3A_730 {strides = array<i32>} : memref<3328x16xf32, #tpu.memory_space<vmem>>, vector<1x16xf32>,
        %mul3A_731 = arith.constant 16 : i32
        %mul3A_732 = arith.muli %scan3A_329, %mul3A_731 : i32
        %add3A_733 = arith.constant 13 : i32
        %add3A_734 = arith.addi %mul3A_732, %add3A_733 : i32
        %mul3A_735 = arith.constant 0 : i32
        %mul3A_736 = vector.broadcast %mul3A_735 : i32 to vector<16xi32>
        %mul3A_737 = arith.muli %iota3A, %mul3A_736 : vector<16xi32>
        %add3A_738 = arith.constant 13 : i32
        %add3A_739 = vector.broadcast %add3A_738 : i32 to vector<16xi32>
        %add3A_740 = arith.addi %mul3A_737, %add3A_739 : vector<16xi32>
        %lt3A_741 = arith.constant 0 : i32
        %lt3A_742 = vector.broadcast %lt3A_741 : i32 to vector<16xi32>
        %lt3A_743 = arith.cmpi slt, %add3A_740, %lt3A_742 : vector<16xi32>
        %add3A_744 = arith.constant 16 : i32
        %add3A_745 = vector.broadcast %add3A_744 : i32 to vector<16xi32>
        %add3A_746 = arith.addi %add3A_740, %add3A_745 : vector<16xi32>
        %select_n3A_747 = arith.select %lt3A_743, %add3A_746, %add3A_740 : vector<16xi1>, vector<16xi32>
        %broadcast_in_dim3A_748 = vector.shape_cast %select_n3A_747 : vector<16xi32> to vector<16x1xi32>
        %gather3A_749 = vector.shape_cast %broadcast_in_dim3A_748 : vector<16x1xi32> to vector<16xi32>
        %gather3A_750 = tpu.dynamic_gather %select_n3A_341[%gather3A_749] in [0] : vector<16xf32>, vector<16xi32> -> vector<16xf32>
        %get3A_751 = arith.index_cast %add3A_734 : i32 to index
        %get3A_752 = arith.constant 0 : index
        %get3A_753 = tpu.vector_load %arg6[%get3A_751, %get3A_752] {strides = array<i32>} : memref<3328x16xf32, #tpu.memory_space<vmem>>, vector<1x16xf32>,
        %get3A_754 = vector.shape_cast %get3A_753 : vector<1x16xf32> to vector<16xf32>
        %mul3A_755 = arith.mulf %get3A_754, %gather3A_750 : vector<16xf32>
        %swap3A_756 = arith.index_cast %add3A_734 : i32 to index
        %swap3A_757 = arith.constant 0 : index
        %swap3A_758 = tpu.vector_load %arg6[%swap3A_756, %swap3A_757] {strides = array<i32>} : memref<3328x16xf32, #tpu.memory_space<vmem>>, vector<1x16xf32>,
        %swap3A_759 = vector.shape_cast %swap3A_758 : vector<1x16xf32> to vector<16xf32>
        %swap3A_760 = vector.shape_cast %mul3A_755 : vector<16xf32> to vector<1x16xf32>
        tpu.vector_store %arg6[%swap3A_756, %swap3A_757], %swap3A_760 {strides = array<i32>} : memref<3328x16xf32, #tpu.memory_space<vmem>>, vector<1x16xf32>,
        %mul3A_761 = arith.constant 16 : i32
        %mul3A_762 = arith.muli %scan3A_329, %mul3A_761 : i32
        %add3A_763 = arith.constant 14 : i32
        %add3A_764 = arith.addi %mul3A_762, %add3A_763 : i32
        %mul3A_765 = arith.constant 0 : i32
        %mul3A_766 = vector.broadcast %mul3A_765 : i32 to vector<16xi32>
        %mul3A_767 = arith.muli %iota3A, %mul3A_766 : vector<16xi32>
        %add3A_768 = arith.constant 14 : i32
        %add3A_769 = vector.broadcast %add3A_768 : i32 to vector<16xi32>
        %add3A_770 = arith.addi %mul3A_767, %add3A_769 : vector<16xi32>
        %lt3A_771 = arith.constant 0 : i32
        %lt3A_772 = vector.broadcast %lt3A_771 : i32 to vector<16xi32>
        %lt3A_773 = arith.cmpi slt, %add3A_770, %lt3A_772 : vector<16xi32>
        %add3A_774 = arith.constant 16 : i32
        %add3A_775 = vector.broadcast %add3A_774 : i32 to vector<16xi32>
        %add3A_776 = arith.addi %add3A_770, %add3A_775 : vector<16xi32>
        %select_n3A_777 = arith.select %lt3A_773, %add3A_776, %add3A_770 : vector<16xi1>, vector<16xi32>
        %broadcast_in_dim3A_778 = vector.shape_cast %select_n3A_777 : vector<16xi32> to vector<16x1xi32>
        %gather3A_779 = vector.shape_cast %broadcast_in_dim3A_778 : vector<16x1xi32> to vector<16xi32>
        %gather3A_780 = tpu.dynamic_gather %select_n3A_341[%gather3A_779] in [0] : vector<16xf32>, vector<16xi32> -> vector<16xf32>
        %get3A_781 = arith.index_cast %add3A_764 : i32 to index
        %get3A_782 = arith.constant 0 : index
        %get3A_783 = tpu.vector_load %arg6[%get3A_781, %get3A_782] {strides = array<i32>} : memref<3328x16xf32, #tpu.memory_space<vmem>>, vector<1x16xf32>,
        %get3A_784 = vector.shape_cast %get3A_783 : vector<1x16xf32> to vector<16xf32>
        %mul3A_785 = arith.mulf %get3A_784, %gather3A_780 : vector<16xf32>
        %swap3A_786 = arith.index_cast %add3A_764 : i32 to index
        %swap3A_787 = arith.constant 0 : index
        %swap3A_788 = tpu.vector_load %arg6[%swap3A_786, %swap3A_787] {strides = array<i32>} : memref<3328x16xf32, #tpu.memory_space<vmem>>, vector<1x16xf32>,
        %swap3A_789 = vector.shape_cast %swap3A_788 : vector<1x16xf32> to vector<16xf32>
        %swap3A_790 = vector.shape_cast %mul3A_785 : vector<16xf32> to vector<1x16xf32>
        tpu.vector_store %arg6[%swap3A_786, %swap3A_787], %swap3A_790 {strides = array<i32>} : memref<3328x16xf32, #tpu.memory_space<vmem>>, vector<1x16xf32>,
        %mul3A_791 = arith.constant 16 : i32
        %mul3A_792 = arith.muli %scan3A_329, %mul3A_791 : i32
        %add3A_793 = arith.constant 15 : i32
        %add3A_794 = arith.addi %mul3A_792, %add3A_793 : i32
        %mul3A_795 = arith.constant 0 : i32
        %mul3A_796 = vector.broadcast %mul3A_795 : i32 to vector<16xi32>
        %mul3A_797 = arith.muli %iota3A, %mul3A_796 : vector<16xi32>
        %add3A_798 = arith.constant 15 : i32
        %add3A_799 = vector.broadcast %add3A_798 : i32 to vector<16xi32>
        %add3A_800 = arith.addi %mul3A_797, %add3A_799 : vector<16xi32>
        %lt3A_801 = arith.constant 0 : i32
        %lt3A_802 = vector.broadcast %lt3A_801 : i32 to vector<16xi32>
        %lt3A_803 = arith.cmpi slt, %add3A_800, %lt3A_802 : vector<16xi32>
        %add3A_804 = arith.constant 16 : i32
        %add3A_805 = vector.broadcast %add3A_804 : i32 to vector<16xi32>
        %add3A_806 = arith.addi %add3A_800, %add3A_805 : vector<16xi32>
        %select_n3A_807 = arith.select %lt3A_803, %add3A_806, %add3A_800 : vector<16xi1>, vector<16xi32>
        %broadcast_in_dim3A_808 = vector.shape_cast %select_n3A_807 : vector<16xi32> to vector<16x1xi32>
        %gather3A_809 = vector.shape_cast %broadcast_in_dim3A_808 : vector<16x1xi32> to vector<16xi32>
        %gather3A_810 = tpu.dynamic_gather %select_n3A_341[%gather3A_809] in [0] : vector<16xf32>, vector<16xi32> -> vector<16xf32>
        %get3A_811 = arith.index_cast %add3A_794 : i32 to index
        %get3A_812 = arith.constant 0 : index
        %get3A_813 = tpu.vector_load %arg6[%get3A_811, %get3A_812] {strides = array<i32>} : memref<3328x16xf32, #tpu.memory_space<vmem>>, vector<1x16xf32>,
        %get3A_814 = vector.shape_cast %get3A_813 : vector<1x16xf32> to vector<16xf32>
        %mul3A_815 = arith.mulf %get3A_814, %gather3A_810 : vector<16xf32>
        %swap3A_816 = arith.index_cast %add3A_794 : i32 to index
        %swap3A_817 = arith.constant 0 : index
        %swap3A_818 = tpu.vector_load %arg6[%swap3A_816, %swap3A_817] {strides = array<i32>} : memref<3328x16xf32, #tpu.memory_space<vmem>>, vector<1x16xf32>,
        %swap3A_819 = vector.shape_cast %swap3A_818 : vector<1x16xf32> to vector<16xf32>
        %swap3A_820 = vector.shape_cast %mul3A_815 : vector<16xf32> to vector<1x16xf32>
        tpu.vector_store %arg6[%swap3A_816, %swap3A_817], %swap3A_820 {strides = array<i32>} : memref<3328x16xf32, #tpu.memory_space<vmem>>, vector<1x16xf32>,
      }
      %scan3A_328 = arith.constant 208 : i32
    } else {
    }
    %add3A_72 = arith.constant 0 : i32
    %add3A_73 = arith.addi %mul3A_2, %add3A_72 : i32
    "tpu.region"() ({
      %run_scoped3A = tpu.sem_alloc : memref<!tpu.dma_semaphore, #tpu.memory_space<semaphore_mem>>
      %dma_start3A_323 = arith.constant 0 : i32
      %dma_start3A_324 = tpu.memref_slice %arg4[%add3A_73, %dma_start3A_323] : memref<425984x16xf32, #tpu.memory_space<hbm>> -> memref<3328x16xf32, #tpu.memory_space<hbm>>
      %dma_start3A_325 = arith.constant 0 : i32
      %dma_start3A_326 = tpu.memref_slice %arg4[%add3A_73, %dma_start3A_325] : memref<425984x16xf32, #tpu.memory_space<hbm>> -> memref<3328x16xf32, #tpu.memory_space<hbm>>
      tpu.enqueue_dma source(%arg6 : memref<3328x16xf32, #tpu.memory_space<vmem>>) target(%dma_start3A_326 : memref<3328x16xf32, #tpu.memory_space<hbm>>) target_semaphore(%run_scoped3A : memref<!tpu.dma_semaphore, #tpu.memory_space<semaphore_mem>>)
      %dma_wait3A_327 = arith.constant 0 : i32
      %dma_wait3A_328 = tpu.memref_slice %arg4[%add3A_73, %dma_wait3A_327] : memref<425984x16xf32, #tpu.memory_space<hbm>> -> memref<3328x16xf32, #tpu.memory_space<hbm>>
      %dma_wait3A_329 = arith.constant 0 : i32
      %dma_wait3A_330 = tpu.memref_slice %arg4[%add3A_73, %dma_wait3A_329] : memref<425984x16xf32, #tpu.memory_space<hbm>> -> memref<3328x16xf32, #tpu.memory_space<hbm>>
      tpu.wait_dma2 semaphore(%run_scoped3A : memref<!tpu.dma_semaphore, #tpu.memory_space<semaphore_mem>>) src(%arg6 : memref<3328x16xf32, #tpu.memory_space<vmem>>) dst(%dma_wait3A_330 : memref<3328x16xf32, #tpu.memory_space<hbm>>)
      tpu.yield
    }) : () -> ()
    %dma_start3A_74 = arith.constant 3328 : i32
    %dma_start3A_75 = tpu.memref_slice %arg5[%dma_start3A_74] : memref<13312xi32, #tpu.memory_space<vmem>> -> memref<3328xi32, #tpu.memory_space<vmem>>
    %dma_start3A_76 = arith.constant 0 : i32
    %dma_start3A_77 = arith.constant 0 : i32
    %dma_start3A_78 = tpu.memref_slice %arg3[%dma_start3A_76, %dma_start3A_77] : memref<1000000x16xf32, #tpu.memory_space<hbm>> -> memref<1000000x16xf32, #tpu.memory_space<hbm>>
    tpu.enqueue_indirect_dma source(%dma_start3A_78 : memref<1000000x16xf32, #tpu.memory_space<hbm>>) target(%arg6 : memref<3328x16xf32, #tpu.memory_space<vmem>>) offsets(%dma_start3A_75 : memref<3328xi32, #tpu.memory_space<vmem>>) semaphore(%arg7 : memref<!tpu.dma_semaphore, #tpu.memory_space<semaphore_mem>>)
    %dma_wait3A_79 = arith.constant 3328 : i32
    %dma_wait3A_80 = tpu.memref_slice %arg5[%dma_wait3A_79] : memref<13312xi32, #tpu.memory_space<vmem>> -> memref<3328xi32, #tpu.memory_space<vmem>>
    %dma_wait3A_81 = arith.constant 0 : i32
    %dma_wait3A_82 = arith.constant 0 : i32
    %dma_wait3A_83 = tpu.memref_slice %arg3[%dma_wait3A_81, %dma_wait3A_82] : memref<1000000x16xf32, #tpu.memory_space<hbm>> -> memref<1000000x16xf32, #tpu.memory_space<hbm>>
    tpu.wait_indirect_dma semaphore(%arg7 : memref<!tpu.dma_semaphore, #tpu.memory_space<semaphore_mem>>) src(%dma_wait3A_83 : memref<1000000x16xf32, #tpu.memory_space<hbm>>) dst(%arg6 : memref<3328x16xf32, #tpu.memory_space<vmem>>)
    %broadcast_in_dim3A_84 = arith.constant 0 : i32
    %broadcast_in_dim3A_85 = vector.broadcast %broadcast_in_dim3A_84 : i32 to vector<16xi32>
    %scan3A_86 = arith.constant 0 : i32
    %scan3A_87 = arith.constant 208 : i32
    %scan3A_88 = arith.addi %scan3A_86, %scan3A_87 : i32
    %scan3A_89 = arith.constant 1 : i32
    %scan3A_90 = scf.for %scan3A_323 = %scan3A_86 to %scan3A_88 step %scan3A_89 iter_args(%scan3A_324 = %broadcast_in_dim3A_85) -> (vector<16xi32>)  : i32 {
      %mul3A_325 = arith.constant 16 : i32
      %mul3A_326 = arith.muli %scan3A_323, %mul3A_325 : i32
      %add3A_327 = arith.constant 3328 : i32
      %add3A_328 = arith.addi %add3A_327, %mul3A_326 : i32
      %get3A = arith.index_cast %add3A_328 : i32 to index
      %get3A_329 = tpu.vector_load %arg5[%get3A] {strides = array<i32>} : memref<13312xi32, #tpu.memory_space<vmem>>, vector<16xi32>,
      %get3A_330 = vector.shape_cast %get3A_329 : vector<16xi32> to vector<16xi32>
      %eq3A = arith.constant 0 : i32
      %eq3A_331 = vector.broadcast %eq3A : i32 to vector<16xi32>
      %eq3A_332 = arith.cmpi eq, %get3A_330, %eq3A_331 : vector<16xi32>
      %jit3A = arith.constant 1 : i32
      %jit3A_333 = arith.constant 0 : i32
      %broadcast_in_dim3A_334 = vector.broadcast %jit3A : i32 to vector<16xi32>
      %broadcast_in_dim3A_335 = vector.broadcast %jit3A_333 : i32 to vector<16xi32>
      %select_n3A_336 = arith.select %eq3A_332, %broadcast_in_dim3A_334, %broadcast_in_dim3A_335 : vector<16xi1>, vector<16xi32>
      %or3A_337 = arith.ori %scan3A_324, %select_n3A_336 : vector<16xi32>
      scf.yield %or3A_337 : vector<16xi32>
    }
    %scan3A_91 = arith.constant 208 : i32
    %xor3A_92 = arith.constant 8 : i32
    %xor3A_93 = vector.broadcast %xor3A_92 : i32 to vector<16xi32>
    %xor3A_94 = arith.xori %iota3A, %xor3A_93 : vector<16xi32>
    %lt3A_95 = arith.constant 0 : i32
    %lt3A_96 = vector.broadcast %lt3A_95 : i32 to vector<16xi32>
    %lt3A_97 = arith.cmpi slt, %xor3A_94, %lt3A_96 : vector<16xi32>
    %add3A_98 = arith.constant 16 : i32
    %add3A_99 = vector.broadcast %add3A_98 : i32 to vector<16xi32>
    %add3A_100 = arith.addi %xor3A_94, %add3A_99 : vector<16xi32>
    %select_n3A_101 = arith.select %lt3A_97, %add3A_100, %xor3A_94 : vector<16xi1>, vector<16xi32>
    %broadcast_in_dim3A_102 = vector.shape_cast %select_n3A_101 : vector<16xi32> to vector<16x1xi32>
    %gather3A_103 = vector.shape_cast %broadcast_in_dim3A_102 : vector<16x1xi32> to vector<16xi32>
    %gather3A_104 = tpu.dynamic_gather %scan3A_90[%gather3A_103] in [0] : vector<16xi32>, vector<16xi32> -> vector<16xi32>
    %or3A_105 = arith.ori %scan3A_90, %gather3A_104 : vector<16xi32>
    %xor3A_106 = arith.constant 4 : i32
    %xor3A_107 = vector.broadcast %xor3A_106 : i32 to vector<16xi32>
    %xor3A_108 = arith.xori %iota3A, %xor3A_107 : vector<16xi32>
    %lt3A_109 = arith.constant 0 : i32
    %lt3A_110 = vector.broadcast %lt3A_109 : i32 to vector<16xi32>
    %lt3A_111 = arith.cmpi slt, %xor3A_108, %lt3A_110 : vector<16xi32>
    %add3A_112 = arith.constant 16 : i32
    %add3A_113 = vector.broadcast %add3A_112 : i32 to vector<16xi32>
    %add3A_114 = arith.addi %xor3A_108, %add3A_113 : vector<16xi32>
    %select_n3A_115 = arith.select %lt3A_111, %add3A_114, %xor3A_108 : vector<16xi1>, vector<16xi32>
    %broadcast_in_dim3A_116 = vector.shape_cast %select_n3A_115 : vector<16xi32> to vector<16x1xi32>
    %gather3A_117 = vector.shape_cast %broadcast_in_dim3A_116 : vector<16x1xi32> to vector<16xi32>
    %gather3A_118 = tpu.dynamic_gather %or3A_105[%gather3A_117] in [0] : vector<16xi32>, vector<16xi32> -> vector<16xi32>
    %or3A_119 = arith.ori %or3A_105, %gather3A_118 : vector<16xi32>
    %xor3A_120 = arith.constant 2 : i32
    %xor3A_121 = vector.broadcast %xor3A_120 : i32 to vector<16xi32>
    %xor3A_122 = arith.xori %iota3A, %xor3A_121 : vector<16xi32>
    %lt3A_123 = arith.constant 0 : i32
    %lt3A_124 = vector.broadcast %lt3A_123 : i32 to vector<16xi32>
    %lt3A_125 = arith.cmpi slt, %xor3A_122, %lt3A_124 : vector<16xi32>
    %add3A_126 = arith.constant 16 : i32
    %add3A_127 = vector.broadcast %add3A_126 : i32 to vector<16xi32>
    %add3A_128 = arith.addi %xor3A_122, %add3A_127 : vector<16xi32>
    %select_n3A_129 = arith.select %lt3A_125, %add3A_128, %xor3A_122 : vector<16xi1>, vector<16xi32>
    %broadcast_in_dim3A_130 = vector.shape_cast %select_n3A_129 : vector<16xi32> to vector<16x1xi32>
    %gather3A_131 = vector.shape_cast %broadcast_in_dim3A_130 : vector<16x1xi32> to vector<16xi32>
    %gather3A_132 = tpu.dynamic_gather %or3A_119[%gather3A_131] in [0] : vector<16xi32>, vector<16xi32> -> vector<16xi32>
    %or3A_133 = arith.ori %or3A_119, %gather3A_132 : vector<16xi32>
    %xor3A_134 = arith.constant 1 : i32
    %xor3A_135 = vector.broadcast %xor3A_134 : i32 to vector<16xi32>
    %xor3A_136 = arith.xori %iota3A, %xor3A_135 : vector<16xi32>
    %lt3A_137 = arith.constant 0 : i32
    %lt3A_138 = vector.broadcast %lt3A_137 : i32 to vector<16xi32>
    %lt3A_139 = arith.cmpi slt, %xor3A_136, %lt3A_138 : vector<16xi32>
    %add3A_140 = arith.constant 16 : i32
    %add3A_141 = vector.broadcast %add3A_140 : i32 to vector<16xi32>
    %add3A_142 = arith.addi %xor3A_136, %add3A_141 : vector<16xi32>
    %select_n3A_143 = arith.select %lt3A_139, %add3A_142, %xor3A_136 : vector<16xi1>, vector<16xi32>
    %broadcast_in_dim3A_144 = vector.shape_cast %select_n3A_143 : vector<16xi32> to vector<16x1xi32>
    %gather3A_145 = vector.shape_cast %broadcast_in_dim3A_144 : vector<16x1xi32> to vector<16xi32>
    %gather3A_146 = tpu.dynamic_gather %or3A_133[%gather3A_145] in [0] : vector<16xi32>, vector<16xi32> -> vector<16xi32>
    %or3A_147 = arith.ori %or3A_133, %gather3A_146 : vector<16xi32>
    %slice3A_148 = vector.extract_strided_slice %or3A_147 {offsets = [0], sizes = [1], strides = [1]} : vector<16xi32> to vector<1xi32>
    %squeeze3A_149 = vector.extract %slice3A_148[0] : i32 from vector<1xi32>
    %gt3A_150 = arith.constant 0 : i32
    %gt3A_151 = arith.cmpi sgt, %squeeze3A_149, %gt3A_150 : i32
    %convert_element_type3A_152 = arith.extui %gt3A_151 : i1 to i32
    %cond3A_153 = arith.constant 0 : i32
    %cond3A_154 = arith.cmpi ne, %convert_element_type3A_152, %cond3A_153 : i32
    scf.if %cond3A_154 {
      %scan3A_323 = arith.constant 0 : i32
      %scan3A_324 = arith.constant 0 : i32
      %scan3A_325 = arith.constant 208 : i32
      %scan3A_326 = arith.addi %scan3A_324, %scan3A_325 : i32
      %scan3A_327 = arith.constant 1 : i32
      scf.for %scan3A_329 = %scan3A_324 to %scan3A_326 step %scan3A_327  : i32 {
        %mul3A_330 = arith.constant 16 : i32
        %mul3A_331 = arith.muli %scan3A_329, %mul3A_330 : i32
        %add3A_332 = arith.constant 3328 : i32
        %add3A_333 = arith.addi %add3A_332, %mul3A_331 : i32
        %get3A = arith.index_cast %add3A_333 : i32 to index
        %get3A_334 = tpu.vector_load %arg5[%get3A] {strides = array<i32>} : memref<13312xi32, #tpu.memory_space<vmem>>, vector<16xi32>,
        %get3A_335 = vector.shape_cast %get3A_334 : vector<16xi32> to vector<16xi32>
        %eq3A = arith.constant 0 : i32
        %eq3A_336 = vector.broadcast %eq3A : i32 to vector<16xi32>
        %eq3A_337 = arith.cmpi eq, %get3A_335, %eq3A_336 : vector<16xi32>
        %jit3A = arith.constant 0.000000e+00 : f32
        %jit3A_338 = arith.constant 1.000000e+00 : f32
        %broadcast_in_dim3A_339 = vector.broadcast %jit3A : f32 to vector<16xf32>
        %broadcast_in_dim3A_340 = vector.broadcast %jit3A_338 : f32 to vector<16xf32>
        %select_n3A_341 = arith.select %eq3A_337, %broadcast_in_dim3A_339, %broadcast_in_dim3A_340 : vector<16xi1>, vector<16xf32>
        %mul3A_342 = arith.constant 16 : i32
        %mul3A_343 = arith.muli %scan3A_329, %mul3A_342 : i32
        %add3A_344 = arith.constant 0 : i32
        %add3A_345 = arith.addi %mul3A_343, %add3A_344 : i32
        %mul3A_346 = arith.constant 0 : i32
        %mul3A_347 = vector.broadcast %mul3A_346 : i32 to vector<16xi32>
        %mul3A_348 = arith.muli %iota3A, %mul3A_347 : vector<16xi32>
        %add3A_349 = arith.constant 0 : i32
        %add3A_350 = vector.broadcast %add3A_349 : i32 to vector<16xi32>
        %add3A_351 = arith.addi %mul3A_348, %add3A_350 : vector<16xi32>
        %lt3A_352 = arith.constant 0 : i32
        %lt3A_353 = vector.broadcast %lt3A_352 : i32 to vector<16xi32>
        %lt3A_354 = arith.cmpi slt, %add3A_351, %lt3A_353 : vector<16xi32>
        %add3A_355 = arith.constant 16 : i32
        %add3A_356 = vector.broadcast %add3A_355 : i32 to vector<16xi32>
        %add3A_357 = arith.addi %add3A_351, %add3A_356 : vector<16xi32>
        %select_n3A_358 = arith.select %lt3A_354, %add3A_357, %add3A_351 : vector<16xi1>, vector<16xi32>
        %broadcast_in_dim3A_359 = vector.shape_cast %select_n3A_358 : vector<16xi32> to vector<16x1xi32>
        %gather3A_360 = vector.shape_cast %broadcast_in_dim3A_359 : vector<16x1xi32> to vector<16xi32>
        %gather3A_361 = tpu.dynamic_gather %select_n3A_341[%gather3A_360] in [0] : vector<16xf32>, vector<16xi32> -> vector<16xf32>
        %get3A_362 = arith.index_cast %add3A_345 : i32 to index
        %get3A_363 = arith.constant 0 : index
        %get3A_364 = tpu.vector_load %arg6[%get3A_362, %get3A_363] {strides = array<i32>} : memref<3328x16xf32, #tpu.memory_space<vmem>>, vector<1x16xf32>,
        %get3A_365 = vector.shape_cast %get3A_364 : vector<1x16xf32> to vector<16xf32>
        %mul3A_366 = arith.mulf %get3A_365, %gather3A_361 : vector<16xf32>
        %swap3A = arith.index_cast %add3A_345 : i32 to index
        %swap3A_367 = arith.constant 0 : index
        %swap3A_368 = tpu.vector_load %arg6[%swap3A, %swap3A_367] {strides = array<i32>} : memref<3328x16xf32, #tpu.memory_space<vmem>>, vector<1x16xf32>,
        %swap3A_369 = vector.shape_cast %swap3A_368 : vector<1x16xf32> to vector<16xf32>
        %swap3A_370 = vector.shape_cast %mul3A_366 : vector<16xf32> to vector<1x16xf32>
        tpu.vector_store %arg6[%swap3A, %swap3A_367], %swap3A_370 {strides = array<i32>} : memref<3328x16xf32, #tpu.memory_space<vmem>>, vector<1x16xf32>,
        %mul3A_371 = arith.constant 16 : i32
        %mul3A_372 = arith.muli %scan3A_329, %mul3A_371 : i32
        %add3A_373 = arith.constant 1 : i32
        %add3A_374 = arith.addi %mul3A_372, %add3A_373 : i32
        %mul3A_375 = arith.constant 0 : i32
        %mul3A_376 = vector.broadcast %mul3A_375 : i32 to vector<16xi32>
        %mul3A_377 = arith.muli %iota3A, %mul3A_376 : vector<16xi32>
        %add3A_378 = arith.constant 1 : i32
        %add3A_379 = vector.broadcast %add3A_378 : i32 to vector<16xi32>
        %add3A_380 = arith.addi %mul3A_377, %add3A_379 : vector<16xi32>
        %lt3A_381 = arith.constant 0 : i32
        %lt3A_382 = vector.broadcast %lt3A_381 : i32 to vector<16xi32>
        %lt3A_383 = arith.cmpi slt, %add3A_380, %lt3A_382 : vector<16xi32>
        %add3A_384 = arith.constant 16 : i32
        %add3A_385 = vector.broadcast %add3A_384 : i32 to vector<16xi32>
        %add3A_386 = arith.addi %add3A_380, %add3A_385 : vector<16xi32>
        %select_n3A_387 = arith.select %lt3A_383, %add3A_386, %add3A_380 : vector<16xi1>, vector<16xi32>
        %broadcast_in_dim3A_388 = vector.shape_cast %select_n3A_387 : vector<16xi32> to vector<16x1xi32>
        %gather3A_389 = vector.shape_cast %broadcast_in_dim3A_388 : vector<16x1xi32> to vector<16xi32>
        %gather3A_390 = tpu.dynamic_gather %select_n3A_341[%gather3A_389] in [0] : vector<16xf32>, vector<16xi32> -> vector<16xf32>
        %get3A_391 = arith.index_cast %add3A_374 : i32 to index
        %get3A_392 = arith.constant 0 : index
        %get3A_393 = tpu.vector_load %arg6[%get3A_391, %get3A_392] {strides = array<i32>} : memref<3328x16xf32, #tpu.memory_space<vmem>>, vector<1x16xf32>,
        %get3A_394 = vector.shape_cast %get3A_393 : vector<1x16xf32> to vector<16xf32>
        %mul3A_395 = arith.mulf %get3A_394, %gather3A_390 : vector<16xf32>
        %swap3A_396 = arith.index_cast %add3A_374 : i32 to index
        %swap3A_397 = arith.constant 0 : index
        %swap3A_398 = tpu.vector_load %arg6[%swap3A_396, %swap3A_397] {strides = array<i32>} : memref<3328x16xf32, #tpu.memory_space<vmem>>, vector<1x16xf32>,
        %swap3A_399 = vector.shape_cast %swap3A_398 : vector<1x16xf32> to vector<16xf32>
        %swap3A_400 = vector.shape_cast %mul3A_395 : vector<16xf32> to vector<1x16xf32>
        tpu.vector_store %arg6[%swap3A_396, %swap3A_397], %swap3A_400 {strides = array<i32>} : memref<3328x16xf32, #tpu.memory_space<vmem>>, vector<1x16xf32>,
        %mul3A_401 = arith.constant 16 : i32
        %mul3A_402 = arith.muli %scan3A_329, %mul3A_401 : i32
        %add3A_403 = arith.constant 2 : i32
        %add3A_404 = arith.addi %mul3A_402, %add3A_403 : i32
        %mul3A_405 = arith.constant 0 : i32
        %mul3A_406 = vector.broadcast %mul3A_405 : i32 to vector<16xi32>
        %mul3A_407 = arith.muli %iota3A, %mul3A_406 : vector<16xi32>
        %add3A_408 = arith.constant 2 : i32
        %add3A_409 = vector.broadcast %add3A_408 : i32 to vector<16xi32>
        %add3A_410 = arith.addi %mul3A_407, %add3A_409 : vector<16xi32>
        %lt3A_411 = arith.constant 0 : i32
        %lt3A_412 = vector.broadcast %lt3A_411 : i32 to vector<16xi32>
        %lt3A_413 = arith.cmpi slt, %add3A_410, %lt3A_412 : vector<16xi32>
        %add3A_414 = arith.constant 16 : i32
        %add3A_415 = vector.broadcast %add3A_414 : i32 to vector<16xi32>
        %add3A_416 = arith.addi %add3A_410, %add3A_415 : vector<16xi32>
        %select_n3A_417 = arith.select %lt3A_413, %add3A_416, %add3A_410 : vector<16xi1>, vector<16xi32>
        %broadcast_in_dim3A_418 = vector.shape_cast %select_n3A_417 : vector<16xi32> to vector<16x1xi32>
        %gather3A_419 = vector.shape_cast %broadcast_in_dim3A_418 : vector<16x1xi32> to vector<16xi32>
        %gather3A_420 = tpu.dynamic_gather %select_n3A_341[%gather3A_419] in [0] : vector<16xf32>, vector<16xi32> -> vector<16xf32>
        %get3A_421 = arith.index_cast %add3A_404 : i32 to index
        %get3A_422 = arith.constant 0 : index
        %get3A_423 = tpu.vector_load %arg6[%get3A_421, %get3A_422] {strides = array<i32>} : memref<3328x16xf32, #tpu.memory_space<vmem>>, vector<1x16xf32>,
        %get3A_424 = vector.shape_cast %get3A_423 : vector<1x16xf32> to vector<16xf32>
        %mul3A_425 = arith.mulf %get3A_424, %gather3A_420 : vector<16xf32>
        %swap3A_426 = arith.index_cast %add3A_404 : i32 to index
        %swap3A_427 = arith.constant 0 : index
        %swap3A_428 = tpu.vector_load %arg6[%swap3A_426, %swap3A_427] {strides = array<i32>} : memref<3328x16xf32, #tpu.memory_space<vmem>>, vector<1x16xf32>,
        %swap3A_429 = vector.shape_cast %swap3A_428 : vector<1x16xf32> to vector<16xf32>
        %swap3A_430 = vector.shape_cast %mul3A_425 : vector<16xf32> to vector<1x16xf32>
        tpu.vector_store %arg6[%swap3A_426, %swap3A_427], %swap3A_430 {strides = array<i32>} : memref<3328x16xf32, #tpu.memory_space<vmem>>, vector<1x16xf32>,
        %mul3A_431 = arith.constant 16 : i32
        %mul3A_432 = arith.muli %scan3A_329, %mul3A_431 : i32
        %add3A_433 = arith.constant 3 : i32
        %add3A_434 = arith.addi %mul3A_432, %add3A_433 : i32
        %mul3A_435 = arith.constant 0 : i32
        %mul3A_436 = vector.broadcast %mul3A_435 : i32 to vector<16xi32>
        %mul3A_437 = arith.muli %iota3A, %mul3A_436 : vector<16xi32>
        %add3A_438 = arith.constant 3 : i32
        %add3A_439 = vector.broadcast %add3A_438 : i32 to vector<16xi32>
        %add3A_440 = arith.addi %mul3A_437, %add3A_439 : vector<16xi32>
        %lt3A_441 = arith.constant 0 : i32
        %lt3A_442 = vector.broadcast %lt3A_441 : i32 to vector<16xi32>
        %lt3A_443 = arith.cmpi slt, %add3A_440, %lt3A_442 : vector<16xi32>
        %add3A_444 = arith.constant 16 : i32
        %add3A_445 = vector.broadcast %add3A_444 : i32 to vector<16xi32>
        %add3A_446 = arith.addi %add3A_440, %add3A_445 : vector<16xi32>
        %select_n3A_447 = arith.select %lt3A_443, %add3A_446, %add3A_440 : vector<16xi1>, vector<16xi32>
        %broadcast_in_dim3A_448 = vector.shape_cast %select_n3A_447 : vector<16xi32> to vector<16x1xi32>
        %gather3A_449 = vector.shape_cast %broadcast_in_dim3A_448 : vector<16x1xi32> to vector<16xi32>
        %gather3A_450 = tpu.dynamic_gather %select_n3A_341[%gather3A_449] in [0] : vector<16xf32>, vector<16xi32> -> vector<16xf32>
        %get3A_451 = arith.index_cast %add3A_434 : i32 to index
        %get3A_452 = arith.constant 0 : index
        %get3A_453 = tpu.vector_load %arg6[%get3A_451, %get3A_452] {strides = array<i32>} : memref<3328x16xf32, #tpu.memory_space<vmem>>, vector<1x16xf32>,
        %get3A_454 = vector.shape_cast %get3A_453 : vector<1x16xf32> to vector<16xf32>
        %mul3A_455 = arith.mulf %get3A_454, %gather3A_450 : vector<16xf32>
        %swap3A_456 = arith.index_cast %add3A_434 : i32 to index
        %swap3A_457 = arith.constant 0 : index
        %swap3A_458 = tpu.vector_load %arg6[%swap3A_456, %swap3A_457] {strides = array<i32>} : memref<3328x16xf32, #tpu.memory_space<vmem>>, vector<1x16xf32>,
        %swap3A_459 = vector.shape_cast %swap3A_458 : vector<1x16xf32> to vector<16xf32>
        %swap3A_460 = vector.shape_cast %mul3A_455 : vector<16xf32> to vector<1x16xf32>
        tpu.vector_store %arg6[%swap3A_456, %swap3A_457], %swap3A_460 {strides = array<i32>} : memref<3328x16xf32, #tpu.memory_space<vmem>>, vector<1x16xf32>,
        %mul3A_461 = arith.constant 16 : i32
        %mul3A_462 = arith.muli %scan3A_329, %mul3A_461 : i32
        %add3A_463 = arith.constant 4 : i32
        %add3A_464 = arith.addi %mul3A_462, %add3A_463 : i32
        %mul3A_465 = arith.constant 0 : i32
        %mul3A_466 = vector.broadcast %mul3A_465 : i32 to vector<16xi32>
        %mul3A_467 = arith.muli %iota3A, %mul3A_466 : vector<16xi32>
        %add3A_468 = arith.constant 4 : i32
        %add3A_469 = vector.broadcast %add3A_468 : i32 to vector<16xi32>
        %add3A_470 = arith.addi %mul3A_467, %add3A_469 : vector<16xi32>
        %lt3A_471 = arith.constant 0 : i32
        %lt3A_472 = vector.broadcast %lt3A_471 : i32 to vector<16xi32>
        %lt3A_473 = arith.cmpi slt, %add3A_470, %lt3A_472 : vector<16xi32>
        %add3A_474 = arith.constant 16 : i32
        %add3A_475 = vector.broadcast %add3A_474 : i32 to vector<16xi32>
        %add3A_476 = arith.addi %add3A_470, %add3A_475 : vector<16xi32>
        %select_n3A_477 = arith.select %lt3A_473, %add3A_476, %add3A_470 : vector<16xi1>, vector<16xi32>
        %broadcast_in_dim3A_478 = vector.shape_cast %select_n3A_477 : vector<16xi32> to vector<16x1xi32>
        %gather3A_479 = vector.shape_cast %broadcast_in_dim3A_478 : vector<16x1xi32> to vector<16xi32>
        %gather3A_480 = tpu.dynamic_gather %select_n3A_341[%gather3A_479] in [0] : vector<16xf32>, vector<16xi32> -> vector<16xf32>
        %get3A_481 = arith.index_cast %add3A_464 : i32 to index
        %get3A_482 = arith.constant 0 : index
        %get3A_483 = tpu.vector_load %arg6[%get3A_481, %get3A_482] {strides = array<i32>} : memref<3328x16xf32, #tpu.memory_space<vmem>>, vector<1x16xf32>,
        %get3A_484 = vector.shape_cast %get3A_483 : vector<1x16xf32> to vector<16xf32>
        %mul3A_485 = arith.mulf %get3A_484, %gather3A_480 : vector<16xf32>
        %swap3A_486 = arith.index_cast %add3A_464 : i32 to index
        %swap3A_487 = arith.constant 0 : index
        %swap3A_488 = tpu.vector_load %arg6[%swap3A_486, %swap3A_487] {strides = array<i32>} : memref<3328x16xf32, #tpu.memory_space<vmem>>, vector<1x16xf32>,
        %swap3A_489 = vector.shape_cast %swap3A_488 : vector<1x16xf32> to vector<16xf32>
        %swap3A_490 = vector.shape_cast %mul3A_485 : vector<16xf32> to vector<1x16xf32>
        tpu.vector_store %arg6[%swap3A_486, %swap3A_487], %swap3A_490 {strides = array<i32>} : memref<3328x16xf32, #tpu.memory_space<vmem>>, vector<1x16xf32>,
        %mul3A_491 = arith.constant 16 : i32
        %mul3A_492 = arith.muli %scan3A_329, %mul3A_491 : i32
        %add3A_493 = arith.constant 5 : i32
        %add3A_494 = arith.addi %mul3A_492, %add3A_493 : i32
        %mul3A_495 = arith.constant 0 : i32
        %mul3A_496 = vector.broadcast %mul3A_495 : i32 to vector<16xi32>
        %mul3A_497 = arith.muli %iota3A, %mul3A_496 : vector<16xi32>
        %add3A_498 = arith.constant 5 : i32
        %add3A_499 = vector.broadcast %add3A_498 : i32 to vector<16xi32>
        %add3A_500 = arith.addi %mul3A_497, %add3A_499 : vector<16xi32>
        %lt3A_501 = arith.constant 0 : i32
        %lt3A_502 = vector.broadcast %lt3A_501 : i32 to vector<16xi32>
        %lt3A_503 = arith.cmpi slt, %add3A_500, %lt3A_502 : vector<16xi32>
        %add3A_504 = arith.constant 16 : i32
        %add3A_505 = vector.broadcast %add3A_504 : i32 to vector<16xi32>
        %add3A_506 = arith.addi %add3A_500, %add3A_505 : vector<16xi32>
        %select_n3A_507 = arith.select %lt3A_503, %add3A_506, %add3A_500 : vector<16xi1>, vector<16xi32>
        %broadcast_in_dim3A_508 = vector.shape_cast %select_n3A_507 : vector<16xi32> to vector<16x1xi32>
        %gather3A_509 = vector.shape_cast %broadcast_in_dim3A_508 : vector<16x1xi32> to vector<16xi32>
        %gather3A_510 = tpu.dynamic_gather %select_n3A_341[%gather3A_509] in [0] : vector<16xf32>, vector<16xi32> -> vector<16xf32>
        %get3A_511 = arith.index_cast %add3A_494 : i32 to index
        %get3A_512 = arith.constant 0 : index
        %get3A_513 = tpu.vector_load %arg6[%get3A_511, %get3A_512] {strides = array<i32>} : memref<3328x16xf32, #tpu.memory_space<vmem>>, vector<1x16xf32>,
        %get3A_514 = vector.shape_cast %get3A_513 : vector<1x16xf32> to vector<16xf32>
        %mul3A_515 = arith.mulf %get3A_514, %gather3A_510 : vector<16xf32>
        %swap3A_516 = arith.index_cast %add3A_494 : i32 to index
        %swap3A_517 = arith.constant 0 : index
        %swap3A_518 = tpu.vector_load %arg6[%swap3A_516, %swap3A_517] {strides = array<i32>} : memref<3328x16xf32, #tpu.memory_space<vmem>>, vector<1x16xf32>,
        %swap3A_519 = vector.shape_cast %swap3A_518 : vector<1x16xf32> to vector<16xf32>
        %swap3A_520 = vector.shape_cast %mul3A_515 : vector<16xf32> to vector<1x16xf32>
        tpu.vector_store %arg6[%swap3A_516, %swap3A_517], %swap3A_520 {strides = array<i32>} : memref<3328x16xf32, #tpu.memory_space<vmem>>, vector<1x16xf32>,
        %mul3A_521 = arith.constant 16 : i32
        %mul3A_522 = arith.muli %scan3A_329, %mul3A_521 : i32
        %add3A_523 = arith.constant 6 : i32
        %add3A_524 = arith.addi %mul3A_522, %add3A_523 : i32
        %mul3A_525 = arith.constant 0 : i32
        %mul3A_526 = vector.broadcast %mul3A_525 : i32 to vector<16xi32>
        %mul3A_527 = arith.muli %iota3A, %mul3A_526 : vector<16xi32>
        %add3A_528 = arith.constant 6 : i32
        %add3A_529 = vector.broadcast %add3A_528 : i32 to vector<16xi32>
        %add3A_530 = arith.addi %mul3A_527, %add3A_529 : vector<16xi32>
        %lt3A_531 = arith.constant 0 : i32
        %lt3A_532 = vector.broadcast %lt3A_531 : i32 to vector<16xi32>
        %lt3A_533 = arith.cmpi slt, %add3A_530, %lt3A_532 : vector<16xi32>
        %add3A_534 = arith.constant 16 : i32
        %add3A_535 = vector.broadcast %add3A_534 : i32 to vector<16xi32>
        %add3A_536 = arith.addi %add3A_530, %add3A_535 : vector<16xi32>
        %select_n3A_537 = arith.select %lt3A_533, %add3A_536, %add3A_530 : vector<16xi1>, vector<16xi32>
        %broadcast_in_dim3A_538 = vector.shape_cast %select_n3A_537 : vector<16xi32> to vector<16x1xi32>
        %gather3A_539 = vector.shape_cast %broadcast_in_dim3A_538 : vector<16x1xi32> to vector<16xi32>
        %gather3A_540 = tpu.dynamic_gather %select_n3A_341[%gather3A_539] in [0] : vector<16xf32>, vector<16xi32> -> vector<16xf32>
        %get3A_541 = arith.index_cast %add3A_524 : i32 to index
        %get3A_542 = arith.constant 0 : index
        %get3A_543 = tpu.vector_load %arg6[%get3A_541, %get3A_542] {strides = array<i32>} : memref<3328x16xf32, #tpu.memory_space<vmem>>, vector<1x16xf32>,
        %get3A_544 = vector.shape_cast %get3A_543 : vector<1x16xf32> to vector<16xf32>
        %mul3A_545 = arith.mulf %get3A_544, %gather3A_540 : vector<16xf32>
        %swap3A_546 = arith.index_cast %add3A_524 : i32 to index
        %swap3A_547 = arith.constant 0 : index
        %swap3A_548 = tpu.vector_load %arg6[%swap3A_546, %swap3A_547] {strides = array<i32>} : memref<3328x16xf32, #tpu.memory_space<vmem>>, vector<1x16xf32>,
        %swap3A_549 = vector.shape_cast %swap3A_548 : vector<1x16xf32> to vector<16xf32>
        %swap3A_550 = vector.shape_cast %mul3A_545 : vector<16xf32> to vector<1x16xf32>
        tpu.vector_store %arg6[%swap3A_546, %swap3A_547], %swap3A_550 {strides = array<i32>} : memref<3328x16xf32, #tpu.memory_space<vmem>>, vector<1x16xf32>,
        %mul3A_551 = arith.constant 16 : i32
        %mul3A_552 = arith.muli %scan3A_329, %mul3A_551 : i32
        %add3A_553 = arith.constant 7 : i32
        %add3A_554 = arith.addi %mul3A_552, %add3A_553 : i32
        %mul3A_555 = arith.constant 0 : i32
        %mul3A_556 = vector.broadcast %mul3A_555 : i32 to vector<16xi32>
        %mul3A_557 = arith.muli %iota3A, %mul3A_556 : vector<16xi32>
        %add3A_558 = arith.constant 7 : i32
        %add3A_559 = vector.broadcast %add3A_558 : i32 to vector<16xi32>
        %add3A_560 = arith.addi %mul3A_557, %add3A_559 : vector<16xi32>
        %lt3A_561 = arith.constant 0 : i32
        %lt3A_562 = vector.broadcast %lt3A_561 : i32 to vector<16xi32>
        %lt3A_563 = arith.cmpi slt, %add3A_560, %lt3A_562 : vector<16xi32>
        %add3A_564 = arith.constant 16 : i32
        %add3A_565 = vector.broadcast %add3A_564 : i32 to vector<16xi32>
        %add3A_566 = arith.addi %add3A_560, %add3A_565 : vector<16xi32>
        %select_n3A_567 = arith.select %lt3A_563, %add3A_566, %add3A_560 : vector<16xi1>, vector<16xi32>
        %broadcast_in_dim3A_568 = vector.shape_cast %select_n3A_567 : vector<16xi32> to vector<16x1xi32>
        %gather3A_569 = vector.shape_cast %broadcast_in_dim3A_568 : vector<16x1xi32> to vector<16xi32>
        %gather3A_570 = tpu.dynamic_gather %select_n3A_341[%gather3A_569] in [0] : vector<16xf32>, vector<16xi32> -> vector<16xf32>
        %get3A_571 = arith.index_cast %add3A_554 : i32 to index
        %get3A_572 = arith.constant 0 : index
        %get3A_573 = tpu.vector_load %arg6[%get3A_571, %get3A_572] {strides = array<i32>} : memref<3328x16xf32, #tpu.memory_space<vmem>>, vector<1x16xf32>,
        %get3A_574 = vector.shape_cast %get3A_573 : vector<1x16xf32> to vector<16xf32>
        %mul3A_575 = arith.mulf %get3A_574, %gather3A_570 : vector<16xf32>
        %swap3A_576 = arith.index_cast %add3A_554 : i32 to index
        %swap3A_577 = arith.constant 0 : index
        %swap3A_578 = tpu.vector_load %arg6[%swap3A_576, %swap3A_577] {strides = array<i32>} : memref<3328x16xf32, #tpu.memory_space<vmem>>, vector<1x16xf32>,
        %swap3A_579 = vector.shape_cast %swap3A_578 : vector<1x16xf32> to vector<16xf32>
        %swap3A_580 = vector.shape_cast %mul3A_575 : vector<16xf32> to vector<1x16xf32>
        tpu.vector_store %arg6[%swap3A_576, %swap3A_577], %swap3A_580 {strides = array<i32>} : memref<3328x16xf32, #tpu.memory_space<vmem>>, vector<1x16xf32>,
        %mul3A_581 = arith.constant 16 : i32
        %mul3A_582 = arith.muli %scan3A_329, %mul3A_581 : i32
        %add3A_583 = arith.constant 8 : i32
        %add3A_584 = arith.addi %mul3A_582, %add3A_583 : i32
        %mul3A_585 = arith.constant 0 : i32
        %mul3A_586 = vector.broadcast %mul3A_585 : i32 to vector<16xi32>
        %mul3A_587 = arith.muli %iota3A, %mul3A_586 : vector<16xi32>
        %add3A_588 = arith.constant 8 : i32
        %add3A_589 = vector.broadcast %add3A_588 : i32 to vector<16xi32>
        %add3A_590 = arith.addi %mul3A_587, %add3A_589 : vector<16xi32>
        %lt3A_591 = arith.constant 0 : i32
        %lt3A_592 = vector.broadcast %lt3A_591 : i32 to vector<16xi32>
        %lt3A_593 = arith.cmpi slt, %add3A_590, %lt3A_592 : vector<16xi32>
        %add3A_594 = arith.constant 16 : i32
        %add3A_595 = vector.broadcast %add3A_594 : i32 to vector<16xi32>
        %add3A_596 = arith.addi %add3A_590, %add3A_595 : vector<16xi32>
        %select_n3A_597 = arith.select %lt3A_593, %add3A_596, %add3A_590 : vector<16xi1>, vector<16xi32>
        %broadcast_in_dim3A_598 = vector.shape_cast %select_n3A_597 : vector<16xi32> to vector<16x1xi32>
        %gather3A_599 = vector.shape_cast %broadcast_in_dim3A_598 : vector<16x1xi32> to vector<16xi32>
        %gather3A_600 = tpu.dynamic_gather %select_n3A_341[%gather3A_599] in [0] : vector<16xf32>, vector<16xi32> -> vector<16xf32>
        %get3A_601 = arith.index_cast %add3A_584 : i32 to index
        %get3A_602 = arith.constant 0 : index
        %get3A_603 = tpu.vector_load %arg6[%get3A_601, %get3A_602] {strides = array<i32>} : memref<3328x16xf32, #tpu.memory_space<vmem>>, vector<1x16xf32>,
        %get3A_604 = vector.shape_cast %get3A_603 : vector<1x16xf32> to vector<16xf32>
        %mul3A_605 = arith.mulf %get3A_604, %gather3A_600 : vector<16xf32>
        %swap3A_606 = arith.index_cast %add3A_584 : i32 to index
        %swap3A_607 = arith.constant 0 : index
        %swap3A_608 = tpu.vector_load %arg6[%swap3A_606, %swap3A_607] {strides = array<i32>} : memref<3328x16xf32, #tpu.memory_space<vmem>>, vector<1x16xf32>,
        %swap3A_609 = vector.shape_cast %swap3A_608 : vector<1x16xf32> to vector<16xf32>
        %swap3A_610 = vector.shape_cast %mul3A_605 : vector<16xf32> to vector<1x16xf32>
        tpu.vector_store %arg6[%swap3A_606, %swap3A_607], %swap3A_610 {strides = array<i32>} : memref<3328x16xf32, #tpu.memory_space<vmem>>, vector<1x16xf32>,
        %mul3A_611 = arith.constant 16 : i32
        %mul3A_612 = arith.muli %scan3A_329, %mul3A_611 : i32
        %add3A_613 = arith.constant 9 : i32
        %add3A_614 = arith.addi %mul3A_612, %add3A_613 : i32
        %mul3A_615 = arith.constant 0 : i32
        %mul3A_616 = vector.broadcast %mul3A_615 : i32 to vector<16xi32>
        %mul3A_617 = arith.muli %iota3A, %mul3A_616 : vector<16xi32>
        %add3A_618 = arith.constant 9 : i32
        %add3A_619 = vector.broadcast %add3A_618 : i32 to vector<16xi32>
        %add3A_620 = arith.addi %mul3A_617, %add3A_619 : vector<16xi32>
        %lt3A_621 = arith.constant 0 : i32
        %lt3A_622 = vector.broadcast %lt3A_621 : i32 to vector<16xi32>
        %lt3A_623 = arith.cmpi slt, %add3A_620, %lt3A_622 : vector<16xi32>
        %add3A_624 = arith.constant 16 : i32
        %add3A_625 = vector.broadcast %add3A_624 : i32 to vector<16xi32>
        %add3A_626 = arith.addi %add3A_620, %add3A_625 : vector<16xi32>
        %select_n3A_627 = arith.select %lt3A_623, %add3A_626, %add3A_620 : vector<16xi1>, vector<16xi32>
        %broadcast_in_dim3A_628 = vector.shape_cast %select_n3A_627 : vector<16xi32> to vector<16x1xi32>
        %gather3A_629 = vector.shape_cast %broadcast_in_dim3A_628 : vector<16x1xi32> to vector<16xi32>
        %gather3A_630 = tpu.dynamic_gather %select_n3A_341[%gather3A_629] in [0] : vector<16xf32>, vector<16xi32> -> vector<16xf32>
        %get3A_631 = arith.index_cast %add3A_614 : i32 to index
        %get3A_632 = arith.constant 0 : index
        %get3A_633 = tpu.vector_load %arg6[%get3A_631, %get3A_632] {strides = array<i32>} : memref<3328x16xf32, #tpu.memory_space<vmem>>, vector<1x16xf32>,
        %get3A_634 = vector.shape_cast %get3A_633 : vector<1x16xf32> to vector<16xf32>
        %mul3A_635 = arith.mulf %get3A_634, %gather3A_630 : vector<16xf32>
        %swap3A_636 = arith.index_cast %add3A_614 : i32 to index
        %swap3A_637 = arith.constant 0 : index
        %swap3A_638 = tpu.vector_load %arg6[%swap3A_636, %swap3A_637] {strides = array<i32>} : memref<3328x16xf32, #tpu.memory_space<vmem>>, vector<1x16xf32>,
        %swap3A_639 = vector.shape_cast %swap3A_638 : vector<1x16xf32> to vector<16xf32>
        %swap3A_640 = vector.shape_cast %mul3A_635 : vector<16xf32> to vector<1x16xf32>
        tpu.vector_store %arg6[%swap3A_636, %swap3A_637], %swap3A_640 {strides = array<i32>} : memref<3328x16xf32, #tpu.memory_space<vmem>>, vector<1x16xf32>,
        %mul3A_641 = arith.constant 16 : i32
        %mul3A_642 = arith.muli %scan3A_329, %mul3A_641 : i32
        %add3A_643 = arith.constant 10 : i32
        %add3A_644 = arith.addi %mul3A_642, %add3A_643 : i32
        %mul3A_645 = arith.constant 0 : i32
        %mul3A_646 = vector.broadcast %mul3A_645 : i32 to vector<16xi32>
        %mul3A_647 = arith.muli %iota3A, %mul3A_646 : vector<16xi32>
        %add3A_648 = arith.constant 10 : i32
        %add3A_649 = vector.broadcast %add3A_648 : i32 to vector<16xi32>
        %add3A_650 = arith.addi %mul3A_647, %add3A_649 : vector<16xi32>
        %lt3A_651 = arith.constant 0 : i32
        %lt3A_652 = vector.broadcast %lt3A_651 : i32 to vector<16xi32>
        %lt3A_653 = arith.cmpi slt, %add3A_650, %lt3A_652 : vector<16xi32>
        %add3A_654 = arith.constant 16 : i32
        %add3A_655 = vector.broadcast %add3A_654 : i32 to vector<16xi32>
        %add3A_656 = arith.addi %add3A_650, %add3A_655 : vector<16xi32>
        %select_n3A_657 = arith.select %lt3A_653, %add3A_656, %add3A_650 : vector<16xi1>, vector<16xi32>
        %broadcast_in_dim3A_658 = vector.shape_cast %select_n3A_657 : vector<16xi32> to vector<16x1xi32>
        %gather3A_659 = vector.shape_cast %broadcast_in_dim3A_658 : vector<16x1xi32> to vector<16xi32>
        %gather3A_660 = tpu.dynamic_gather %select_n3A_341[%gather3A_659] in [0] : vector<16xf32>, vector<16xi32> -> vector<16xf32>
        %get3A_661 = arith.index_cast %add3A_644 : i32 to index
        %get3A_662 = arith.constant 0 : index
        %get3A_663 = tpu.vector_load %arg6[%get3A_661, %get3A_662] {strides = array<i32>} : memref<3328x16xf32, #tpu.memory_space<vmem>>, vector<1x16xf32>,
        %get3A_664 = vector.shape_cast %get3A_663 : vector<1x16xf32> to vector<16xf32>
        %mul3A_665 = arith.mulf %get3A_664, %gather3A_660 : vector<16xf32>
        %swap3A_666 = arith.index_cast %add3A_644 : i32 to index
        %swap3A_667 = arith.constant 0 : index
        %swap3A_668 = tpu.vector_load %arg6[%swap3A_666, %swap3A_667] {strides = array<i32>} : memref<3328x16xf32, #tpu.memory_space<vmem>>, vector<1x16xf32>,
        %swap3A_669 = vector.shape_cast %swap3A_668 : vector<1x16xf32> to vector<16xf32>
        %swap3A_670 = vector.shape_cast %mul3A_665 : vector<16xf32> to vector<1x16xf32>
        tpu.vector_store %arg6[%swap3A_666, %swap3A_667], %swap3A_670 {strides = array<i32>} : memref<3328x16xf32, #tpu.memory_space<vmem>>, vector<1x16xf32>,
        %mul3A_671 = arith.constant 16 : i32
        %mul3A_672 = arith.muli %scan3A_329, %mul3A_671 : i32
        %add3A_673 = arith.constant 11 : i32
        %add3A_674 = arith.addi %mul3A_672, %add3A_673 : i32
        %mul3A_675 = arith.constant 0 : i32
        %mul3A_676 = vector.broadcast %mul3A_675 : i32 to vector<16xi32>
        %mul3A_677 = arith.muli %iota3A, %mul3A_676 : vector<16xi32>
        %add3A_678 = arith.constant 11 : i32
        %add3A_679 = vector.broadcast %add3A_678 : i32 to vector<16xi32>
        %add3A_680 = arith.addi %mul3A_677, %add3A_679 : vector<16xi32>
        %lt3A_681 = arith.constant 0 : i32
        %lt3A_682 = vector.broadcast %lt3A_681 : i32 to vector<16xi32>
        %lt3A_683 = arith.cmpi slt, %add3A_680, %lt3A_682 : vector<16xi32>
        %add3A_684 = arith.constant 16 : i32
        %add3A_685 = vector.broadcast %add3A_684 : i32 to vector<16xi32>
        %add3A_686 = arith.addi %add3A_680, %add3A_685 : vector<16xi32>
        %select_n3A_687 = arith.select %lt3A_683, %add3A_686, %add3A_680 : vector<16xi1>, vector<16xi32>
        %broadcast_in_dim3A_688 = vector.shape_cast %select_n3A_687 : vector<16xi32> to vector<16x1xi32>
        %gather3A_689 = vector.shape_cast %broadcast_in_dim3A_688 : vector<16x1xi32> to vector<16xi32>
        %gather3A_690 = tpu.dynamic_gather %select_n3A_341[%gather3A_689] in [0] : vector<16xf32>, vector<16xi32> -> vector<16xf32>
        %get3A_691 = arith.index_cast %add3A_674 : i32 to index
        %get3A_692 = arith.constant 0 : index
        %get3A_693 = tpu.vector_load %arg6[%get3A_691, %get3A_692] {strides = array<i32>} : memref<3328x16xf32, #tpu.memory_space<vmem>>, vector<1x16xf32>,
        %get3A_694 = vector.shape_cast %get3A_693 : vector<1x16xf32> to vector<16xf32>
        %mul3A_695 = arith.mulf %get3A_694, %gather3A_690 : vector<16xf32>
        %swap3A_696 = arith.index_cast %add3A_674 : i32 to index
        %swap3A_697 = arith.constant 0 : index
        %swap3A_698 = tpu.vector_load %arg6[%swap3A_696, %swap3A_697] {strides = array<i32>} : memref<3328x16xf32, #tpu.memory_space<vmem>>, vector<1x16xf32>,
        %swap3A_699 = vector.shape_cast %swap3A_698 : vector<1x16xf32> to vector<16xf32>
        %swap3A_700 = vector.shape_cast %mul3A_695 : vector<16xf32> to vector<1x16xf32>
        tpu.vector_store %arg6[%swap3A_696, %swap3A_697], %swap3A_700 {strides = array<i32>} : memref<3328x16xf32, #tpu.memory_space<vmem>>, vector<1x16xf32>,
        %mul3A_701 = arith.constant 16 : i32
        %mul3A_702 = arith.muli %scan3A_329, %mul3A_701 : i32
        %add3A_703 = arith.constant 12 : i32
        %add3A_704 = arith.addi %mul3A_702, %add3A_703 : i32
        %mul3A_705 = arith.constant 0 : i32
        %mul3A_706 = vector.broadcast %mul3A_705 : i32 to vector<16xi32>
        %mul3A_707 = arith.muli %iota3A, %mul3A_706 : vector<16xi32>
        %add3A_708 = arith.constant 12 : i32
        %add3A_709 = vector.broadcast %add3A_708 : i32 to vector<16xi32>
        %add3A_710 = arith.addi %mul3A_707, %add3A_709 : vector<16xi32>
        %lt3A_711 = arith.constant 0 : i32
        %lt3A_712 = vector.broadcast %lt3A_711 : i32 to vector<16xi32>
        %lt3A_713 = arith.cmpi slt, %add3A_710, %lt3A_712 : vector<16xi32>
        %add3A_714 = arith.constant 16 : i32
        %add3A_715 = vector.broadcast %add3A_714 : i32 to vector<16xi32>
        %add3A_716 = arith.addi %add3A_710, %add3A_715 : vector<16xi32>
        %select_n3A_717 = arith.select %lt3A_713, %add3A_716, %add3A_710 : vector<16xi1>, vector<16xi32>
        %broadcast_in_dim3A_718 = vector.shape_cast %select_n3A_717 : vector<16xi32> to vector<16x1xi32>
        %gather3A_719 = vector.shape_cast %broadcast_in_dim3A_718 : vector<16x1xi32> to vector<16xi32>
        %gather3A_720 = tpu.dynamic_gather %select_n3A_341[%gather3A_719] in [0] : vector<16xf32>, vector<16xi32> -> vector<16xf32>
        %get3A_721 = arith.index_cast %add3A_704 : i32 to index
        %get3A_722 = arith.constant 0 : index
        %get3A_723 = tpu.vector_load %arg6[%get3A_721, %get3A_722] {strides = array<i32>} : memref<3328x16xf32, #tpu.memory_space<vmem>>, vector<1x16xf32>,
        %get3A_724 = vector.shape_cast %get3A_723 : vector<1x16xf32> to vector<16xf32>
        %mul3A_725 = arith.mulf %get3A_724, %gather3A_720 : vector<16xf32>
        %swap3A_726 = arith.index_cast %add3A_704 : i32 to index
        %swap3A_727 = arith.constant 0 : index
        %swap3A_728 = tpu.vector_load %arg6[%swap3A_726, %swap3A_727] {strides = array<i32>} : memref<3328x16xf32, #tpu.memory_space<vmem>>, vector<1x16xf32>,
        %swap3A_729 = vector.shape_cast %swap3A_728 : vector<1x16xf32> to vector<16xf32>
        %swap3A_730 = vector.shape_cast %mul3A_725 : vector<16xf32> to vector<1x16xf32>
        tpu.vector_store %arg6[%swap3A_726, %swap3A_727], %swap3A_730 {strides = array<i32>} : memref<3328x16xf32, #tpu.memory_space<vmem>>, vector<1x16xf32>,
        %mul3A_731 = arith.constant 16 : i32
        %mul3A_732 = arith.muli %scan3A_329, %mul3A_731 : i32
        %add3A_733 = arith.constant 13 : i32
        %add3A_734 = arith.addi %mul3A_732, %add3A_733 : i32
        %mul3A_735 = arith.constant 0 : i32
        %mul3A_736 = vector.broadcast %mul3A_735 : i32 to vector<16xi32>
        %mul3A_737 = arith.muli %iota3A, %mul3A_736 : vector<16xi32>
        %add3A_738 = arith.constant 13 : i32
        %add3A_739 = vector.broadcast %add3A_738 : i32 to vector<16xi32>
        %add3A_740 = arith.addi %mul3A_737, %add3A_739 : vector<16xi32>
        %lt3A_741 = arith.constant 0 : i32
        %lt3A_742 = vector.broadcast %lt3A_741 : i32 to vector<16xi32>
        %lt3A_743 = arith.cmpi slt, %add3A_740, %lt3A_742 : vector<16xi32>
        %add3A_744 = arith.constant 16 : i32
        %add3A_745 = vector.broadcast %add3A_744 : i32 to vector<16xi32>
        %add3A_746 = arith.addi %add3A_740, %add3A_745 : vector<16xi32>
        %select_n3A_747 = arith.select %lt3A_743, %add3A_746, %add3A_740 : vector<16xi1>, vector<16xi32>
        %broadcast_in_dim3A_748 = vector.shape_cast %select_n3A_747 : vector<16xi32> to vector<16x1xi32>
        %gather3A_749 = vector.shape_cast %broadcast_in_dim3A_748 : vector<16x1xi32> to vector<16xi32>
        %gather3A_750 = tpu.dynamic_gather %select_n3A_341[%gather3A_749] in [0] : vector<16xf32>, vector<16xi32> -> vector<16xf32>
        %get3A_751 = arith.index_cast %add3A_734 : i32 to index
        %get3A_752 = arith.constant 0 : index
        %get3A_753 = tpu.vector_load %arg6[%get3A_751, %get3A_752] {strides = array<i32>} : memref<3328x16xf32, #tpu.memory_space<vmem>>, vector<1x16xf32>,
        %get3A_754 = vector.shape_cast %get3A_753 : vector<1x16xf32> to vector<16xf32>
        %mul3A_755 = arith.mulf %get3A_754, %gather3A_750 : vector<16xf32>
        %swap3A_756 = arith.index_cast %add3A_734 : i32 to index
        %swap3A_757 = arith.constant 0 : index
        %swap3A_758 = tpu.vector_load %arg6[%swap3A_756, %swap3A_757] {strides = array<i32>} : memref<3328x16xf32, #tpu.memory_space<vmem>>, vector<1x16xf32>,
        %swap3A_759 = vector.shape_cast %swap3A_758 : vector<1x16xf32> to vector<16xf32>
        %swap3A_760 = vector.shape_cast %mul3A_755 : vector<16xf32> to vector<1x16xf32>
        tpu.vector_store %arg6[%swap3A_756, %swap3A_757], %swap3A_760 {strides = array<i32>} : memref<3328x16xf32, #tpu.memory_space<vmem>>, vector<1x16xf32>,
        %mul3A_761 = arith.constant 16 : i32
        %mul3A_762 = arith.muli %scan3A_329, %mul3A_761 : i32
        %add3A_763 = arith.constant 14 : i32
        %add3A_764 = arith.addi %mul3A_762, %add3A_763 : i32
        %mul3A_765 = arith.constant 0 : i32
        %mul3A_766 = vector.broadcast %mul3A_765 : i32 to vector<16xi32>
        %mul3A_767 = arith.muli %iota3A, %mul3A_766 : vector<16xi32>
        %add3A_768 = arith.constant 14 : i32
        %add3A_769 = vector.broadcast %add3A_768 : i32 to vector<16xi32>
        %add3A_770 = arith.addi %mul3A_767, %add3A_769 : vector<16xi32>
        %lt3A_771 = arith.constant 0 : i32
        %lt3A_772 = vector.broadcast %lt3A_771 : i32 to vector<16xi32>
        %lt3A_773 = arith.cmpi slt, %add3A_770, %lt3A_772 : vector<16xi32>
        %add3A_774 = arith.constant 16 : i32
        %add3A_775 = vector.broadcast %add3A_774 : i32 to vector<16xi32>
        %add3A_776 = arith.addi %add3A_770, %add3A_775 : vector<16xi32>
        %select_n3A_777 = arith.select %lt3A_773, %add3A_776, %add3A_770 : vector<16xi1>, vector<16xi32>
        %broadcast_in_dim3A_778 = vector.shape_cast %select_n3A_777 : vector<16xi32> to vector<16x1xi32>
        %gather3A_779 = vector.shape_cast %broadcast_in_dim3A_778 : vector<16x1xi32> to vector<16xi32>
        %gather3A_780 = tpu.dynamic_gather %select_n3A_341[%gather3A_779] in [0] : vector<16xf32>, vector<16xi32> -> vector<16xf32>
        %get3A_781 = arith.index_cast %add3A_764 : i32 to index
        %get3A_782 = arith.constant 0 : index
        %get3A_783 = tpu.vector_load %arg6[%get3A_781, %get3A_782] {strides = array<i32>} : memref<3328x16xf32, #tpu.memory_space<vmem>>, vector<1x16xf32>,
        %get3A_784 = vector.shape_cast %get3A_783 : vector<1x16xf32> to vector<16xf32>
        %mul3A_785 = arith.mulf %get3A_784, %gather3A_780 : vector<16xf32>
        %swap3A_786 = arith.index_cast %add3A_764 : i32 to index
        %swap3A_787 = arith.constant 0 : index
        %swap3A_788 = tpu.vector_load %arg6[%swap3A_786, %swap3A_787] {strides = array<i32>} : memref<3328x16xf32, #tpu.memory_space<vmem>>, vector<1x16xf32>,
        %swap3A_789 = vector.shape_cast %swap3A_788 : vector<1x16xf32> to vector<16xf32>
        %swap3A_790 = vector.shape_cast %mul3A_785 : vector<16xf32> to vector<1x16xf32>
        tpu.vector_store %arg6[%swap3A_786, %swap3A_787], %swap3A_790 {strides = array<i32>} : memref<3328x16xf32, #tpu.memory_space<vmem>>, vector<1x16xf32>,
        %mul3A_791 = arith.constant 16 : i32
        %mul3A_792 = arith.muli %scan3A_329, %mul3A_791 : i32
        %add3A_793 = arith.constant 15 : i32
        %add3A_794 = arith.addi %mul3A_792, %add3A_793 : i32
        %mul3A_795 = arith.constant 0 : i32
        %mul3A_796 = vector.broadcast %mul3A_795 : i32 to vector<16xi32>
        %mul3A_797 = arith.muli %iota3A, %mul3A_796 : vector<16xi32>
        %add3A_798 = arith.constant 15 : i32
        %add3A_799 = vector.broadcast %add3A_798 : i32 to vector<16xi32>
        %add3A_800 = arith.addi %mul3A_797, %add3A_799 : vector<16xi32>
        %lt3A_801 = arith.constant 0 : i32
        %lt3A_802 = vector.broadcast %lt3A_801 : i32 to vector<16xi32>
        %lt3A_803 = arith.cmpi slt, %add3A_800, %lt3A_802 : vector<16xi32>
        %add3A_804 = arith.constant 16 : i32
        %add3A_805 = vector.broadcast %add3A_804 : i32 to vector<16xi32>
        %add3A_806 = arith.addi %add3A_800, %add3A_805 : vector<16xi32>
        %select_n3A_807 = arith.select %lt3A_803, %add3A_806, %add3A_800 : vector<16xi1>, vector<16xi32>
        %broadcast_in_dim3A_808 = vector.shape_cast %select_n3A_807 : vector<16xi32> to vector<16x1xi32>
        %gather3A_809 = vector.shape_cast %broadcast_in_dim3A_808 : vector<16x1xi32> to vector<16xi32>
        %gather3A_810 = tpu.dynamic_gather %select_n3A_341[%gather3A_809] in [0] : vector<16xf32>, vector<16xi32> -> vector<16xf32>
        %get3A_811 = arith.index_cast %add3A_794 : i32 to index
        %get3A_812 = arith.constant 0 : index
        %get3A_813 = tpu.vector_load %arg6[%get3A_811, %get3A_812] {strides = array<i32>} : memref<3328x16xf32, #tpu.memory_space<vmem>>, vector<1x16xf32>,
        %get3A_814 = vector.shape_cast %get3A_813 : vector<1x16xf32> to vector<16xf32>
        %mul3A_815 = arith.mulf %get3A_814, %gather3A_810 : vector<16xf32>
        %swap3A_816 = arith.index_cast %add3A_794 : i32 to index
        %swap3A_817 = arith.constant 0 : index
        %swap3A_818 = tpu.vector_load %arg6[%swap3A_816, %swap3A_817] {strides = array<i32>} : memref<3328x16xf32, #tpu.memory_space<vmem>>, vector<1x16xf32>,
        %swap3A_819 = vector.shape_cast %swap3A_818 : vector<1x16xf32> to vector<16xf32>
        %swap3A_820 = vector.shape_cast %mul3A_815 : vector<16xf32> to vector<1x16xf32>
        tpu.vector_store %arg6[%swap3A_816, %swap3A_817], %swap3A_820 {strides = array<i32>} : memref<3328x16xf32, #tpu.memory_space<vmem>>, vector<1x16xf32>,
      }
      %scan3A_328 = arith.constant 208 : i32
    } else {
    }
    %add3A_155 = arith.constant 3328 : i32
    %add3A_156 = arith.addi %mul3A_2, %add3A_155 : i32
    "tpu.region"() ({
      %run_scoped3A = tpu.sem_alloc : memref<!tpu.dma_semaphore, #tpu.memory_space<semaphore_mem>>
      %dma_start3A_323 = arith.constant 0 : i32
      %dma_start3A_324 = tpu.memref_slice %arg4[%add3A_156, %dma_start3A_323] : memref<425984x16xf32, #tpu.memory_space<hbm>> -> memref<3328x16xf32, #tpu.memory_space<hbm>>
      %dma_start3A_325 = arith.constant 0 : i32
      %dma_start3A_326 = tpu.memref_slice %arg4[%add3A_156, %dma_start3A_325] : memref<425984x16xf32, #tpu.memory_space<hbm>> -> memref<3328x16xf32, #tpu.memory_space<hbm>>
      tpu.enqueue_dma source(%arg6 : memref<3328x16xf32, #tpu.memory_space<vmem>>) target(%dma_start3A_326 : memref<3328x16xf32, #tpu.memory_space<hbm>>) target_semaphore(%run_scoped3A : memref<!tpu.dma_semaphore, #tpu.memory_space<semaphore_mem>>)
      %dma_wait3A_327 = arith.constant 0 : i32
      %dma_wait3A_328 = tpu.memref_slice %arg4[%add3A_156, %dma_wait3A_327] : memref<425984x16xf32, #tpu.memory_space<hbm>> -> memref<3328x16xf32, #tpu.memory_space<hbm>>
      %dma_wait3A_329 = arith.constant 0 : i32
      %dma_wait3A_330 = tpu.memref_slice %arg4[%add3A_156, %dma_wait3A_329] : memref<425984x16xf32, #tpu.memory_space<hbm>> -> memref<3328x16xf32, #tpu.memory_space<hbm>>
      tpu.wait_dma2 semaphore(%run_scoped3A : memref<!tpu.dma_semaphore, #tpu.memory_space<semaphore_mem>>) src(%arg6 : memref<3328x16xf32, #tpu.memory_space<vmem>>) dst(%dma_wait3A_330 : memref<3328x16xf32, #tpu.memory_space<hbm>>)
      tpu.yield
    }) : () -> ()
    %dma_start3A_157 = arith.constant 6656 : i32
    %dma_start3A_158 = tpu.memref_slice %arg5[%dma_start3A_157] : memref<13312xi32, #tpu.memory_space<vmem>> -> memref<3328xi32, #tpu.memory_space<vmem>>
    %dma_start3A_159 = arith.constant 0 : i32
    %dma_start3A_160 = arith.constant 0 : i32
    %dma_start3A_161 = tpu.memref_slice %arg3[%dma_start3A_159, %dma_start3A_160] : memref<1000000x16xf32, #tpu.memory_space<hbm>> -> memref<1000000x16xf32, #tpu.memory_space<hbm>>
    tpu.enqueue_indirect_dma source(%dma_start3A_161 : memref<1000000x16xf32, #tpu.memory_space<hbm>>) target(%arg6 : memref<3328x16xf32, #tpu.memory_space<vmem>>) offsets(%dma_start3A_158 : memref<3328xi32, #tpu.memory_space<vmem>>) semaphore(%arg7 : memref<!tpu.dma_semaphore, #tpu.memory_space<semaphore_mem>>)
    %dma_wait3A_162 = arith.constant 6656 : i32
    %dma_wait3A_163 = tpu.memref_slice %arg5[%dma_wait3A_162] : memref<13312xi32, #tpu.memory_space<vmem>> -> memref<3328xi32, #tpu.memory_space<vmem>>
    %dma_wait3A_164 = arith.constant 0 : i32
    %dma_wait3A_165 = arith.constant 0 : i32
    %dma_wait3A_166 = tpu.memref_slice %arg3[%dma_wait3A_164, %dma_wait3A_165] : memref<1000000x16xf32, #tpu.memory_space<hbm>> -> memref<1000000x16xf32, #tpu.memory_space<hbm>>
    tpu.wait_indirect_dma semaphore(%arg7 : memref<!tpu.dma_semaphore, #tpu.memory_space<semaphore_mem>>) src(%dma_wait3A_166 : memref<1000000x16xf32, #tpu.memory_space<hbm>>) dst(%arg6 : memref<3328x16xf32, #tpu.memory_space<vmem>>)
    %broadcast_in_dim3A_167 = arith.constant 0 : i32
    %broadcast_in_dim3A_168 = vector.broadcast %broadcast_in_dim3A_167 : i32 to vector<16xi32>
    %scan3A_169 = arith.constant 0 : i32
    %scan3A_170 = arith.constant 208 : i32
    %scan3A_171 = arith.addi %scan3A_169, %scan3A_170 : i32
    %scan3A_172 = arith.constant 1 : i32
    %scan3A_173 = scf.for %scan3A_323 = %scan3A_169 to %scan3A_171 step %scan3A_172 iter_args(%scan3A_324 = %broadcast_in_dim3A_168) -> (vector<16xi32>)  : i32 {
      %mul3A_325 = arith.constant 16 : i32
      %mul3A_326 = arith.muli %scan3A_323, %mul3A_325 : i32
      %add3A_327 = arith.constant 6656 : i32
      %add3A_328 = arith.addi %add3A_327, %mul3A_326 : i32
      %get3A = arith.index_cast %add3A_328 : i32 to index
      %get3A_329 = tpu.vector_load %arg5[%get3A] {strides = array<i32>} : memref<13312xi32, #tpu.memory_space<vmem>>, vector<16xi32>,
      %get3A_330 = vector.shape_cast %get3A_329 : vector<16xi32> to vector<16xi32>
      %eq3A = arith.constant 0 : i32
      %eq3A_331 = vector.broadcast %eq3A : i32 to vector<16xi32>
      %eq3A_332 = arith.cmpi eq, %get3A_330, %eq3A_331 : vector<16xi32>
      %jit3A = arith.constant 1 : i32
      %jit3A_333 = arith.constant 0 : i32
      %broadcast_in_dim3A_334 = vector.broadcast %jit3A : i32 to vector<16xi32>
      %broadcast_in_dim3A_335 = vector.broadcast %jit3A_333 : i32 to vector<16xi32>
      %select_n3A_336 = arith.select %eq3A_332, %broadcast_in_dim3A_334, %broadcast_in_dim3A_335 : vector<16xi1>, vector<16xi32>
      %or3A_337 = arith.ori %scan3A_324, %select_n3A_336 : vector<16xi32>
      scf.yield %or3A_337 : vector<16xi32>
    }
    %scan3A_174 = arith.constant 208 : i32
    %xor3A_175 = arith.constant 8 : i32
    %xor3A_176 = vector.broadcast %xor3A_175 : i32 to vector<16xi32>
    %xor3A_177 = arith.xori %iota3A, %xor3A_176 : vector<16xi32>
    %lt3A_178 = arith.constant 0 : i32
    %lt3A_179 = vector.broadcast %lt3A_178 : i32 to vector<16xi32>
    %lt3A_180 = arith.cmpi slt, %xor3A_177, %lt3A_179 : vector<16xi32>
    %add3A_181 = arith.constant 16 : i32
    %add3A_182 = vector.broadcast %add3A_181 : i32 to vector<16xi32>
    %add3A_183 = arith.addi %xor3A_177, %add3A_182 : vector<16xi32>
    %select_n3A_184 = arith.select %lt3A_180, %add3A_183, %xor3A_177 : vector<16xi1>, vector<16xi32>
    %broadcast_in_dim3A_185 = vector.shape_cast %select_n3A_184 : vector<16xi32> to vector<16x1xi32>
    %gather3A_186 = vector.shape_cast %broadcast_in_dim3A_185 : vector<16x1xi32> to vector<16xi32>
    %gather3A_187 = tpu.dynamic_gather %scan3A_173[%gather3A_186] in [0] : vector<16xi32>, vector<16xi32> -> vector<16xi32>
    %or3A_188 = arith.ori %scan3A_173, %gather3A_187 : vector<16xi32>
    %xor3A_189 = arith.constant 4 : i32
    %xor3A_190 = vector.broadcast %xor3A_189 : i32 to vector<16xi32>
    %xor3A_191 = arith.xori %iota3A, %xor3A_190 : vector<16xi32>
    %lt3A_192 = arith.constant 0 : i32
    %lt3A_193 = vector.broadcast %lt3A_192 : i32 to vector<16xi32>
    %lt3A_194 = arith.cmpi slt, %xor3A_191, %lt3A_193 : vector<16xi32>
    %add3A_195 = arith.constant 16 : i32
    %add3A_196 = vector.broadcast %add3A_195 : i32 to vector<16xi32>
    %add3A_197 = arith.addi %xor3A_191, %add3A_196 : vector<16xi32>
    %select_n3A_198 = arith.select %lt3A_194, %add3A_197, %xor3A_191 : vector<16xi1>, vector<16xi32>
    %broadcast_in_dim3A_199 = vector.shape_cast %select_n3A_198 : vector<16xi32> to vector<16x1xi32>
    %gather3A_200 = vector.shape_cast %broadcast_in_dim3A_199 : vector<16x1xi32> to vector<16xi32>
    %gather3A_201 = tpu.dynamic_gather %or3A_188[%gather3A_200] in [0] : vector<16xi32>, vector<16xi32> -> vector<16xi32>
    %or3A_202 = arith.ori %or3A_188, %gather3A_201 : vector<16xi32>
    %xor3A_203 = arith.constant 2 : i32
    %xor3A_204 = vector.broadcast %xor3A_203 : i32 to vector<16xi32>
    %xor3A_205 = arith.xori %iota3A, %xor3A_204 : vector<16xi32>
    %lt3A_206 = arith.constant 0 : i32
    %lt3A_207 = vector.broadcast %lt3A_206 : i32 to vector<16xi32>
    %lt3A_208 = arith.cmpi slt, %xor3A_205, %lt3A_207 : vector<16xi32>
    %add3A_209 = arith.constant 16 : i32
    %add3A_210 = vector.broadcast %add3A_209 : i32 to vector<16xi32>
    %add3A_211 = arith.addi %xor3A_205, %add3A_210 : vector<16xi32>
    %select_n3A_212 = arith.select %lt3A_208, %add3A_211, %xor3A_205 : vector<16xi1>, vector<16xi32>
    %broadcast_in_dim3A_213 = vector.shape_cast %select_n3A_212 : vector<16xi32> to vector<16x1xi32>
    %gather3A_214 = vector.shape_cast %broadcast_in_dim3A_213 : vector<16x1xi32> to vector<16xi32>
    %gather3A_215 = tpu.dynamic_gather %or3A_202[%gather3A_214] in [0] : vector<16xi32>, vector<16xi32> -> vector<16xi32>
    %or3A_216 = arith.ori %or3A_202, %gather3A_215 : vector<16xi32>
    %xor3A_217 = arith.constant 1 : i32
    %xor3A_218 = vector.broadcast %xor3A_217 : i32 to vector<16xi32>
    %xor3A_219 = arith.xori %iota3A, %xor3A_218 : vector<16xi32>
    %lt3A_220 = arith.constant 0 : i32
    %lt3A_221 = vector.broadcast %lt3A_220 : i32 to vector<16xi32>
    %lt3A_222 = arith.cmpi slt, %xor3A_219, %lt3A_221 : vector<16xi32>
    %add3A_223 = arith.constant 16 : i32
    %add3A_224 = vector.broadcast %add3A_223 : i32 to vector<16xi32>
    %add3A_225 = arith.addi %xor3A_219, %add3A_224 : vector<16xi32>
    %select_n3A_226 = arith.select %lt3A_222, %add3A_225, %xor3A_219 : vector<16xi1>, vector<16xi32>
    %broadcast_in_dim3A_227 = vector.shape_cast %select_n3A_226 : vector<16xi32> to vector<16x1xi32>
    %gather3A_228 = vector.shape_cast %broadcast_in_dim3A_227 : vector<16x1xi32> to vector<16xi32>
    %gather3A_229 = tpu.dynamic_gather %or3A_216[%gather3A_228] in [0] : vector<16xi32>, vector<16xi32> -> vector<16xi32>
    %or3A_230 = arith.ori %or3A_216, %gather3A_229 : vector<16xi32>
    %slice3A_231 = vector.extract_strided_slice %or3A_230 {offsets = [0], sizes = [1], strides = [1]} : vector<16xi32> to vector<1xi32>
    %squeeze3A_232 = vector.extract %slice3A_231[0] : i32 from vector<1xi32>
    %gt3A_233 = arith.constant 0 : i32
    %gt3A_234 = arith.cmpi sgt, %squeeze3A_232, %gt3A_233 : i32
    %convert_element_type3A_235 = arith.extui %gt3A_234 : i1 to i32
    %cond3A_236 = arith.constant 0 : i32
    %cond3A_237 = arith.cmpi ne, %convert_element_type3A_235, %cond3A_236 : i32
    scf.if %cond3A_237 {
      %scan3A_323 = arith.constant 0 : i32
      %scan3A_324 = arith.constant 0 : i32
      %scan3A_325 = arith.constant 208 : i32
      %scan3A_326 = arith.addi %scan3A_324, %scan3A_325 : i32
      %scan3A_327 = arith.constant 1 : i32
      scf.for %scan3A_329 = %scan3A_324 to %scan3A_326 step %scan3A_327  : i32 {
        %mul3A_330 = arith.constant 16 : i32
        %mul3A_331 = arith.muli %scan3A_329, %mul3A_330 : i32
        %add3A_332 = arith.constant 6656 : i32
        %add3A_333 = arith.addi %add3A_332, %mul3A_331 : i32
        %get3A = arith.index_cast %add3A_333 : i32 to index
        %get3A_334 = tpu.vector_load %arg5[%get3A] {strides = array<i32>} : memref<13312xi32, #tpu.memory_space<vmem>>, vector<16xi32>,
        %get3A_335 = vector.shape_cast %get3A_334 : vector<16xi32> to vector<16xi32>
        %eq3A = arith.constant 0 : i32
        %eq3A_336 = vector.broadcast %eq3A : i32 to vector<16xi32>
        %eq3A_337 = arith.cmpi eq, %get3A_335, %eq3A_336 : vector<16xi32>
        %jit3A = arith.constant 0.000000e+00 : f32
        %jit3A_338 = arith.constant 1.000000e+00 : f32
        %broadcast_in_dim3A_339 = vector.broadcast %jit3A : f32 to vector<16xf32>
        %broadcast_in_dim3A_340 = vector.broadcast %jit3A_338 : f32 to vector<16xf32>
        %select_n3A_341 = arith.select %eq3A_337, %broadcast_in_dim3A_339, %broadcast_in_dim3A_340 : vector<16xi1>, vector<16xf32>
        %mul3A_342 = arith.constant 16 : i32
        %mul3A_343 = arith.muli %scan3A_329, %mul3A_342 : i32
        %add3A_344 = arith.constant 0 : i32
        %add3A_345 = arith.addi %mul3A_343, %add3A_344 : i32
        %mul3A_346 = arith.constant 0 : i32
        %mul3A_347 = vector.broadcast %mul3A_346 : i32 to vector<16xi32>
        %mul3A_348 = arith.muli %iota3A, %mul3A_347 : vector<16xi32>
        %add3A_349 = arith.constant 0 : i32
        %add3A_350 = vector.broadcast %add3A_349 : i32 to vector<16xi32>
        %add3A_351 = arith.addi %mul3A_348, %add3A_350 : vector<16xi32>
        %lt3A_352 = arith.constant 0 : i32
        %lt3A_353 = vector.broadcast %lt3A_352 : i32 to vector<16xi32>
        %lt3A_354 = arith.cmpi slt, %add3A_351, %lt3A_353 : vector<16xi32>
        %add3A_355 = arith.constant 16 : i32
        %add3A_356 = vector.broadcast %add3A_355 : i32 to vector<16xi32>
        %add3A_357 = arith.addi %add3A_351, %add3A_356 : vector<16xi32>
        %select_n3A_358 = arith.select %lt3A_354, %add3A_357, %add3A_351 : vector<16xi1>, vector<16xi32>
        %broadcast_in_dim3A_359 = vector.shape_cast %select_n3A_358 : vector<16xi32> to vector<16x1xi32>
        %gather3A_360 = vector.shape_cast %broadcast_in_dim3A_359 : vector<16x1xi32> to vector<16xi32>
        %gather3A_361 = tpu.dynamic_gather %select_n3A_341[%gather3A_360] in [0] : vector<16xf32>, vector<16xi32> -> vector<16xf32>
        %get3A_362 = arith.index_cast %add3A_345 : i32 to index
        %get3A_363 = arith.constant 0 : index
        %get3A_364 = tpu.vector_load %arg6[%get3A_362, %get3A_363] {strides = array<i32>} : memref<3328x16xf32, #tpu.memory_space<vmem>>, vector<1x16xf32>,
        %get3A_365 = vector.shape_cast %get3A_364 : vector<1x16xf32> to vector<16xf32>
        %mul3A_366 = arith.mulf %get3A_365, %gather3A_361 : vector<16xf32>
        %swap3A = arith.index_cast %add3A_345 : i32 to index
        %swap3A_367 = arith.constant 0 : index
        %swap3A_368 = tpu.vector_load %arg6[%swap3A, %swap3A_367] {strides = array<i32>} : memref<3328x16xf32, #tpu.memory_space<vmem>>, vector<1x16xf32>,
        %swap3A_369 = vector.shape_cast %swap3A_368 : vector<1x16xf32> to vector<16xf32>
        %swap3A_370 = vector.shape_cast %mul3A_366 : vector<16xf32> to vector<1x16xf32>
        tpu.vector_store %arg6[%swap3A, %swap3A_367], %swap3A_370 {strides = array<i32>} : memref<3328x16xf32, #tpu.memory_space<vmem>>, vector<1x16xf32>,
        %mul3A_371 = arith.constant 16 : i32
        %mul3A_372 = arith.muli %scan3A_329, %mul3A_371 : i32
        %add3A_373 = arith.constant 1 : i32
        %add3A_374 = arith.addi %mul3A_372, %add3A_373 : i32
        %mul3A_375 = arith.constant 0 : i32
        %mul3A_376 = vector.broadcast %mul3A_375 : i32 to vector<16xi32>
        %mul3A_377 = arith.muli %iota3A, %mul3A_376 : vector<16xi32>
        %add3A_378 = arith.constant 1 : i32
        %add3A_379 = vector.broadcast %add3A_378 : i32 to vector<16xi32>
        %add3A_380 = arith.addi %mul3A_377, %add3A_379 : vector<16xi32>
        %lt3A_381 = arith.constant 0 : i32
        %lt3A_382 = vector.broadcast %lt3A_381 : i32 to vector<16xi32>
        %lt3A_383 = arith.cmpi slt, %add3A_380, %lt3A_382 : vector<16xi32>
        %add3A_384 = arith.constant 16 : i32
        %add3A_385 = vector.broadcast %add3A_384 : i32 to vector<16xi32>
        %add3A_386 = arith.addi %add3A_380, %add3A_385 : vector<16xi32>
        %select_n3A_387 = arith.select %lt3A_383, %add3A_386, %add3A_380 : vector<16xi1>, vector<16xi32>
        %broadcast_in_dim3A_388 = vector.shape_cast %select_n3A_387 : vector<16xi32> to vector<16x1xi32>
        %gather3A_389 = vector.shape_cast %broadcast_in_dim3A_388 : vector<16x1xi32> to vector<16xi32>
        %gather3A_390 = tpu.dynamic_gather %select_n3A_341[%gather3A_389] in [0] : vector<16xf32>, vector<16xi32> -> vector<16xf32>
        %get3A_391 = arith.index_cast %add3A_374 : i32 to index
        %get3A_392 = arith.constant 0 : index
        %get3A_393 = tpu.vector_load %arg6[%get3A_391, %get3A_392] {strides = array<i32>} : memref<3328x16xf32, #tpu.memory_space<vmem>>, vector<1x16xf32>,
        %get3A_394 = vector.shape_cast %get3A_393 : vector<1x16xf32> to vector<16xf32>
        %mul3A_395 = arith.mulf %get3A_394, %gather3A_390 : vector<16xf32>
        %swap3A_396 = arith.index_cast %add3A_374 : i32 to index
        %swap3A_397 = arith.constant 0 : index
        %swap3A_398 = tpu.vector_load %arg6[%swap3A_396, %swap3A_397] {strides = array<i32>} : memref<3328x16xf32, #tpu.memory_space<vmem>>, vector<1x16xf32>,
        %swap3A_399 = vector.shape_cast %swap3A_398 : vector<1x16xf32> to vector<16xf32>
        %swap3A_400 = vector.shape_cast %mul3A_395 : vector<16xf32> to vector<1x16xf32>
        tpu.vector_store %arg6[%swap3A_396, %swap3A_397], %swap3A_400 {strides = array<i32>} : memref<3328x16xf32, #tpu.memory_space<vmem>>, vector<1x16xf32>,
        %mul3A_401 = arith.constant 16 : i32
        %mul3A_402 = arith.muli %scan3A_329, %mul3A_401 : i32
        %add3A_403 = arith.constant 2 : i32
        %add3A_404 = arith.addi %mul3A_402, %add3A_403 : i32
        %mul3A_405 = arith.constant 0 : i32
        %mul3A_406 = vector.broadcast %mul3A_405 : i32 to vector<16xi32>
        %mul3A_407 = arith.muli %iota3A, %mul3A_406 : vector<16xi32>
        %add3A_408 = arith.constant 2 : i32
        %add3A_409 = vector.broadcast %add3A_408 : i32 to vector<16xi32>
        %add3A_410 = arith.addi %mul3A_407, %add3A_409 : vector<16xi32>
        %lt3A_411 = arith.constant 0 : i32
        %lt3A_412 = vector.broadcast %lt3A_411 : i32 to vector<16xi32>
        %lt3A_413 = arith.cmpi slt, %add3A_410, %lt3A_412 : vector<16xi32>
        %add3A_414 = arith.constant 16 : i32
        %add3A_415 = vector.broadcast %add3A_414 : i32 to vector<16xi32>
        %add3A_416 = arith.addi %add3A_410, %add3A_415 : vector<16xi32>
        %select_n3A_417 = arith.select %lt3A_413, %add3A_416, %add3A_410 : vector<16xi1>, vector<16xi32>
        %broadcast_in_dim3A_418 = vector.shape_cast %select_n3A_417 : vector<16xi32> to vector<16x1xi32>
        %gather3A_419 = vector.shape_cast %broadcast_in_dim3A_418 : vector<16x1xi32> to vector<16xi32>
        %gather3A_420 = tpu.dynamic_gather %select_n3A_341[%gather3A_419] in [0] : vector<16xf32>, vector<16xi32> -> vector<16xf32>
        %get3A_421 = arith.index_cast %add3A_404 : i32 to index
        %get3A_422 = arith.constant 0 : index
        %get3A_423 = tpu.vector_load %arg6[%get3A_421, %get3A_422] {strides = array<i32>} : memref<3328x16xf32, #tpu.memory_space<vmem>>, vector<1x16xf32>,
        %get3A_424 = vector.shape_cast %get3A_423 : vector<1x16xf32> to vector<16xf32>
        %mul3A_425 = arith.mulf %get3A_424, %gather3A_420 : vector<16xf32>
        %swap3A_426 = arith.index_cast %add3A_404 : i32 to index
        %swap3A_427 = arith.constant 0 : index
        %swap3A_428 = tpu.vector_load %arg6[%swap3A_426, %swap3A_427] {strides = array<i32>} : memref<3328x16xf32, #tpu.memory_space<vmem>>, vector<1x16xf32>,
        %swap3A_429 = vector.shape_cast %swap3A_428 : vector<1x16xf32> to vector<16xf32>
        %swap3A_430 = vector.shape_cast %mul3A_425 : vector<16xf32> to vector<1x16xf32>
        tpu.vector_store %arg6[%swap3A_426, %swap3A_427], %swap3A_430 {strides = array<i32>} : memref<3328x16xf32, #tpu.memory_space<vmem>>, vector<1x16xf32>,
        %mul3A_431 = arith.constant 16 : i32
        %mul3A_432 = arith.muli %scan3A_329, %mul3A_431 : i32
        %add3A_433 = arith.constant 3 : i32
        %add3A_434 = arith.addi %mul3A_432, %add3A_433 : i32
        %mul3A_435 = arith.constant 0 : i32
        %mul3A_436 = vector.broadcast %mul3A_435 : i32 to vector<16xi32>
        %mul3A_437 = arith.muli %iota3A, %mul3A_436 : vector<16xi32>
        %add3A_438 = arith.constant 3 : i32
        %add3A_439 = vector.broadcast %add3A_438 : i32 to vector<16xi32>
        %add3A_440 = arith.addi %mul3A_437, %add3A_439 : vector<16xi32>
        %lt3A_441 = arith.constant 0 : i32
        %lt3A_442 = vector.broadcast %lt3A_441 : i32 to vector<16xi32>
        %lt3A_443 = arith.cmpi slt, %add3A_440, %lt3A_442 : vector<16xi32>
        %add3A_444 = arith.constant 16 : i32
        %add3A_445 = vector.broadcast %add3A_444 : i32 to vector<16xi32>
        %add3A_446 = arith.addi %add3A_440, %add3A_445 : vector<16xi32>
        %select_n3A_447 = arith.select %lt3A_443, %add3A_446, %add3A_440 : vector<16xi1>, vector<16xi32>
        %broadcast_in_dim3A_448 = vector.shape_cast %select_n3A_447 : vector<16xi32> to vector<16x1xi32>
        %gather3A_449 = vector.shape_cast %broadcast_in_dim3A_448 : vector<16x1xi32> to vector<16xi32>
        %gather3A_450 = tpu.dynamic_gather %select_n3A_341[%gather3A_449] in [0] : vector<16xf32>, vector<16xi32> -> vector<16xf32>
        %get3A_451 = arith.index_cast %add3A_434 : i32 to index
        %get3A_452 = arith.constant 0 : index
        %get3A_453 = tpu.vector_load %arg6[%get3A_451, %get3A_452] {strides = array<i32>} : memref<3328x16xf32, #tpu.memory_space<vmem>>, vector<1x16xf32>,
        %get3A_454 = vector.shape_cast %get3A_453 : vector<1x16xf32> to vector<16xf32>
        %mul3A_455 = arith.mulf %get3A_454, %gather3A_450 : vector<16xf32>
        %swap3A_456 = arith.index_cast %add3A_434 : i32 to index
        %swap3A_457 = arith.constant 0 : index
        %swap3A_458 = tpu.vector_load %arg6[%swap3A_456, %swap3A_457] {strides = array<i32>} : memref<3328x16xf32, #tpu.memory_space<vmem>>, vector<1x16xf32>,
        %swap3A_459 = vector.shape_cast %swap3A_458 : vector<1x16xf32> to vector<16xf32>
        %swap3A_460 = vector.shape_cast %mul3A_455 : vector<16xf32> to vector<1x16xf32>
        tpu.vector_store %arg6[%swap3A_456, %swap3A_457], %swap3A_460 {strides = array<i32>} : memref<3328x16xf32, #tpu.memory_space<vmem>>, vector<1x16xf32>,
        %mul3A_461 = arith.constant 16 : i32
        %mul3A_462 = arith.muli %scan3A_329, %mul3A_461 : i32
        %add3A_463 = arith.constant 4 : i32
        %add3A_464 = arith.addi %mul3A_462, %add3A_463 : i32
        %mul3A_465 = arith.constant 0 : i32
        %mul3A_466 = vector.broadcast %mul3A_465 : i32 to vector<16xi32>
        %mul3A_467 = arith.muli %iota3A, %mul3A_466 : vector<16xi32>
        %add3A_468 = arith.constant 4 : i32
        %add3A_469 = vector.broadcast %add3A_468 : i32 to vector<16xi32>
        %add3A_470 = arith.addi %mul3A_467, %add3A_469 : vector<16xi32>
        %lt3A_471 = arith.constant 0 : i32
        %lt3A_472 = vector.broadcast %lt3A_471 : i32 to vector<16xi32>
        %lt3A_473 = arith.cmpi slt, %add3A_470, %lt3A_472 : vector<16xi32>
        %add3A_474 = arith.constant 16 : i32
        %add3A_475 = vector.broadcast %add3A_474 : i32 to vector<16xi32>
        %add3A_476 = arith.addi %add3A_470, %add3A_475 : vector<16xi32>
        %select_n3A_477 = arith.select %lt3A_473, %add3A_476, %add3A_470 : vector<16xi1>, vector<16xi32>
        %broadcast_in_dim3A_478 = vector.shape_cast %select_n3A_477 : vector<16xi32> to vector<16x1xi32>
        %gather3A_479 = vector.shape_cast %broadcast_in_dim3A_478 : vector<16x1xi32> to vector<16xi32>
        %gather3A_480 = tpu.dynamic_gather %select_n3A_341[%gather3A_479] in [0] : vector<16xf32>, vector<16xi32> -> vector<16xf32>
        %get3A_481 = arith.index_cast %add3A_464 : i32 to index
        %get3A_482 = arith.constant 0 : index
        %get3A_483 = tpu.vector_load %arg6[%get3A_481, %get3A_482] {strides = array<i32>} : memref<3328x16xf32, #tpu.memory_space<vmem>>, vector<1x16xf32>,
        %get3A_484 = vector.shape_cast %get3A_483 : vector<1x16xf32> to vector<16xf32>
        %mul3A_485 = arith.mulf %get3A_484, %gather3A_480 : vector<16xf32>
        %swap3A_486 = arith.index_cast %add3A_464 : i32 to index
        %swap3A_487 = arith.constant 0 : index
        %swap3A_488 = tpu.vector_load %arg6[%swap3A_486, %swap3A_487] {strides = array<i32>} : memref<3328x16xf32, #tpu.memory_space<vmem>>, vector<1x16xf32>,
        %swap3A_489 = vector.shape_cast %swap3A_488 : vector<1x16xf32> to vector<16xf32>
        %swap3A_490 = vector.shape_cast %mul3A_485 : vector<16xf32> to vector<1x16xf32>
        tpu.vector_store %arg6[%swap3A_486, %swap3A_487], %swap3A_490 {strides = array<i32>} : memref<3328x16xf32, #tpu.memory_space<vmem>>, vector<1x16xf32>,
        %mul3A_491 = arith.constant 16 : i32
        %mul3A_492 = arith.muli %scan3A_329, %mul3A_491 : i32
        %add3A_493 = arith.constant 5 : i32
        %add3A_494 = arith.addi %mul3A_492, %add3A_493 : i32
        %mul3A_495 = arith.constant 0 : i32
        %mul3A_496 = vector.broadcast %mul3A_495 : i32 to vector<16xi32>
        %mul3A_497 = arith.muli %iota3A, %mul3A_496 : vector<16xi32>
        %add3A_498 = arith.constant 5 : i32
        %add3A_499 = vector.broadcast %add3A_498 : i32 to vector<16xi32>
        %add3A_500 = arith.addi %mul3A_497, %add3A_499 : vector<16xi32>
        %lt3A_501 = arith.constant 0 : i32
        %lt3A_502 = vector.broadcast %lt3A_501 : i32 to vector<16xi32>
        %lt3A_503 = arith.cmpi slt, %add3A_500, %lt3A_502 : vector<16xi32>
        %add3A_504 = arith.constant 16 : i32
        %add3A_505 = vector.broadcast %add3A_504 : i32 to vector<16xi32>
        %add3A_506 = arith.addi %add3A_500, %add3A_505 : vector<16xi32>
        %select_n3A_507 = arith.select %lt3A_503, %add3A_506, %add3A_500 : vector<16xi1>, vector<16xi32>
        %broadcast_in_dim3A_508 = vector.shape_cast %select_n3A_507 : vector<16xi32> to vector<16x1xi32>
        %gather3A_509 = vector.shape_cast %broadcast_in_dim3A_508 : vector<16x1xi32> to vector<16xi32>
        %gather3A_510 = tpu.dynamic_gather %select_n3A_341[%gather3A_509] in [0] : vector<16xf32>, vector<16xi32> -> vector<16xf32>
        %get3A_511 = arith.index_cast %add3A_494 : i32 to index
        %get3A_512 = arith.constant 0 : index
        %get3A_513 = tpu.vector_load %arg6[%get3A_511, %get3A_512] {strides = array<i32>} : memref<3328x16xf32, #tpu.memory_space<vmem>>, vector<1x16xf32>,
        %get3A_514 = vector.shape_cast %get3A_513 : vector<1x16xf32> to vector<16xf32>
        %mul3A_515 = arith.mulf %get3A_514, %gather3A_510 : vector<16xf32>
        %swap3A_516 = arith.index_cast %add3A_494 : i32 to index
        %swap3A_517 = arith.constant 0 : index
        %swap3A_518 = tpu.vector_load %arg6[%swap3A_516, %swap3A_517] {strides = array<i32>} : memref<3328x16xf32, #tpu.memory_space<vmem>>, vector<1x16xf32>,
        %swap3A_519 = vector.shape_cast %swap3A_518 : vector<1x16xf32> to vector<16xf32>
        %swap3A_520 = vector.shape_cast %mul3A_515 : vector<16xf32> to vector<1x16xf32>
        tpu.vector_store %arg6[%swap3A_516, %swap3A_517], %swap3A_520 {strides = array<i32>} : memref<3328x16xf32, #tpu.memory_space<vmem>>, vector<1x16xf32>,
        %mul3A_521 = arith.constant 16 : i32
        %mul3A_522 = arith.muli %scan3A_329, %mul3A_521 : i32
        %add3A_523 = arith.constant 6 : i32
        %add3A_524 = arith.addi %mul3A_522, %add3A_523 : i32
        %mul3A_525 = arith.constant 0 : i32
        %mul3A_526 = vector.broadcast %mul3A_525 : i32 to vector<16xi32>
        %mul3A_527 = arith.muli %iota3A, %mul3A_526 : vector<16xi32>
        %add3A_528 = arith.constant 6 : i32
        %add3A_529 = vector.broadcast %add3A_528 : i32 to vector<16xi32>
        %add3A_530 = arith.addi %mul3A_527, %add3A_529 : vector<16xi32>
        %lt3A_531 = arith.constant 0 : i32
        %lt3A_532 = vector.broadcast %lt3A_531 : i32 to vector<16xi32>
        %lt3A_533 = arith.cmpi slt, %add3A_530, %lt3A_532 : vector<16xi32>
        %add3A_534 = arith.constant 16 : i32
        %add3A_535 = vector.broadcast %add3A_534 : i32 to vector<16xi32>
        %add3A_536 = arith.addi %add3A_530, %add3A_535 : vector<16xi32>
        %select_n3A_537 = arith.select %lt3A_533, %add3A_536, %add3A_530 : vector<16xi1>, vector<16xi32>
        %broadcast_in_dim3A_538 = vector.shape_cast %select_n3A_537 : vector<16xi32> to vector<16x1xi32>
        %gather3A_539 = vector.shape_cast %broadcast_in_dim3A_538 : vector<16x1xi32> to vector<16xi32>
        %gather3A_540 = tpu.dynamic_gather %select_n3A_341[%gather3A_539] in [0] : vector<16xf32>, vector<16xi32> -> vector<16xf32>
        %get3A_541 = arith.index_cast %add3A_524 : i32 to index
        %get3A_542 = arith.constant 0 : index
        %get3A_543 = tpu.vector_load %arg6[%get3A_541, %get3A_542] {strides = array<i32>} : memref<3328x16xf32, #tpu.memory_space<vmem>>, vector<1x16xf32>,
        %get3A_544 = vector.shape_cast %get3A_543 : vector<1x16xf32> to vector<16xf32>
        %mul3A_545 = arith.mulf %get3A_544, %gather3A_540 : vector<16xf32>
        %swap3A_546 = arith.index_cast %add3A_524 : i32 to index
        %swap3A_547 = arith.constant 0 : index
        %swap3A_548 = tpu.vector_load %arg6[%swap3A_546, %swap3A_547] {strides = array<i32>} : memref<3328x16xf32, #tpu.memory_space<vmem>>, vector<1x16xf32>,
        %swap3A_549 = vector.shape_cast %swap3A_548 : vector<1x16xf32> to vector<16xf32>
        %swap3A_550 = vector.shape_cast %mul3A_545 : vector<16xf32> to vector<1x16xf32>
        tpu.vector_store %arg6[%swap3A_546, %swap3A_547], %swap3A_550 {strides = array<i32>} : memref<3328x16xf32, #tpu.memory_space<vmem>>, vector<1x16xf32>,
        %mul3A_551 = arith.constant 16 : i32
        %mul3A_552 = arith.muli %scan3A_329, %mul3A_551 : i32
        %add3A_553 = arith.constant 7 : i32
        %add3A_554 = arith.addi %mul3A_552, %add3A_553 : i32
        %mul3A_555 = arith.constant 0 : i32
        %mul3A_556 = vector.broadcast %mul3A_555 : i32 to vector<16xi32>
        %mul3A_557 = arith.muli %iota3A, %mul3A_556 : vector<16xi32>
        %add3A_558 = arith.constant 7 : i32
        %add3A_559 = vector.broadcast %add3A_558 : i32 to vector<16xi32>
        %add3A_560 = arith.addi %mul3A_557, %add3A_559 : vector<16xi32>
        %lt3A_561 = arith.constant 0 : i32
        %lt3A_562 = vector.broadcast %lt3A_561 : i32 to vector<16xi32>
        %lt3A_563 = arith.cmpi slt, %add3A_560, %lt3A_562 : vector<16xi32>
        %add3A_564 = arith.constant 16 : i32
        %add3A_565 = vector.broadcast %add3A_564 : i32 to vector<16xi32>
        %add3A_566 = arith.addi %add3A_560, %add3A_565 : vector<16xi32>
        %select_n3A_567 = arith.select %lt3A_563, %add3A_566, %add3A_560 : vector<16xi1>, vector<16xi32>
        %broadcast_in_dim3A_568 = vector.shape_cast %select_n3A_567 : vector<16xi32> to vector<16x1xi32>
        %gather3A_569 = vector.shape_cast %broadcast_in_dim3A_568 : vector<16x1xi32> to vector<16xi32>
        %gather3A_570 = tpu.dynamic_gather %select_n3A_341[%gather3A_569] in [0] : vector<16xf32>, vector<16xi32> -> vector<16xf32>
        %get3A_571 = arith.index_cast %add3A_554 : i32 to index
        %get3A_572 = arith.constant 0 : index
        %get3A_573 = tpu.vector_load %arg6[%get3A_571, %get3A_572] {strides = array<i32>} : memref<3328x16xf32, #tpu.memory_space<vmem>>, vector<1x16xf32>,
        %get3A_574 = vector.shape_cast %get3A_573 : vector<1x16xf32> to vector<16xf32>
        %mul3A_575 = arith.mulf %get3A_574, %gather3A_570 : vector<16xf32>
        %swap3A_576 = arith.index_cast %add3A_554 : i32 to index
        %swap3A_577 = arith.constant 0 : index
        %swap3A_578 = tpu.vector_load %arg6[%swap3A_576, %swap3A_577] {strides = array<i32>} : memref<3328x16xf32, #tpu.memory_space<vmem>>, vector<1x16xf32>,
        %swap3A_579 = vector.shape_cast %swap3A_578 : vector<1x16xf32> to vector<16xf32>
        %swap3A_580 = vector.shape_cast %mul3A_575 : vector<16xf32> to vector<1x16xf32>
        tpu.vector_store %arg6[%swap3A_576, %swap3A_577], %swap3A_580 {strides = array<i32>} : memref<3328x16xf32, #tpu.memory_space<vmem>>, vector<1x16xf32>,
        %mul3A_581 = arith.constant 16 : i32
        %mul3A_582 = arith.muli %scan3A_329, %mul3A_581 : i32
        %add3A_583 = arith.constant 8 : i32
        %add3A_584 = arith.addi %mul3A_582, %add3A_583 : i32
        %mul3A_585 = arith.constant 0 : i32
        %mul3A_586 = vector.broadcast %mul3A_585 : i32 to vector<16xi32>
        %mul3A_587 = arith.muli %iota3A, %mul3A_586 : vector<16xi32>
        %add3A_588 = arith.constant 8 : i32
        %add3A_589 = vector.broadcast %add3A_588 : i32 to vector<16xi32>
        %add3A_590 = arith.addi %mul3A_587, %add3A_589 : vector<16xi32>
        %lt3A_591 = arith.constant 0 : i32
        %lt3A_592 = vector.broadcast %lt3A_591 : i32 to vector<16xi32>
        %lt3A_593 = arith.cmpi slt, %add3A_590, %lt3A_592 : vector<16xi32>
        %add3A_594 = arith.constant 16 : i32
        %add3A_595 = vector.broadcast %add3A_594 : i32 to vector<16xi32>
        %add3A_596 = arith.addi %add3A_590, %add3A_595 : vector<16xi32>
        %select_n3A_597 = arith.select %lt3A_593, %add3A_596, %add3A_590 : vector<16xi1>, vector<16xi32>
        %broadcast_in_dim3A_598 = vector.shape_cast %select_n3A_597 : vector<16xi32> to vector<16x1xi32>
        %gather3A_599 = vector.shape_cast %broadcast_in_dim3A_598 : vector<16x1xi32> to vector<16xi32>
        %gather3A_600 = tpu.dynamic_gather %select_n3A_341[%gather3A_599] in [0] : vector<16xf32>, vector<16xi32> -> vector<16xf32>
        %get3A_601 = arith.index_cast %add3A_584 : i32 to index
        %get3A_602 = arith.constant 0 : index
        %get3A_603 = tpu.vector_load %arg6[%get3A_601, %get3A_602] {strides = array<i32>} : memref<3328x16xf32, #tpu.memory_space<vmem>>, vector<1x16xf32>,
        %get3A_604 = vector.shape_cast %get3A_603 : vector<1x16xf32> to vector<16xf32>
        %mul3A_605 = arith.mulf %get3A_604, %gather3A_600 : vector<16xf32>
        %swap3A_606 = arith.index_cast %add3A_584 : i32 to index
        %swap3A_607 = arith.constant 0 : index
        %swap3A_608 = tpu.vector_load %arg6[%swap3A_606, %swap3A_607] {strides = array<i32>} : memref<3328x16xf32, #tpu.memory_space<vmem>>, vector<1x16xf32>,
        %swap3A_609 = vector.shape_cast %swap3A_608 : vector<1x16xf32> to vector<16xf32>
        %swap3A_610 = vector.shape_cast %mul3A_605 : vector<16xf32> to vector<1x16xf32>
        tpu.vector_store %arg6[%swap3A_606, %swap3A_607], %swap3A_610 {strides = array<i32>} : memref<3328x16xf32, #tpu.memory_space<vmem>>, vector<1x16xf32>,
        %mul3A_611 = arith.constant 16 : i32
        %mul3A_612 = arith.muli %scan3A_329, %mul3A_611 : i32
        %add3A_613 = arith.constant 9 : i32
        %add3A_614 = arith.addi %mul3A_612, %add3A_613 : i32
        %mul3A_615 = arith.constant 0 : i32
        %mul3A_616 = vector.broadcast %mul3A_615 : i32 to vector<16xi32>
        %mul3A_617 = arith.muli %iota3A, %mul3A_616 : vector<16xi32>
        %add3A_618 = arith.constant 9 : i32
        %add3A_619 = vector.broadcast %add3A_618 : i32 to vector<16xi32>
        %add3A_620 = arith.addi %mul3A_617, %add3A_619 : vector<16xi32>
        %lt3A_621 = arith.constant 0 : i32
        %lt3A_622 = vector.broadcast %lt3A_621 : i32 to vector<16xi32>
        %lt3A_623 = arith.cmpi slt, %add3A_620, %lt3A_622 : vector<16xi32>
        %add3A_624 = arith.constant 16 : i32
        %add3A_625 = vector.broadcast %add3A_624 : i32 to vector<16xi32>
        %add3A_626 = arith.addi %add3A_620, %add3A_625 : vector<16xi32>
        %select_n3A_627 = arith.select %lt3A_623, %add3A_626, %add3A_620 : vector<16xi1>, vector<16xi32>
        %broadcast_in_dim3A_628 = vector.shape_cast %select_n3A_627 : vector<16xi32> to vector<16x1xi32>
        %gather3A_629 = vector.shape_cast %broadcast_in_dim3A_628 : vector<16x1xi32> to vector<16xi32>
        %gather3A_630 = tpu.dynamic_gather %select_n3A_341[%gather3A_629] in [0] : vector<16xf32>, vector<16xi32> -> vector<16xf32>
        %get3A_631 = arith.index_cast %add3A_614 : i32 to index
        %get3A_632 = arith.constant 0 : index
        %get3A_633 = tpu.vector_load %arg6[%get3A_631, %get3A_632] {strides = array<i32>} : memref<3328x16xf32, #tpu.memory_space<vmem>>, vector<1x16xf32>,
        %get3A_634 = vector.shape_cast %get3A_633 : vector<1x16xf32> to vector<16xf32>
        %mul3A_635 = arith.mulf %get3A_634, %gather3A_630 : vector<16xf32>
        %swap3A_636 = arith.index_cast %add3A_614 : i32 to index
        %swap3A_637 = arith.constant 0 : index
        %swap3A_638 = tpu.vector_load %arg6[%swap3A_636, %swap3A_637] {strides = array<i32>} : memref<3328x16xf32, #tpu.memory_space<vmem>>, vector<1x16xf32>,
        %swap3A_639 = vector.shape_cast %swap3A_638 : vector<1x16xf32> to vector<16xf32>
        %swap3A_640 = vector.shape_cast %mul3A_635 : vector<16xf32> to vector<1x16xf32>
        tpu.vector_store %arg6[%swap3A_636, %swap3A_637], %swap3A_640 {strides = array<i32>} : memref<3328x16xf32, #tpu.memory_space<vmem>>, vector<1x16xf32>,
        %mul3A_641 = arith.constant 16 : i32
        %mul3A_642 = arith.muli %scan3A_329, %mul3A_641 : i32
        %add3A_643 = arith.constant 10 : i32
        %add3A_644 = arith.addi %mul3A_642, %add3A_643 : i32
        %mul3A_645 = arith.constant 0 : i32
        %mul3A_646 = vector.broadcast %mul3A_645 : i32 to vector<16xi32>
        %mul3A_647 = arith.muli %iota3A, %mul3A_646 : vector<16xi32>
        %add3A_648 = arith.constant 10 : i32
        %add3A_649 = vector.broadcast %add3A_648 : i32 to vector<16xi32>
        %add3A_650 = arith.addi %mul3A_647, %add3A_649 : vector<16xi32>
        %lt3A_651 = arith.constant 0 : i32
        %lt3A_652 = vector.broadcast %lt3A_651 : i32 to vector<16xi32>
        %lt3A_653 = arith.cmpi slt, %add3A_650, %lt3A_652 : vector<16xi32>
        %add3A_654 = arith.constant 16 : i32
        %add3A_655 = vector.broadcast %add3A_654 : i32 to vector<16xi32>
        %add3A_656 = arith.addi %add3A_650, %add3A_655 : vector<16xi32>
        %select_n3A_657 = arith.select %lt3A_653, %add3A_656, %add3A_650 : vector<16xi1>, vector<16xi32>
        %broadcast_in_dim3A_658 = vector.shape_cast %select_n3A_657 : vector<16xi32> to vector<16x1xi32>
        %gather3A_659 = vector.shape_cast %broadcast_in_dim3A_658 : vector<16x1xi32> to vector<16xi32>
        %gather3A_660 = tpu.dynamic_gather %select_n3A_341[%gather3A_659] in [0] : vector<16xf32>, vector<16xi32> -> vector<16xf32>
        %get3A_661 = arith.index_cast %add3A_644 : i32 to index
        %get3A_662 = arith.constant 0 : index
        %get3A_663 = tpu.vector_load %arg6[%get3A_661, %get3A_662] {strides = array<i32>} : memref<3328x16xf32, #tpu.memory_space<vmem>>, vector<1x16xf32>,
        %get3A_664 = vector.shape_cast %get3A_663 : vector<1x16xf32> to vector<16xf32>
        %mul3A_665 = arith.mulf %get3A_664, %gather3A_660 : vector<16xf32>
        %swap3A_666 = arith.index_cast %add3A_644 : i32 to index
        %swap3A_667 = arith.constant 0 : index
        %swap3A_668 = tpu.vector_load %arg6[%swap3A_666, %swap3A_667] {strides = array<i32>} : memref<3328x16xf32, #tpu.memory_space<vmem>>, vector<1x16xf32>,
        %swap3A_669 = vector.shape_cast %swap3A_668 : vector<1x16xf32> to vector<16xf32>
        %swap3A_670 = vector.shape_cast %mul3A_665 : vector<16xf32> to vector<1x16xf32>
        tpu.vector_store %arg6[%swap3A_666, %swap3A_667], %swap3A_670 {strides = array<i32>} : memref<3328x16xf32, #tpu.memory_space<vmem>>, vector<1x16xf32>,
        %mul3A_671 = arith.constant 16 : i32
        %mul3A_672 = arith.muli %scan3A_329, %mul3A_671 : i32
        %add3A_673 = arith.constant 11 : i32
        %add3A_674 = arith.addi %mul3A_672, %add3A_673 : i32
        %mul3A_675 = arith.constant 0 : i32
        %mul3A_676 = vector.broadcast %mul3A_675 : i32 to vector<16xi32>
        %mul3A_677 = arith.muli %iota3A, %mul3A_676 : vector<16xi32>
        %add3A_678 = arith.constant 11 : i32
        %add3A_679 = vector.broadcast %add3A_678 : i32 to vector<16xi32>
        %add3A_680 = arith.addi %mul3A_677, %add3A_679 : vector<16xi32>
        %lt3A_681 = arith.constant 0 : i32
        %lt3A_682 = vector.broadcast %lt3A_681 : i32 to vector<16xi32>
        %lt3A_683 = arith.cmpi slt, %add3A_680, %lt3A_682 : vector<16xi32>
        %add3A_684 = arith.constant 16 : i32
        %add3A_685 = vector.broadcast %add3A_684 : i32 to vector<16xi32>
        %add3A_686 = arith.addi %add3A_680, %add3A_685 : vector<16xi32>
        %select_n3A_687 = arith.select %lt3A_683, %add3A_686, %add3A_680 : vector<16xi1>, vector<16xi32>
        %broadcast_in_dim3A_688 = vector.shape_cast %select_n3A_687 : vector<16xi32> to vector<16x1xi32>
        %gather3A_689 = vector.shape_cast %broadcast_in_dim3A_688 : vector<16x1xi32> to vector<16xi32>
        %gather3A_690 = tpu.dynamic_gather %select_n3A_341[%gather3A_689] in [0] : vector<16xf32>, vector<16xi32> -> vector<16xf32>
        %get3A_691 = arith.index_cast %add3A_674 : i32 to index
        %get3A_692 = arith.constant 0 : index
        %get3A_693 = tpu.vector_load %arg6[%get3A_691, %get3A_692] {strides = array<i32>} : memref<3328x16xf32, #tpu.memory_space<vmem>>, vector<1x16xf32>,
        %get3A_694 = vector.shape_cast %get3A_693 : vector<1x16xf32> to vector<16xf32>
        %mul3A_695 = arith.mulf %get3A_694, %gather3A_690 : vector<16xf32>
        %swap3A_696 = arith.index_cast %add3A_674 : i32 to index
        %swap3A_697 = arith.constant 0 : index
        %swap3A_698 = tpu.vector_load %arg6[%swap3A_696, %swap3A_697] {strides = array<i32>} : memref<3328x16xf32, #tpu.memory_space<vmem>>, vector<1x16xf32>,
        %swap3A_699 = vector.shape_cast %swap3A_698 : vector<1x16xf32> to vector<16xf32>
        %swap3A_700 = vector.shape_cast %mul3A_695 : vector<16xf32> to vector<1x16xf32>
        tpu.vector_store %arg6[%swap3A_696, %swap3A_697], %swap3A_700 {strides = array<i32>} : memref<3328x16xf32, #tpu.memory_space<vmem>>, vector<1x16xf32>,
        %mul3A_701 = arith.constant 16 : i32
        %mul3A_702 = arith.muli %scan3A_329, %mul3A_701 : i32
        %add3A_703 = arith.constant 12 : i32
        %add3A_704 = arith.addi %mul3A_702, %add3A_703 : i32
        %mul3A_705 = arith.constant 0 : i32
        %mul3A_706 = vector.broadcast %mul3A_705 : i32 to vector<16xi32>
        %mul3A_707 = arith.muli %iota3A, %mul3A_706 : vector<16xi32>
        %add3A_708 = arith.constant 12 : i32
        %add3A_709 = vector.broadcast %add3A_708 : i32 to vector<16xi32>
        %add3A_710 = arith.addi %mul3A_707, %add3A_709 : vector<16xi32>
        %lt3A_711 = arith.constant 0 : i32
        %lt3A_712 = vector.broadcast %lt3A_711 : i32 to vector<16xi32>
        %lt3A_713 = arith.cmpi slt, %add3A_710, %lt3A_712 : vector<16xi32>
        %add3A_714 = arith.constant 16 : i32
        %add3A_715 = vector.broadcast %add3A_714 : i32 to vector<16xi32>
        %add3A_716 = arith.addi %add3A_710, %add3A_715 : vector<16xi32>
        %select_n3A_717 = arith.select %lt3A_713, %add3A_716, %add3A_710 : vector<16xi1>, vector<16xi32>
        %broadcast_in_dim3A_718 = vector.shape_cast %select_n3A_717 : vector<16xi32> to vector<16x1xi32>
        %gather3A_719 = vector.shape_cast %broadcast_in_dim3A_718 : vector<16x1xi32> to vector<16xi32>
        %gather3A_720 = tpu.dynamic_gather %select_n3A_341[%gather3A_719] in [0] : vector<16xf32>, vector<16xi32> -> vector<16xf32>
        %get3A_721 = arith.index_cast %add3A_704 : i32 to index
        %get3A_722 = arith.constant 0 : index
        %get3A_723 = tpu.vector_load %arg6[%get3A_721, %get3A_722] {strides = array<i32>} : memref<3328x16xf32, #tpu.memory_space<vmem>>, vector<1x16xf32>,
        %get3A_724 = vector.shape_cast %get3A_723 : vector<1x16xf32> to vector<16xf32>
        %mul3A_725 = arith.mulf %get3A_724, %gather3A_720 : vector<16xf32>
        %swap3A_726 = arith.index_cast %add3A_704 : i32 to index
        %swap3A_727 = arith.constant 0 : index
        %swap3A_728 = tpu.vector_load %arg6[%swap3A_726, %swap3A_727] {strides = array<i32>} : memref<3328x16xf32, #tpu.memory_space<vmem>>, vector<1x16xf32>,
        %swap3A_729 = vector.shape_cast %swap3A_728 : vector<1x16xf32> to vector<16xf32>
        %swap3A_730 = vector.shape_cast %mul3A_725 : vector<16xf32> to vector<1x16xf32>
        tpu.vector_store %arg6[%swap3A_726, %swap3A_727], %swap3A_730 {strides = array<i32>} : memref<3328x16xf32, #tpu.memory_space<vmem>>, vector<1x16xf32>,
        %mul3A_731 = arith.constant 16 : i32
        %mul3A_732 = arith.muli %scan3A_329, %mul3A_731 : i32
        %add3A_733 = arith.constant 13 : i32
        %add3A_734 = arith.addi %mul3A_732, %add3A_733 : i32
        %mul3A_735 = arith.constant 0 : i32
        %mul3A_736 = vector.broadcast %mul3A_735 : i32 to vector<16xi32>
        %mul3A_737 = arith.muli %iota3A, %mul3A_736 : vector<16xi32>
        %add3A_738 = arith.constant 13 : i32
        %add3A_739 = vector.broadcast %add3A_738 : i32 to vector<16xi32>
        %add3A_740 = arith.addi %mul3A_737, %add3A_739 : vector<16xi32>
        %lt3A_741 = arith.constant 0 : i32
        %lt3A_742 = vector.broadcast %lt3A_741 : i32 to vector<16xi32>
        %lt3A_743 = arith.cmpi slt, %add3A_740, %lt3A_742 : vector<16xi32>
        %add3A_744 = arith.constant 16 : i32
        %add3A_745 = vector.broadcast %add3A_744 : i32 to vector<16xi32>
        %add3A_746 = arith.addi %add3A_740, %add3A_745 : vector<16xi32>
        %select_n3A_747 = arith.select %lt3A_743, %add3A_746, %add3A_740 : vector<16xi1>, vector<16xi32>
        %broadcast_in_dim3A_748 = vector.shape_cast %select_n3A_747 : vector<16xi32> to vector<16x1xi32>
        %gather3A_749 = vector.shape_cast %broadcast_in_dim3A_748 : vector<16x1xi32> to vector<16xi32>
        %gather3A_750 = tpu.dynamic_gather %select_n3A_341[%gather3A_749] in [0] : vector<16xf32>, vector<16xi32> -> vector<16xf32>
        %get3A_751 = arith.index_cast %add3A_734 : i32 to index
        %get3A_752 = arith.constant 0 : index
        %get3A_753 = tpu.vector_load %arg6[%get3A_751, %get3A_752] {strides = array<i32>} : memref<3328x16xf32, #tpu.memory_space<vmem>>, vector<1x16xf32>,
        %get3A_754 = vector.shape_cast %get3A_753 : vector<1x16xf32> to vector<16xf32>
        %mul3A_755 = arith.mulf %get3A_754, %gather3A_750 : vector<16xf32>
        %swap3A_756 = arith.index_cast %add3A_734 : i32 to index
        %swap3A_757 = arith.constant 0 : index
        %swap3A_758 = tpu.vector_load %arg6[%swap3A_756, %swap3A_757] {strides = array<i32>} : memref<3328x16xf32, #tpu.memory_space<vmem>>, vector<1x16xf32>,
        %swap3A_759 = vector.shape_cast %swap3A_758 : vector<1x16xf32> to vector<16xf32>
        %swap3A_760 = vector.shape_cast %mul3A_755 : vector<16xf32> to vector<1x16xf32>
        tpu.vector_store %arg6[%swap3A_756, %swap3A_757], %swap3A_760 {strides = array<i32>} : memref<3328x16xf32, #tpu.memory_space<vmem>>, vector<1x16xf32>,
        %mul3A_761 = arith.constant 16 : i32
        %mul3A_762 = arith.muli %scan3A_329, %mul3A_761 : i32
        %add3A_763 = arith.constant 14 : i32
        %add3A_764 = arith.addi %mul3A_762, %add3A_763 : i32
        %mul3A_765 = arith.constant 0 : i32
        %mul3A_766 = vector.broadcast %mul3A_765 : i32 to vector<16xi32>
        %mul3A_767 = arith.muli %iota3A, %mul3A_766 : vector<16xi32>
        %add3A_768 = arith.constant 14 : i32
        %add3A_769 = vector.broadcast %add3A_768 : i32 to vector<16xi32>
        %add3A_770 = arith.addi %mul3A_767, %add3A_769 : vector<16xi32>
        %lt3A_771 = arith.constant 0 : i32
        %lt3A_772 = vector.broadcast %lt3A_771 : i32 to vector<16xi32>
        %lt3A_773 = arith.cmpi slt, %add3A_770, %lt3A_772 : vector<16xi32>
        %add3A_774 = arith.constant 16 : i32
        %add3A_775 = vector.broadcast %add3A_774 : i32 to vector<16xi32>
        %add3A_776 = arith.addi %add3A_770, %add3A_775 : vector<16xi32>
        %select_n3A_777 = arith.select %lt3A_773, %add3A_776, %add3A_770 : vector<16xi1>, vector<16xi32>
        %broadcast_in_dim3A_778 = vector.shape_cast %select_n3A_777 : vector<16xi32> to vector<16x1xi32>
        %gather3A_779 = vector.shape_cast %broadcast_in_dim3A_778 : vector<16x1xi32> to vector<16xi32>
        %gather3A_780 = tpu.dynamic_gather %select_n3A_341[%gather3A_779] in [0] : vector<16xf32>, vector<16xi32> -> vector<16xf32>
        %get3A_781 = arith.index_cast %add3A_764 : i32 to index
        %get3A_782 = arith.constant 0 : index
        %get3A_783 = tpu.vector_load %arg6[%get3A_781, %get3A_782] {strides = array<i32>} : memref<3328x16xf32, #tpu.memory_space<vmem>>, vector<1x16xf32>,
        %get3A_784 = vector.shape_cast %get3A_783 : vector<1x16xf32> to vector<16xf32>
        %mul3A_785 = arith.mulf %get3A_784, %gather3A_780 : vector<16xf32>
        %swap3A_786 = arith.index_cast %add3A_764 : i32 to index
        %swap3A_787 = arith.constant 0 : index
        %swap3A_788 = tpu.vector_load %arg6[%swap3A_786, %swap3A_787] {strides = array<i32>} : memref<3328x16xf32, #tpu.memory_space<vmem>>, vector<1x16xf32>,
        %swap3A_789 = vector.shape_cast %swap3A_788 : vector<1x16xf32> to vector<16xf32>
        %swap3A_790 = vector.shape_cast %mul3A_785 : vector<16xf32> to vector<1x16xf32>
        tpu.vector_store %arg6[%swap3A_786, %swap3A_787], %swap3A_790 {strides = array<i32>} : memref<3328x16xf32, #tpu.memory_space<vmem>>, vector<1x16xf32>,
        %mul3A_791 = arith.constant 16 : i32
        %mul3A_792 = arith.muli %scan3A_329, %mul3A_791 : i32
        %add3A_793 = arith.constant 15 : i32
        %add3A_794 = arith.addi %mul3A_792, %add3A_793 : i32
        %mul3A_795 = arith.constant 0 : i32
        %mul3A_796 = vector.broadcast %mul3A_795 : i32 to vector<16xi32>
        %mul3A_797 = arith.muli %iota3A, %mul3A_796 : vector<16xi32>
        %add3A_798 = arith.constant 15 : i32
        %add3A_799 = vector.broadcast %add3A_798 : i32 to vector<16xi32>
        %add3A_800 = arith.addi %mul3A_797, %add3A_799 : vector<16xi32>
        %lt3A_801 = arith.constant 0 : i32
        %lt3A_802 = vector.broadcast %lt3A_801 : i32 to vector<16xi32>
        %lt3A_803 = arith.cmpi slt, %add3A_800, %lt3A_802 : vector<16xi32>
        %add3A_804 = arith.constant 16 : i32
        %add3A_805 = vector.broadcast %add3A_804 : i32 to vector<16xi32>
        %add3A_806 = arith.addi %add3A_800, %add3A_805 : vector<16xi32>
        %select_n3A_807 = arith.select %lt3A_803, %add3A_806, %add3A_800 : vector<16xi1>, vector<16xi32>
        %broadcast_in_dim3A_808 = vector.shape_cast %select_n3A_807 : vector<16xi32> to vector<16x1xi32>
        %gather3A_809 = vector.shape_cast %broadcast_in_dim3A_808 : vector<16x1xi32> to vector<16xi32>
        %gather3A_810 = tpu.dynamic_gather %select_n3A_341[%gather3A_809] in [0] : vector<16xf32>, vector<16xi32> -> vector<16xf32>
        %get3A_811 = arith.index_cast %add3A_794 : i32 to index
        %get3A_812 = arith.constant 0 : index
        %get3A_813 = tpu.vector_load %arg6[%get3A_811, %get3A_812] {strides = array<i32>} : memref<3328x16xf32, #tpu.memory_space<vmem>>, vector<1x16xf32>,
        %get3A_814 = vector.shape_cast %get3A_813 : vector<1x16xf32> to vector<16xf32>
        %mul3A_815 = arith.mulf %get3A_814, %gather3A_810 : vector<16xf32>
        %swap3A_816 = arith.index_cast %add3A_794 : i32 to index
        %swap3A_817 = arith.constant 0 : index
        %swap3A_818 = tpu.vector_load %arg6[%swap3A_816, %swap3A_817] {strides = array<i32>} : memref<3328x16xf32, #tpu.memory_space<vmem>>, vector<1x16xf32>,
        %swap3A_819 = vector.shape_cast %swap3A_818 : vector<1x16xf32> to vector<16xf32>
        %swap3A_820 = vector.shape_cast %mul3A_815 : vector<16xf32> to vector<1x16xf32>
        tpu.vector_store %arg6[%swap3A_816, %swap3A_817], %swap3A_820 {strides = array<i32>} : memref<3328x16xf32, #tpu.memory_space<vmem>>, vector<1x16xf32>,
      }
      %scan3A_328 = arith.constant 208 : i32
    } else {
    }
    %add3A_238 = arith.constant 6656 : i32
    %add3A_239 = arith.addi %mul3A_2, %add3A_238 : i32
    "tpu.region"() ({
      %run_scoped3A = tpu.sem_alloc : memref<!tpu.dma_semaphore, #tpu.memory_space<semaphore_mem>>
      %dma_start3A_323 = arith.constant 0 : i32
      %dma_start3A_324 = tpu.memref_slice %arg4[%add3A_239, %dma_start3A_323] : memref<425984x16xf32, #tpu.memory_space<hbm>> -> memref<3328x16xf32, #tpu.memory_space<hbm>>
      %dma_start3A_325 = arith.constant 0 : i32
      %dma_start3A_326 = tpu.memref_slice %arg4[%add3A_239, %dma_start3A_325] : memref<425984x16xf32, #tpu.memory_space<hbm>> -> memref<3328x16xf32, #tpu.memory_space<hbm>>
      tpu.enqueue_dma source(%arg6 : memref<3328x16xf32, #tpu.memory_space<vmem>>) target(%dma_start3A_326 : memref<3328x16xf32, #tpu.memory_space<hbm>>) target_semaphore(%run_scoped3A : memref<!tpu.dma_semaphore, #tpu.memory_space<semaphore_mem>>)
      %dma_wait3A_327 = arith.constant 0 : i32
      %dma_wait3A_328 = tpu.memref_slice %arg4[%add3A_239, %dma_wait3A_327] : memref<425984x16xf32, #tpu.memory_space<hbm>> -> memref<3328x16xf32, #tpu.memory_space<hbm>>
      %dma_wait3A_329 = arith.constant 0 : i32
      %dma_wait3A_330 = tpu.memref_slice %arg4[%add3A_239, %dma_wait3A_329] : memref<425984x16xf32, #tpu.memory_space<hbm>> -> memref<3328x16xf32, #tpu.memory_space<hbm>>
      tpu.wait_dma2 semaphore(%run_scoped3A : memref<!tpu.dma_semaphore, #tpu.memory_space<semaphore_mem>>) src(%arg6 : memref<3328x16xf32, #tpu.memory_space<vmem>>) dst(%dma_wait3A_330 : memref<3328x16xf32, #tpu.memory_space<hbm>>)
      tpu.yield
    }) : () -> ()
    %dma_start3A_240 = arith.constant 9984 : i32
    %dma_start3A_241 = tpu.memref_slice %arg5[%dma_start3A_240] : memref<13312xi32, #tpu.memory_space<vmem>> -> memref<3328xi32, #tpu.memory_space<vmem>>
    %dma_start3A_242 = arith.constant 0 : i32
    %dma_start3A_243 = arith.constant 0 : i32
    %dma_start3A_244 = tpu.memref_slice %arg3[%dma_start3A_242, %dma_start3A_243] : memref<1000000x16xf32, #tpu.memory_space<hbm>> -> memref<1000000x16xf32, #tpu.memory_space<hbm>>
    tpu.enqueue_indirect_dma source(%dma_start3A_244 : memref<1000000x16xf32, #tpu.memory_space<hbm>>) target(%arg6 : memref<3328x16xf32, #tpu.memory_space<vmem>>) offsets(%dma_start3A_241 : memref<3328xi32, #tpu.memory_space<vmem>>) semaphore(%arg7 : memref<!tpu.dma_semaphore, #tpu.memory_space<semaphore_mem>>)
    %dma_wait3A_245 = arith.constant 9984 : i32
    %dma_wait3A_246 = tpu.memref_slice %arg5[%dma_wait3A_245] : memref<13312xi32, #tpu.memory_space<vmem>> -> memref<3328xi32, #tpu.memory_space<vmem>>
    %dma_wait3A_247 = arith.constant 0 : i32
    %dma_wait3A_248 = arith.constant 0 : i32
    %dma_wait3A_249 = tpu.memref_slice %arg3[%dma_wait3A_247, %dma_wait3A_248] : memref<1000000x16xf32, #tpu.memory_space<hbm>> -> memref<1000000x16xf32, #tpu.memory_space<hbm>>
    tpu.wait_indirect_dma semaphore(%arg7 : memref<!tpu.dma_semaphore, #tpu.memory_space<semaphore_mem>>) src(%dma_wait3A_249 : memref<1000000x16xf32, #tpu.memory_space<hbm>>) dst(%arg6 : memref<3328x16xf32, #tpu.memory_space<vmem>>)
    %broadcast_in_dim3A_250 = arith.constant 0 : i32
    %broadcast_in_dim3A_251 = vector.broadcast %broadcast_in_dim3A_250 : i32 to vector<16xi32>
    %scan3A_252 = arith.constant 0 : i32
    %scan3A_253 = arith.constant 208 : i32
    %scan3A_254 = arith.addi %scan3A_252, %scan3A_253 : i32
    %scan3A_255 = arith.constant 1 : i32
    %scan3A_256 = scf.for %scan3A_323 = %scan3A_252 to %scan3A_254 step %scan3A_255 iter_args(%scan3A_324 = %broadcast_in_dim3A_251) -> (vector<16xi32>)  : i32 {
      %mul3A_325 = arith.constant 16 : i32
      %mul3A_326 = arith.muli %scan3A_323, %mul3A_325 : i32
      %add3A_327 = arith.constant 9984 : i32
      %add3A_328 = arith.addi %add3A_327, %mul3A_326 : i32
      %get3A = arith.index_cast %add3A_328 : i32 to index
      %get3A_329 = tpu.vector_load %arg5[%get3A] {strides = array<i32>} : memref<13312xi32, #tpu.memory_space<vmem>>, vector<16xi32>,
      %get3A_330 = vector.shape_cast %get3A_329 : vector<16xi32> to vector<16xi32>
      %eq3A = arith.constant 0 : i32
      %eq3A_331 = vector.broadcast %eq3A : i32 to vector<16xi32>
      %eq3A_332 = arith.cmpi eq, %get3A_330, %eq3A_331 : vector<16xi32>
      %jit3A = arith.constant 1 : i32
      %jit3A_333 = arith.constant 0 : i32
      %broadcast_in_dim3A_334 = vector.broadcast %jit3A : i32 to vector<16xi32>
      %broadcast_in_dim3A_335 = vector.broadcast %jit3A_333 : i32 to vector<16xi32>
      %select_n3A_336 = arith.select %eq3A_332, %broadcast_in_dim3A_334, %broadcast_in_dim3A_335 : vector<16xi1>, vector<16xi32>
      %or3A_337 = arith.ori %scan3A_324, %select_n3A_336 : vector<16xi32>
      scf.yield %or3A_337 : vector<16xi32>
    }
    %scan3A_257 = arith.constant 208 : i32
    %xor3A_258 = arith.constant 8 : i32
    %xor3A_259 = vector.broadcast %xor3A_258 : i32 to vector<16xi32>
    %xor3A_260 = arith.xori %iota3A, %xor3A_259 : vector<16xi32>
    %lt3A_261 = arith.constant 0 : i32
    %lt3A_262 = vector.broadcast %lt3A_261 : i32 to vector<16xi32>
    %lt3A_263 = arith.cmpi slt, %xor3A_260, %lt3A_262 : vector<16xi32>
    %add3A_264 = arith.constant 16 : i32
    %add3A_265 = vector.broadcast %add3A_264 : i32 to vector<16xi32>
    %add3A_266 = arith.addi %xor3A_260, %add3A_265 : vector<16xi32>
    %select_n3A_267 = arith.select %lt3A_263, %add3A_266, %xor3A_260 : vector<16xi1>, vector<16xi32>
    %broadcast_in_dim3A_268 = vector.shape_cast %select_n3A_267 : vector<16xi32> to vector<16x1xi32>
    %gather3A_269 = vector.shape_cast %broadcast_in_dim3A_268 : vector<16x1xi32> to vector<16xi32>
    %gather3A_270 = tpu.dynamic_gather %scan3A_256[%gather3A_269] in [0] : vector<16xi32>, vector<16xi32> -> vector<16xi32>
    %or3A_271 = arith.ori %scan3A_256, %gather3A_270 : vector<16xi32>
    %xor3A_272 = arith.constant 4 : i32
    %xor3A_273 = vector.broadcast %xor3A_272 : i32 to vector<16xi32>
    %xor3A_274 = arith.xori %iota3A, %xor3A_273 : vector<16xi32>
    %lt3A_275 = arith.constant 0 : i32
    %lt3A_276 = vector.broadcast %lt3A_275 : i32 to vector<16xi32>
    %lt3A_277 = arith.cmpi slt, %xor3A_274, %lt3A_276 : vector<16xi32>
    %add3A_278 = arith.constant 16 : i32
    %add3A_279 = vector.broadcast %add3A_278 : i32 to vector<16xi32>
    %add3A_280 = arith.addi %xor3A_274, %add3A_279 : vector<16xi32>
    %select_n3A_281 = arith.select %lt3A_277, %add3A_280, %xor3A_274 : vector<16xi1>, vector<16xi32>
    %broadcast_in_dim3A_282 = vector.shape_cast %select_n3A_281 : vector<16xi32> to vector<16x1xi32>
    %gather3A_283 = vector.shape_cast %broadcast_in_dim3A_282 : vector<16x1xi32> to vector<16xi32>
    %gather3A_284 = tpu.dynamic_gather %or3A_271[%gather3A_283] in [0] : vector<16xi32>, vector<16xi32> -> vector<16xi32>
    %or3A_285 = arith.ori %or3A_271, %gather3A_284 : vector<16xi32>
    %xor3A_286 = arith.constant 2 : i32
    %xor3A_287 = vector.broadcast %xor3A_286 : i32 to vector<16xi32>
    %xor3A_288 = arith.xori %iota3A, %xor3A_287 : vector<16xi32>
    %lt3A_289 = arith.constant 0 : i32
    %lt3A_290 = vector.broadcast %lt3A_289 : i32 to vector<16xi32>
    %lt3A_291 = arith.cmpi slt, %xor3A_288, %lt3A_290 : vector<16xi32>
    %add3A_292 = arith.constant 16 : i32
    %add3A_293 = vector.broadcast %add3A_292 : i32 to vector<16xi32>
    %add3A_294 = arith.addi %xor3A_288, %add3A_293 : vector<16xi32>
    %select_n3A_295 = arith.select %lt3A_291, %add3A_294, %xor3A_288 : vector<16xi1>, vector<16xi32>
    %broadcast_in_dim3A_296 = vector.shape_cast %select_n3A_295 : vector<16xi32> to vector<16x1xi32>
    %gather3A_297 = vector.shape_cast %broadcast_in_dim3A_296 : vector<16x1xi32> to vector<16xi32>
    %gather3A_298 = tpu.dynamic_gather %or3A_285[%gather3A_297] in [0] : vector<16xi32>, vector<16xi32> -> vector<16xi32>
    %or3A_299 = arith.ori %or3A_285, %gather3A_298 : vector<16xi32>
    %xor3A_300 = arith.constant 1 : i32
    %xor3A_301 = vector.broadcast %xor3A_300 : i32 to vector<16xi32>
    %xor3A_302 = arith.xori %iota3A, %xor3A_301 : vector<16xi32>
    %lt3A_303 = arith.constant 0 : i32
    %lt3A_304 = vector.broadcast %lt3A_303 : i32 to vector<16xi32>
    %lt3A_305 = arith.cmpi slt, %xor3A_302, %lt3A_304 : vector<16xi32>
    %add3A_306 = arith.constant 16 : i32
    %add3A_307 = vector.broadcast %add3A_306 : i32 to vector<16xi32>
    %add3A_308 = arith.addi %xor3A_302, %add3A_307 : vector<16xi32>
    %select_n3A_309 = arith.select %lt3A_305, %add3A_308, %xor3A_302 : vector<16xi1>, vector<16xi32>
    %broadcast_in_dim3A_310 = vector.shape_cast %select_n3A_309 : vector<16xi32> to vector<16x1xi32>
    %gather3A_311 = vector.shape_cast %broadcast_in_dim3A_310 : vector<16x1xi32> to vector<16xi32>
    %gather3A_312 = tpu.dynamic_gather %or3A_299[%gather3A_311] in [0] : vector<16xi32>, vector<16xi32> -> vector<16xi32>
    %or3A_313 = arith.ori %or3A_299, %gather3A_312 : vector<16xi32>
    %slice3A_314 = vector.extract_strided_slice %or3A_313 {offsets = [0], sizes = [1], strides = [1]} : vector<16xi32> to vector<1xi32>
    %squeeze3A_315 = vector.extract %slice3A_314[0] : i32 from vector<1xi32>
    %gt3A_316 = arith.constant 0 : i32
    %gt3A_317 = arith.cmpi sgt, %squeeze3A_315, %gt3A_316 : i32
    %convert_element_type3A_318 = arith.extui %gt3A_317 : i1 to i32
    %cond3A_319 = arith.constant 0 : i32
    %cond3A_320 = arith.cmpi ne, %convert_element_type3A_318, %cond3A_319 : i32
    scf.if %cond3A_320 {
      %scan3A_323 = arith.constant 0 : i32
      %scan3A_324 = arith.constant 0 : i32
      %scan3A_325 = arith.constant 208 : i32
      %scan3A_326 = arith.addi %scan3A_324, %scan3A_325 : i32
      %scan3A_327 = arith.constant 1 : i32
      scf.for %scan3A_329 = %scan3A_324 to %scan3A_326 step %scan3A_327  : i32 {
        %mul3A_330 = arith.constant 16 : i32
        %mul3A_331 = arith.muli %scan3A_329, %mul3A_330 : i32
        %add3A_332 = arith.constant 9984 : i32
        %add3A_333 = arith.addi %add3A_332, %mul3A_331 : i32
        %get3A = arith.index_cast %add3A_333 : i32 to index
        %get3A_334 = tpu.vector_load %arg5[%get3A] {strides = array<i32>} : memref<13312xi32, #tpu.memory_space<vmem>>, vector<16xi32>,
        %get3A_335 = vector.shape_cast %get3A_334 : vector<16xi32> to vector<16xi32>
        %eq3A = arith.constant 0 : i32
        %eq3A_336 = vector.broadcast %eq3A : i32 to vector<16xi32>
        %eq3A_337 = arith.cmpi eq, %get3A_335, %eq3A_336 : vector<16xi32>
        %jit3A = arith.constant 0.000000e+00 : f32
        %jit3A_338 = arith.constant 1.000000e+00 : f32
        %broadcast_in_dim3A_339 = vector.broadcast %jit3A : f32 to vector<16xf32>
        %broadcast_in_dim3A_340 = vector.broadcast %jit3A_338 : f32 to vector<16xf32>
        %select_n3A_341 = arith.select %eq3A_337, %broadcast_in_dim3A_339, %broadcast_in_dim3A_340 : vector<16xi1>, vector<16xf32>
        %mul3A_342 = arith.constant 16 : i32
        %mul3A_343 = arith.muli %scan3A_329, %mul3A_342 : i32
        %add3A_344 = arith.constant 0 : i32
        %add3A_345 = arith.addi %mul3A_343, %add3A_344 : i32
        %mul3A_346 = arith.constant 0 : i32
        %mul3A_347 = vector.broadcast %mul3A_346 : i32 to vector<16xi32>
        %mul3A_348 = arith.muli %iota3A, %mul3A_347 : vector<16xi32>
        %add3A_349 = arith.constant 0 : i32
        %add3A_350 = vector.broadcast %add3A_349 : i32 to vector<16xi32>
        %add3A_351 = arith.addi %mul3A_348, %add3A_350 : vector<16xi32>
        %lt3A_352 = arith.constant 0 : i32
        %lt3A_353 = vector.broadcast %lt3A_352 : i32 to vector<16xi32>
        %lt3A_354 = arith.cmpi slt, %add3A_351, %lt3A_353 : vector<16xi32>
        %add3A_355 = arith.constant 16 : i32
        %add3A_356 = vector.broadcast %add3A_355 : i32 to vector<16xi32>
        %add3A_357 = arith.addi %add3A_351, %add3A_356 : vector<16xi32>
        %select_n3A_358 = arith.select %lt3A_354, %add3A_357, %add3A_351 : vector<16xi1>, vector<16xi32>
        %broadcast_in_dim3A_359 = vector.shape_cast %select_n3A_358 : vector<16xi32> to vector<16x1xi32>
        %gather3A_360 = vector.shape_cast %broadcast_in_dim3A_359 : vector<16x1xi32> to vector<16xi32>
        %gather3A_361 = tpu.dynamic_gather %select_n3A_341[%gather3A_360] in [0] : vector<16xf32>, vector<16xi32> -> vector<16xf32>
        %get3A_362 = arith.index_cast %add3A_345 : i32 to index
        %get3A_363 = arith.constant 0 : index
        %get3A_364 = tpu.vector_load %arg6[%get3A_362, %get3A_363] {strides = array<i32>} : memref<3328x16xf32, #tpu.memory_space<vmem>>, vector<1x16xf32>,
        %get3A_365 = vector.shape_cast %get3A_364 : vector<1x16xf32> to vector<16xf32>
        %mul3A_366 = arith.mulf %get3A_365, %gather3A_361 : vector<16xf32>
        %swap3A = arith.index_cast %add3A_345 : i32 to index
        %swap3A_367 = arith.constant 0 : index
        %swap3A_368 = tpu.vector_load %arg6[%swap3A, %swap3A_367] {strides = array<i32>} : memref<3328x16xf32, #tpu.memory_space<vmem>>, vector<1x16xf32>,
        %swap3A_369 = vector.shape_cast %swap3A_368 : vector<1x16xf32> to vector<16xf32>
        %swap3A_370 = vector.shape_cast %mul3A_366 : vector<16xf32> to vector<1x16xf32>
        tpu.vector_store %arg6[%swap3A, %swap3A_367], %swap3A_370 {strides = array<i32>} : memref<3328x16xf32, #tpu.memory_space<vmem>>, vector<1x16xf32>,
        %mul3A_371 = arith.constant 16 : i32
        %mul3A_372 = arith.muli %scan3A_329, %mul3A_371 : i32
        %add3A_373 = arith.constant 1 : i32
        %add3A_374 = arith.addi %mul3A_372, %add3A_373 : i32
        %mul3A_375 = arith.constant 0 : i32
        %mul3A_376 = vector.broadcast %mul3A_375 : i32 to vector<16xi32>
        %mul3A_377 = arith.muli %iota3A, %mul3A_376 : vector<16xi32>
        %add3A_378 = arith.constant 1 : i32
        %add3A_379 = vector.broadcast %add3A_378 : i32 to vector<16xi32>
        %add3A_380 = arith.addi %mul3A_377, %add3A_379 : vector<16xi32>
        %lt3A_381 = arith.constant 0 : i32
        %lt3A_382 = vector.broadcast %lt3A_381 : i32 to vector<16xi32>
        %lt3A_383 = arith.cmpi slt, %add3A_380, %lt3A_382 : vector<16xi32>
        %add3A_384 = arith.constant 16 : i32
        %add3A_385 = vector.broadcast %add3A_384 : i32 to vector<16xi32>
        %add3A_386 = arith.addi %add3A_380, %add3A_385 : vector<16xi32>
        %select_n3A_387 = arith.select %lt3A_383, %add3A_386, %add3A_380 : vector<16xi1>, vector<16xi32>
        %broadcast_in_dim3A_388 = vector.shape_cast %select_n3A_387 : vector<16xi32> to vector<16x1xi32>
        %gather3A_389 = vector.shape_cast %broadcast_in_dim3A_388 : vector<16x1xi32> to vector<16xi32>
        %gather3A_390 = tpu.dynamic_gather %select_n3A_341[%gather3A_389] in [0] : vector<16xf32>, vector<16xi32> -> vector<16xf32>
        %get3A_391 = arith.index_cast %add3A_374 : i32 to index
        %get3A_392 = arith.constant 0 : index
        %get3A_393 = tpu.vector_load %arg6[%get3A_391, %get3A_392] {strides = array<i32>} : memref<3328x16xf32, #tpu.memory_space<vmem>>, vector<1x16xf32>,
        %get3A_394 = vector.shape_cast %get3A_393 : vector<1x16xf32> to vector<16xf32>
        %mul3A_395 = arith.mulf %get3A_394, %gather3A_390 : vector<16xf32>
        %swap3A_396 = arith.index_cast %add3A_374 : i32 to index
        %swap3A_397 = arith.constant 0 : index
        %swap3A_398 = tpu.vector_load %arg6[%swap3A_396, %swap3A_397] {strides = array<i32>} : memref<3328x16xf32, #tpu.memory_space<vmem>>, vector<1x16xf32>,
        %swap3A_399 = vector.shape_cast %swap3A_398 : vector<1x16xf32> to vector<16xf32>
        %swap3A_400 = vector.shape_cast %mul3A_395 : vector<16xf32> to vector<1x16xf32>
        tpu.vector_store %arg6[%swap3A_396, %swap3A_397], %swap3A_400 {strides = array<i32>} : memref<3328x16xf32, #tpu.memory_space<vmem>>, vector<1x16xf32>,
        %mul3A_401 = arith.constant 16 : i32
        %mul3A_402 = arith.muli %scan3A_329, %mul3A_401 : i32
        %add3A_403 = arith.constant 2 : i32
        %add3A_404 = arith.addi %mul3A_402, %add3A_403 : i32
        %mul3A_405 = arith.constant 0 : i32
        %mul3A_406 = vector.broadcast %mul3A_405 : i32 to vector<16xi32>
        %mul3A_407 = arith.muli %iota3A, %mul3A_406 : vector<16xi32>
        %add3A_408 = arith.constant 2 : i32
        %add3A_409 = vector.broadcast %add3A_408 : i32 to vector<16xi32>
        %add3A_410 = arith.addi %mul3A_407, %add3A_409 : vector<16xi32>
        %lt3A_411 = arith.constant 0 : i32
        %lt3A_412 = vector.broadcast %lt3A_411 : i32 to vector<16xi32>
        %lt3A_413 = arith.cmpi slt, %add3A_410, %lt3A_412 : vector<16xi32>
        %add3A_414 = arith.constant 16 : i32
        %add3A_415 = vector.broadcast %add3A_414 : i32 to vector<16xi32>
        %add3A_416 = arith.addi %add3A_410, %add3A_415 : vector<16xi32>
        %select_n3A_417 = arith.select %lt3A_413, %add3A_416, %add3A_410 : vector<16xi1>, vector<16xi32>
        %broadcast_in_dim3A_418 = vector.shape_cast %select_n3A_417 : vector<16xi32> to vector<16x1xi32>
        %gather3A_419 = vector.shape_cast %broadcast_in_dim3A_418 : vector<16x1xi32> to vector<16xi32>
        %gather3A_420 = tpu.dynamic_gather %select_n3A_341[%gather3A_419] in [0] : vector<16xf32>, vector<16xi32> -> vector<16xf32>
        %get3A_421 = arith.index_cast %add3A_404 : i32 to index
        %get3A_422 = arith.constant 0 : index
        %get3A_423 = tpu.vector_load %arg6[%get3A_421, %get3A_422] {strides = array<i32>} : memref<3328x16xf32, #tpu.memory_space<vmem>>, vector<1x16xf32>,
        %get3A_424 = vector.shape_cast %get3A_423 : vector<1x16xf32> to vector<16xf32>
        %mul3A_425 = arith.mulf %get3A_424, %gather3A_420 : vector<16xf32>
        %swap3A_426 = arith.index_cast %add3A_404 : i32 to index
        %swap3A_427 = arith.constant 0 : index
        %swap3A_428 = tpu.vector_load %arg6[%swap3A_426, %swap3A_427] {strides = array<i32>} : memref<3328x16xf32, #tpu.memory_space<vmem>>, vector<1x16xf32>,
        %swap3A_429 = vector.shape_cast %swap3A_428 : vector<1x16xf32> to vector<16xf32>
        %swap3A_430 = vector.shape_cast %mul3A_425 : vector<16xf32> to vector<1x16xf32>
        tpu.vector_store %arg6[%swap3A_426, %swap3A_427], %swap3A_430 {strides = array<i32>} : memref<3328x16xf32, #tpu.memory_space<vmem>>, vector<1x16xf32>,
        %mul3A_431 = arith.constant 16 : i32
        %mul3A_432 = arith.muli %scan3A_329, %mul3A_431 : i32
        %add3A_433 = arith.constant 3 : i32
        %add3A_434 = arith.addi %mul3A_432, %add3A_433 : i32
        %mul3A_435 = arith.constant 0 : i32
        %mul3A_436 = vector.broadcast %mul3A_435 : i32 to vector<16xi32>
        %mul3A_437 = arith.muli %iota3A, %mul3A_436 : vector<16xi32>
        %add3A_438 = arith.constant 3 : i32
        %add3A_439 = vector.broadcast %add3A_438 : i32 to vector<16xi32>
        %add3A_440 = arith.addi %mul3A_437, %add3A_439 : vector<16xi32>
        %lt3A_441 = arith.constant 0 : i32
        %lt3A_442 = vector.broadcast %lt3A_441 : i32 to vector<16xi32>
        %lt3A_443 = arith.cmpi slt, %add3A_440, %lt3A_442 : vector<16xi32>
        %add3A_444 = arith.constant 16 : i32
        %add3A_445 = vector.broadcast %add3A_444 : i32 to vector<16xi32>
        %add3A_446 = arith.addi %add3A_440, %add3A_445 : vector<16xi32>
        %select_n3A_447 = arith.select %lt3A_443, %add3A_446, %add3A_440 : vector<16xi1>, vector<16xi32>
        %broadcast_in_dim3A_448 = vector.shape_cast %select_n3A_447 : vector<16xi32> to vector<16x1xi32>
        %gather3A_449 = vector.shape_cast %broadcast_in_dim3A_448 : vector<16x1xi32> to vector<16xi32>
        %gather3A_450 = tpu.dynamic_gather %select_n3A_341[%gather3A_449] in [0] : vector<16xf32>, vector<16xi32> -> vector<16xf32>
        %get3A_451 = arith.index_cast %add3A_434 : i32 to index
        %get3A_452 = arith.constant 0 : index
        %get3A_453 = tpu.vector_load %arg6[%get3A_451, %get3A_452] {strides = array<i32>} : memref<3328x16xf32, #tpu.memory_space<vmem>>, vector<1x16xf32>,
        %get3A_454 = vector.shape_cast %get3A_453 : vector<1x16xf32> to vector<16xf32>
        %mul3A_455 = arith.mulf %get3A_454, %gather3A_450 : vector<16xf32>
        %swap3A_456 = arith.index_cast %add3A_434 : i32 to index
        %swap3A_457 = arith.constant 0 : index
        %swap3A_458 = tpu.vector_load %arg6[%swap3A_456, %swap3A_457] {strides = array<i32>} : memref<3328x16xf32, #tpu.memory_space<vmem>>, vector<1x16xf32>,
        %swap3A_459 = vector.shape_cast %swap3A_458 : vector<1x16xf32> to vector<16xf32>
        %swap3A_460 = vector.shape_cast %mul3A_455 : vector<16xf32> to vector<1x16xf32>
        tpu.vector_store %arg6[%swap3A_456, %swap3A_457], %swap3A_460 {strides = array<i32>} : memref<3328x16xf32, #tpu.memory_space<vmem>>, vector<1x16xf32>,
        %mul3A_461 = arith.constant 16 : i32
        %mul3A_462 = arith.muli %scan3A_329, %mul3A_461 : i32
        %add3A_463 = arith.constant 4 : i32
        %add3A_464 = arith.addi %mul3A_462, %add3A_463 : i32
        %mul3A_465 = arith.constant 0 : i32
        %mul3A_466 = vector.broadcast %mul3A_465 : i32 to vector<16xi32>
        %mul3A_467 = arith.muli %iota3A, %mul3A_466 : vector<16xi32>
        %add3A_468 = arith.constant 4 : i32
        %add3A_469 = vector.broadcast %add3A_468 : i32 to vector<16xi32>
        %add3A_470 = arith.addi %mul3A_467, %add3A_469 : vector<16xi32>
        %lt3A_471 = arith.constant 0 : i32
        %lt3A_472 = vector.broadcast %lt3A_471 : i32 to vector<16xi32>
        %lt3A_473 = arith.cmpi slt, %add3A_470, %lt3A_472 : vector<16xi32>
        %add3A_474 = arith.constant 16 : i32
        %add3A_475 = vector.broadcast %add3A_474 : i32 to vector<16xi32>
        %add3A_476 = arith.addi %add3A_470, %add3A_475 : vector<16xi32>
        %select_n3A_477 = arith.select %lt3A_473, %add3A_476, %add3A_470 : vector<16xi1>, vector<16xi32>
        %broadcast_in_dim3A_478 = vector.shape_cast %select_n3A_477 : vector<16xi32> to vector<16x1xi32>
        %gather3A_479 = vector.shape_cast %broadcast_in_dim3A_478 : vector<16x1xi32> to vector<16xi32>
        %gather3A_480 = tpu.dynamic_gather %select_n3A_341[%gather3A_479] in [0] : vector<16xf32>, vector<16xi32> -> vector<16xf32>
        %get3A_481 = arith.index_cast %add3A_464 : i32 to index
        %get3A_482 = arith.constant 0 : index
        %get3A_483 = tpu.vector_load %arg6[%get3A_481, %get3A_482] {strides = array<i32>} : memref<3328x16xf32, #tpu.memory_space<vmem>>, vector<1x16xf32>,
        %get3A_484 = vector.shape_cast %get3A_483 : vector<1x16xf32> to vector<16xf32>
        %mul3A_485 = arith.mulf %get3A_484, %gather3A_480 : vector<16xf32>
        %swap3A_486 = arith.index_cast %add3A_464 : i32 to index
        %swap3A_487 = arith.constant 0 : index
        %swap3A_488 = tpu.vector_load %arg6[%swap3A_486, %swap3A_487] {strides = array<i32>} : memref<3328x16xf32, #tpu.memory_space<vmem>>, vector<1x16xf32>,
        %swap3A_489 = vector.shape_cast %swap3A_488 : vector<1x16xf32> to vector<16xf32>
        %swap3A_490 = vector.shape_cast %mul3A_485 : vector<16xf32> to vector<1x16xf32>
        tpu.vector_store %arg6[%swap3A_486, %swap3A_487], %swap3A_490 {strides = array<i32>} : memref<3328x16xf32, #tpu.memory_space<vmem>>, vector<1x16xf32>,
        %mul3A_491 = arith.constant 16 : i32
        %mul3A_492 = arith.muli %scan3A_329, %mul3A_491 : i32
        %add3A_493 = arith.constant 5 : i32
        %add3A_494 = arith.addi %mul3A_492, %add3A_493 : i32
        %mul3A_495 = arith.constant 0 : i32
        %mul3A_496 = vector.broadcast %mul3A_495 : i32 to vector<16xi32>
        %mul3A_497 = arith.muli %iota3A, %mul3A_496 : vector<16xi32>
        %add3A_498 = arith.constant 5 : i32
        %add3A_499 = vector.broadcast %add3A_498 : i32 to vector<16xi32>
        %add3A_500 = arith.addi %mul3A_497, %add3A_499 : vector<16xi32>
        %lt3A_501 = arith.constant 0 : i32
        %lt3A_502 = vector.broadcast %lt3A_501 : i32 to vector<16xi32>
        %lt3A_503 = arith.cmpi slt, %add3A_500, %lt3A_502 : vector<16xi32>
        %add3A_504 = arith.constant 16 : i32
        %add3A_505 = vector.broadcast %add3A_504 : i32 to vector<16xi32>
        %add3A_506 = arith.addi %add3A_500, %add3A_505 : vector<16xi32>
        %select_n3A_507 = arith.select %lt3A_503, %add3A_506, %add3A_500 : vector<16xi1>, vector<16xi32>
        %broadcast_in_dim3A_508 = vector.shape_cast %select_n3A_507 : vector<16xi32> to vector<16x1xi32>
        %gather3A_509 = vector.shape_cast %broadcast_in_dim3A_508 : vector<16x1xi32> to vector<16xi32>
        %gather3A_510 = tpu.dynamic_gather %select_n3A_341[%gather3A_509] in [0] : vector<16xf32>, vector<16xi32> -> vector<16xf32>
        %get3A_511 = arith.index_cast %add3A_494 : i32 to index
        %get3A_512 = arith.constant 0 : index
        %get3A_513 = tpu.vector_load %arg6[%get3A_511, %get3A_512] {strides = array<i32>} : memref<3328x16xf32, #tpu.memory_space<vmem>>, vector<1x16xf32>,
        %get3A_514 = vector.shape_cast %get3A_513 : vector<1x16xf32> to vector<16xf32>
        %mul3A_515 = arith.mulf %get3A_514, %gather3A_510 : vector<16xf32>
        %swap3A_516 = arith.index_cast %add3A_494 : i32 to index
        %swap3A_517 = arith.constant 0 : index
        %swap3A_518 = tpu.vector_load %arg6[%swap3A_516, %swap3A_517] {strides = array<i32>} : memref<3328x16xf32, #tpu.memory_space<vmem>>, vector<1x16xf32>,
        %swap3A_519 = vector.shape_cast %swap3A_518 : vector<1x16xf32> to vector<16xf32>
        %swap3A_520 = vector.shape_cast %mul3A_515 : vector<16xf32> to vector<1x16xf32>
        tpu.vector_store %arg6[%swap3A_516, %swap3A_517], %swap3A_520 {strides = array<i32>} : memref<3328x16xf32, #tpu.memory_space<vmem>>, vector<1x16xf32>,
        %mul3A_521 = arith.constant 16 : i32
        %mul3A_522 = arith.muli %scan3A_329, %mul3A_521 : i32
        %add3A_523 = arith.constant 6 : i32
        %add3A_524 = arith.addi %mul3A_522, %add3A_523 : i32
        %mul3A_525 = arith.constant 0 : i32
        %mul3A_526 = vector.broadcast %mul3A_525 : i32 to vector<16xi32>
        %mul3A_527 = arith.muli %iota3A, %mul3A_526 : vector<16xi32>
        %add3A_528 = arith.constant 6 : i32
        %add3A_529 = vector.broadcast %add3A_528 : i32 to vector<16xi32>
        %add3A_530 = arith.addi %mul3A_527, %add3A_529 : vector<16xi32>
        %lt3A_531 = arith.constant 0 : i32
        %lt3A_532 = vector.broadcast %lt3A_531 : i32 to vector<16xi32>
        %lt3A_533 = arith.cmpi slt, %add3A_530, %lt3A_532 : vector<16xi32>
        %add3A_534 = arith.constant 16 : i32
        %add3A_535 = vector.broadcast %add3A_534 : i32 to vector<16xi32>
        %add3A_536 = arith.addi %add3A_530, %add3A_535 : vector<16xi32>
        %select_n3A_537 = arith.select %lt3A_533, %add3A_536, %add3A_530 : vector<16xi1>, vector<16xi32>
        %broadcast_in_dim3A_538 = vector.shape_cast %select_n3A_537 : vector<16xi32> to vector<16x1xi32>
        %gather3A_539 = vector.shape_cast %broadcast_in_dim3A_538 : vector<16x1xi32> to vector<16xi32>
        %gather3A_540 = tpu.dynamic_gather %select_n3A_341[%gather3A_539] in [0] : vector<16xf32>, vector<16xi32> -> vector<16xf32>
        %get3A_541 = arith.index_cast %add3A_524 : i32 to index
        %get3A_542 = arith.constant 0 : index
        %get3A_543 = tpu.vector_load %arg6[%get3A_541, %get3A_542] {strides = array<i32>} : memref<3328x16xf32, #tpu.memory_space<vmem>>, vector<1x16xf32>,
        %get3A_544 = vector.shape_cast %get3A_543 : vector<1x16xf32> to vector<16xf32>
        %mul3A_545 = arith.mulf %get3A_544, %gather3A_540 : vector<16xf32>
        %swap3A_546 = arith.index_cast %add3A_524 : i32 to index
        %swap3A_547 = arith.constant 0 : index
        %swap3A_548 = tpu.vector_load %arg6[%swap3A_546, %swap3A_547] {strides = array<i32>} : memref<3328x16xf32, #tpu.memory_space<vmem>>, vector<1x16xf32>,
        %swap3A_549 = vector.shape_cast %swap3A_548 : vector<1x16xf32> to vector<16xf32>
        %swap3A_550 = vector.shape_cast %mul3A_545 : vector<16xf32> to vector<1x16xf32>
        tpu.vector_store %arg6[%swap3A_546, %swap3A_547], %swap3A_550 {strides = array<i32>} : memref<3328x16xf32, #tpu.memory_space<vmem>>, vector<1x16xf32>,
        %mul3A_551 = arith.constant 16 : i32
        %mul3A_552 = arith.muli %scan3A_329, %mul3A_551 : i32
        %add3A_553 = arith.constant 7 : i32
        %add3A_554 = arith.addi %mul3A_552, %add3A_553 : i32
        %mul3A_555 = arith.constant 0 : i32
        %mul3A_556 = vector.broadcast %mul3A_555 : i32 to vector<16xi32>
        %mul3A_557 = arith.muli %iota3A, %mul3A_556 : vector<16xi32>
        %add3A_558 = arith.constant 7 : i32
        %add3A_559 = vector.broadcast %add3A_558 : i32 to vector<16xi32>
        %add3A_560 = arith.addi %mul3A_557, %add3A_559 : vector<16xi32>
        %lt3A_561 = arith.constant 0 : i32
        %lt3A_562 = vector.broadcast %lt3A_561 : i32 to vector<16xi32>
        %lt3A_563 = arith.cmpi slt, %add3A_560, %lt3A_562 : vector<16xi32>
        %add3A_564 = arith.constant 16 : i32
        %add3A_565 = vector.broadcast %add3A_564 : i32 to vector<16xi32>
        %add3A_566 = arith.addi %add3A_560, %add3A_565 : vector<16xi32>
        %select_n3A_567 = arith.select %lt3A_563, %add3A_566, %add3A_560 : vector<16xi1>, vector<16xi32>
        %broadcast_in_dim3A_568 = vector.shape_cast %select_n3A_567 : vector<16xi32> to vector<16x1xi32>
        %gather3A_569 = vector.shape_cast %broadcast_in_dim3A_568 : vector<16x1xi32> to vector<16xi32>
        %gather3A_570 = tpu.dynamic_gather %select_n3A_341[%gather3A_569] in [0] : vector<16xf32>, vector<16xi32> -> vector<16xf32>
        %get3A_571 = arith.index_cast %add3A_554 : i32 to index
        %get3A_572 = arith.constant 0 : index
        %get3A_573 = tpu.vector_load %arg6[%get3A_571, %get3A_572] {strides = array<i32>} : memref<3328x16xf32, #tpu.memory_space<vmem>>, vector<1x16xf32>,
        %get3A_574 = vector.shape_cast %get3A_573 : vector<1x16xf32> to vector<16xf32>
        %mul3A_575 = arith.mulf %get3A_574, %gather3A_570 : vector<16xf32>
        %swap3A_576 = arith.index_cast %add3A_554 : i32 to index
        %swap3A_577 = arith.constant 0 : index
        %swap3A_578 = tpu.vector_load %arg6[%swap3A_576, %swap3A_577] {strides = array<i32>} : memref<3328x16xf32, #tpu.memory_space<vmem>>, vector<1x16xf32>,
        %swap3A_579 = vector.shape_cast %swap3A_578 : vector<1x16xf32> to vector<16xf32>
        %swap3A_580 = vector.shape_cast %mul3A_575 : vector<16xf32> to vector<1x16xf32>
        tpu.vector_store %arg6[%swap3A_576, %swap3A_577], %swap3A_580 {strides = array<i32>} : memref<3328x16xf32, #tpu.memory_space<vmem>>, vector<1x16xf32>,
        %mul3A_581 = arith.constant 16 : i32
        %mul3A_582 = arith.muli %scan3A_329, %mul3A_581 : i32
        %add3A_583 = arith.constant 8 : i32
        %add3A_584 = arith.addi %mul3A_582, %add3A_583 : i32
        %mul3A_585 = arith.constant 0 : i32
        %mul3A_586 = vector.broadcast %mul3A_585 : i32 to vector<16xi32>
        %mul3A_587 = arith.muli %iota3A, %mul3A_586 : vector<16xi32>
        %add3A_588 = arith.constant 8 : i32
        %add3A_589 = vector.broadcast %add3A_588 : i32 to vector<16xi32>
        %add3A_590 = arith.addi %mul3A_587, %add3A_589 : vector<16xi32>
        %lt3A_591 = arith.constant 0 : i32
        %lt3A_592 = vector.broadcast %lt3A_591 : i32 to vector<16xi32>
        %lt3A_593 = arith.cmpi slt, %add3A_590, %lt3A_592 : vector<16xi32>
        %add3A_594 = arith.constant 16 : i32
        %add3A_595 = vector.broadcast %add3A_594 : i32 to vector<16xi32>
        %add3A_596 = arith.addi %add3A_590, %add3A_595 : vector<16xi32>
        %select_n3A_597 = arith.select %lt3A_593, %add3A_596, %add3A_590 : vector<16xi1>, vector<16xi32>
        %broadcast_in_dim3A_598 = vector.shape_cast %select_n3A_597 : vector<16xi32> to vector<16x1xi32>
        %gather3A_599 = vector.shape_cast %broadcast_in_dim3A_598 : vector<16x1xi32> to vector<16xi32>
        %gather3A_600 = tpu.dynamic_gather %select_n3A_341[%gather3A_599] in [0] : vector<16xf32>, vector<16xi32> -> vector<16xf32>
        %get3A_601 = arith.index_cast %add3A_584 : i32 to index
        %get3A_602 = arith.constant 0 : index
        %get3A_603 = tpu.vector_load %arg6[%get3A_601, %get3A_602] {strides = array<i32>} : memref<3328x16xf32, #tpu.memory_space<vmem>>, vector<1x16xf32>,
        %get3A_604 = vector.shape_cast %get3A_603 : vector<1x16xf32> to vector<16xf32>
        %mul3A_605 = arith.mulf %get3A_604, %gather3A_600 : vector<16xf32>
        %swap3A_606 = arith.index_cast %add3A_584 : i32 to index
        %swap3A_607 = arith.constant 0 : index
        %swap3A_608 = tpu.vector_load %arg6[%swap3A_606, %swap3A_607] {strides = array<i32>} : memref<3328x16xf32, #tpu.memory_space<vmem>>, vector<1x16xf32>,
        %swap3A_609 = vector.shape_cast %swap3A_608 : vector<1x16xf32> to vector<16xf32>
        %swap3A_610 = vector.shape_cast %mul3A_605 : vector<16xf32> to vector<1x16xf32>
        tpu.vector_store %arg6[%swap3A_606, %swap3A_607], %swap3A_610 {strides = array<i32>} : memref<3328x16xf32, #tpu.memory_space<vmem>>, vector<1x16xf32>,
        %mul3A_611 = arith.constant 16 : i32
        %mul3A_612 = arith.muli %scan3A_329, %mul3A_611 : i32
        %add3A_613 = arith.constant 9 : i32
        %add3A_614 = arith.addi %mul3A_612, %add3A_613 : i32
        %mul3A_615 = arith.constant 0 : i32
        %mul3A_616 = vector.broadcast %mul3A_615 : i32 to vector<16xi32>
        %mul3A_617 = arith.muli %iota3A, %mul3A_616 : vector<16xi32>
        %add3A_618 = arith.constant 9 : i32
        %add3A_619 = vector.broadcast %add3A_618 : i32 to vector<16xi32>
        %add3A_620 = arith.addi %mul3A_617, %add3A_619 : vector<16xi32>
        %lt3A_621 = arith.constant 0 : i32
        %lt3A_622 = vector.broadcast %lt3A_621 : i32 to vector<16xi32>
        %lt3A_623 = arith.cmpi slt, %add3A_620, %lt3A_622 : vector<16xi32>
        %add3A_624 = arith.constant 16 : i32
        %add3A_625 = vector.broadcast %add3A_624 : i32 to vector<16xi32>
        %add3A_626 = arith.addi %add3A_620, %add3A_625 : vector<16xi32>
        %select_n3A_627 = arith.select %lt3A_623, %add3A_626, %add3A_620 : vector<16xi1>, vector<16xi32>
        %broadcast_in_dim3A_628 = vector.shape_cast %select_n3A_627 : vector<16xi32> to vector<16x1xi32>
        %gather3A_629 = vector.shape_cast %broadcast_in_dim3A_628 : vector<16x1xi32> to vector<16xi32>
        %gather3A_630 = tpu.dynamic_gather %select_n3A_341[%gather3A_629] in [0] : vector<16xf32>, vector<16xi32> -> vector<16xf32>
        %get3A_631 = arith.index_cast %add3A_614 : i32 to index
        %get3A_632 = arith.constant 0 : index
        %get3A_633 = tpu.vector_load %arg6[%get3A_631, %get3A_632] {strides = array<i32>} : memref<3328x16xf32, #tpu.memory_space<vmem>>, vector<1x16xf32>,
        %get3A_634 = vector.shape_cast %get3A_633 : vector<1x16xf32> to vector<16xf32>
        %mul3A_635 = arith.mulf %get3A_634, %gather3A_630 : vector<16xf32>
        %swap3A_636 = arith.index_cast %add3A_614 : i32 to index
        %swap3A_637 = arith.constant 0 : index
        %swap3A_638 = tpu.vector_load %arg6[%swap3A_636, %swap3A_637] {strides = array<i32>} : memref<3328x16xf32, #tpu.memory_space<vmem>>, vector<1x16xf32>,
        %swap3A_639 = vector.shape_cast %swap3A_638 : vector<1x16xf32> to vector<16xf32>
        %swap3A_640 = vector.shape_cast %mul3A_635 : vector<16xf32> to vector<1x16xf32>
        tpu.vector_store %arg6[%swap3A_636, %swap3A_637], %swap3A_640 {strides = array<i32>} : memref<3328x16xf32, #tpu.memory_space<vmem>>, vector<1x16xf32>,
        %mul3A_641 = arith.constant 16 : i32
        %mul3A_642 = arith.muli %scan3A_329, %mul3A_641 : i32
        %add3A_643 = arith.constant 10 : i32
        %add3A_644 = arith.addi %mul3A_642, %add3A_643 : i32
        %mul3A_645 = arith.constant 0 : i32
        %mul3A_646 = vector.broadcast %mul3A_645 : i32 to vector<16xi32>
        %mul3A_647 = arith.muli %iota3A, %mul3A_646 : vector<16xi32>
        %add3A_648 = arith.constant 10 : i32
        %add3A_649 = vector.broadcast %add3A_648 : i32 to vector<16xi32>
        %add3A_650 = arith.addi %mul3A_647, %add3A_649 : vector<16xi32>
        %lt3A_651 = arith.constant 0 : i32
        %lt3A_652 = vector.broadcast %lt3A_651 : i32 to vector<16xi32>
        %lt3A_653 = arith.cmpi slt, %add3A_650, %lt3A_652 : vector<16xi32>
        %add3A_654 = arith.constant 16 : i32
        %add3A_655 = vector.broadcast %add3A_654 : i32 to vector<16xi32>
        %add3A_656 = arith.addi %add3A_650, %add3A_655 : vector<16xi32>
        %select_n3A_657 = arith.select %lt3A_653, %add3A_656, %add3A_650 : vector<16xi1>, vector<16xi32>
        %broadcast_in_dim3A_658 = vector.shape_cast %select_n3A_657 : vector<16xi32> to vector<16x1xi32>
        %gather3A_659 = vector.shape_cast %broadcast_in_dim3A_658 : vector<16x1xi32> to vector<16xi32>
        %gather3A_660 = tpu.dynamic_gather %select_n3A_341[%gather3A_659] in [0] : vector<16xf32>, vector<16xi32> -> vector<16xf32>
        %get3A_661 = arith.index_cast %add3A_644 : i32 to index
        %get3A_662 = arith.constant 0 : index
        %get3A_663 = tpu.vector_load %arg6[%get3A_661, %get3A_662] {strides = array<i32>} : memref<3328x16xf32, #tpu.memory_space<vmem>>, vector<1x16xf32>,
        %get3A_664 = vector.shape_cast %get3A_663 : vector<1x16xf32> to vector<16xf32>
        %mul3A_665 = arith.mulf %get3A_664, %gather3A_660 : vector<16xf32>
        %swap3A_666 = arith.index_cast %add3A_644 : i32 to index
        %swap3A_667 = arith.constant 0 : index
        %swap3A_668 = tpu.vector_load %arg6[%swap3A_666, %swap3A_667] {strides = array<i32>} : memref<3328x16xf32, #tpu.memory_space<vmem>>, vector<1x16xf32>,
        %swap3A_669 = vector.shape_cast %swap3A_668 : vector<1x16xf32> to vector<16xf32>
        %swap3A_670 = vector.shape_cast %mul3A_665 : vector<16xf32> to vector<1x16xf32>
        tpu.vector_store %arg6[%swap3A_666, %swap3A_667], %swap3A_670 {strides = array<i32>} : memref<3328x16xf32, #tpu.memory_space<vmem>>, vector<1x16xf32>,
        %mul3A_671 = arith.constant 16 : i32
        %mul3A_672 = arith.muli %scan3A_329, %mul3A_671 : i32
        %add3A_673 = arith.constant 11 : i32
        %add3A_674 = arith.addi %mul3A_672, %add3A_673 : i32
        %mul3A_675 = arith.constant 0 : i32
        %mul3A_676 = vector.broadcast %mul3A_675 : i32 to vector<16xi32>
        %mul3A_677 = arith.muli %iota3A, %mul3A_676 : vector<16xi32>
        %add3A_678 = arith.constant 11 : i32
        %add3A_679 = vector.broadcast %add3A_678 : i32 to vector<16xi32>
        %add3A_680 = arith.addi %mul3A_677, %add3A_679 : vector<16xi32>
        %lt3A_681 = arith.constant 0 : i32
        %lt3A_682 = vector.broadcast %lt3A_681 : i32 to vector<16xi32>
        %lt3A_683 = arith.cmpi slt, %add3A_680, %lt3A_682 : vector<16xi32>
        %add3A_684 = arith.constant 16 : i32
        %add3A_685 = vector.broadcast %add3A_684 : i32 to vector<16xi32>
        %add3A_686 = arith.addi %add3A_680, %add3A_685 : vector<16xi32>
        %select_n3A_687 = arith.select %lt3A_683, %add3A_686, %add3A_680 : vector<16xi1>, vector<16xi32>
        %broadcast_in_dim3A_688 = vector.shape_cast %select_n3A_687 : vector<16xi32> to vector<16x1xi32>
        %gather3A_689 = vector.shape_cast %broadcast_in_dim3A_688 : vector<16x1xi32> to vector<16xi32>
        %gather3A_690 = tpu.dynamic_gather %select_n3A_341[%gather3A_689] in [0] : vector<16xf32>, vector<16xi32> -> vector<16xf32>
        %get3A_691 = arith.index_cast %add3A_674 : i32 to index
        %get3A_692 = arith.constant 0 : index
        %get3A_693 = tpu.vector_load %arg6[%get3A_691, %get3A_692] {strides = array<i32>} : memref<3328x16xf32, #tpu.memory_space<vmem>>, vector<1x16xf32>,
        %get3A_694 = vector.shape_cast %get3A_693 : vector<1x16xf32> to vector<16xf32>
        %mul3A_695 = arith.mulf %get3A_694, %gather3A_690 : vector<16xf32>
        %swap3A_696 = arith.index_cast %add3A_674 : i32 to index
        %swap3A_697 = arith.constant 0 : index
        %swap3A_698 = tpu.vector_load %arg6[%swap3A_696, %swap3A_697] {strides = array<i32>} : memref<3328x16xf32, #tpu.memory_space<vmem>>, vector<1x16xf32>,
        %swap3A_699 = vector.shape_cast %swap3A_698 : vector<1x16xf32> to vector<16xf32>
        %swap3A_700 = vector.shape_cast %mul3A_695 : vector<16xf32> to vector<1x16xf32>
        tpu.vector_store %arg6[%swap3A_696, %swap3A_697], %swap3A_700 {strides = array<i32>} : memref<3328x16xf32, #tpu.memory_space<vmem>>, vector<1x16xf32>,
        %mul3A_701 = arith.constant 16 : i32
        %mul3A_702 = arith.muli %scan3A_329, %mul3A_701 : i32
        %add3A_703 = arith.constant 12 : i32
        %add3A_704 = arith.addi %mul3A_702, %add3A_703 : i32
        %mul3A_705 = arith.constant 0 : i32
        %mul3A_706 = vector.broadcast %mul3A_705 : i32 to vector<16xi32>
        %mul3A_707 = arith.muli %iota3A, %mul3A_706 : vector<16xi32>
        %add3A_708 = arith.constant 12 : i32
        %add3A_709 = vector.broadcast %add3A_708 : i32 to vector<16xi32>
        %add3A_710 = arith.addi %mul3A_707, %add3A_709 : vector<16xi32>
        %lt3A_711 = arith.constant 0 : i32
        %lt3A_712 = vector.broadcast %lt3A_711 : i32 to vector<16xi32>
        %lt3A_713 = arith.cmpi slt, %add3A_710, %lt3A_712 : vector<16xi32>
        %add3A_714 = arith.constant 16 : i32
        %add3A_715 = vector.broadcast %add3A_714 : i32 to vector<16xi32>
        %add3A_716 = arith.addi %add3A_710, %add3A_715 : vector<16xi32>
        %select_n3A_717 = arith.select %lt3A_713, %add3A_716, %add3A_710 : vector<16xi1>, vector<16xi32>
        %broadcast_in_dim3A_718 = vector.shape_cast %select_n3A_717 : vector<16xi32> to vector<16x1xi32>
        %gather3A_719 = vector.shape_cast %broadcast_in_dim3A_718 : vector<16x1xi32> to vector<16xi32>
        %gather3A_720 = tpu.dynamic_gather %select_n3A_341[%gather3A_719] in [0] : vector<16xf32>, vector<16xi32> -> vector<16xf32>
        %get3A_721 = arith.index_cast %add3A_704 : i32 to index
        %get3A_722 = arith.constant 0 : index
        %get3A_723 = tpu.vector_load %arg6[%get3A_721, %get3A_722] {strides = array<i32>} : memref<3328x16xf32, #tpu.memory_space<vmem>>, vector<1x16xf32>,
        %get3A_724 = vector.shape_cast %get3A_723 : vector<1x16xf32> to vector<16xf32>
        %mul3A_725 = arith.mulf %get3A_724, %gather3A_720 : vector<16xf32>
        %swap3A_726 = arith.index_cast %add3A_704 : i32 to index
        %swap3A_727 = arith.constant 0 : index
        %swap3A_728 = tpu.vector_load %arg6[%swap3A_726, %swap3A_727] {strides = array<i32>} : memref<3328x16xf32, #tpu.memory_space<vmem>>, vector<1x16xf32>,
        %swap3A_729 = vector.shape_cast %swap3A_728 : vector<1x16xf32> to vector<16xf32>
        %swap3A_730 = vector.shape_cast %mul3A_725 : vector<16xf32> to vector<1x16xf32>
        tpu.vector_store %arg6[%swap3A_726, %swap3A_727], %swap3A_730 {strides = array<i32>} : memref<3328x16xf32, #tpu.memory_space<vmem>>, vector<1x16xf32>,
        %mul3A_731 = arith.constant 16 : i32
        %mul3A_732 = arith.muli %scan3A_329, %mul3A_731 : i32
        %add3A_733 = arith.constant 13 : i32
        %add3A_734 = arith.addi %mul3A_732, %add3A_733 : i32
        %mul3A_735 = arith.constant 0 : i32
        %mul3A_736 = vector.broadcast %mul3A_735 : i32 to vector<16xi32>
        %mul3A_737 = arith.muli %iota3A, %mul3A_736 : vector<16xi32>
        %add3A_738 = arith.constant 13 : i32
        %add3A_739 = vector.broadcast %add3A_738 : i32 to vector<16xi32>
        %add3A_740 = arith.addi %mul3A_737, %add3A_739 : vector<16xi32>
        %lt3A_741 = arith.constant 0 : i32
        %lt3A_742 = vector.broadcast %lt3A_741 : i32 to vector<16xi32>
        %lt3A_743 = arith.cmpi slt, %add3A_740, %lt3A_742 : vector<16xi32>
        %add3A_744 = arith.constant 16 : i32
        %add3A_745 = vector.broadcast %add3A_744 : i32 to vector<16xi32>
        %add3A_746 = arith.addi %add3A_740, %add3A_745 : vector<16xi32>
        %select_n3A_747 = arith.select %lt3A_743, %add3A_746, %add3A_740 : vector<16xi1>, vector<16xi32>
        %broadcast_in_dim3A_748 = vector.shape_cast %select_n3A_747 : vector<16xi32> to vector<16x1xi32>
        %gather3A_749 = vector.shape_cast %broadcast_in_dim3A_748 : vector<16x1xi32> to vector<16xi32>
        %gather3A_750 = tpu.dynamic_gather %select_n3A_341[%gather3A_749] in [0] : vector<16xf32>, vector<16xi32> -> vector<16xf32>
        %get3A_751 = arith.index_cast %add3A_734 : i32 to index
        %get3A_752 = arith.constant 0 : index
        %get3A_753 = tpu.vector_load %arg6[%get3A_751, %get3A_752] {strides = array<i32>} : memref<3328x16xf32, #tpu.memory_space<vmem>>, vector<1x16xf32>,
        %get3A_754 = vector.shape_cast %get3A_753 : vector<1x16xf32> to vector<16xf32>
        %mul3A_755 = arith.mulf %get3A_754, %gather3A_750 : vector<16xf32>
        %swap3A_756 = arith.index_cast %add3A_734 : i32 to index
        %swap3A_757 = arith.constant 0 : index
        %swap3A_758 = tpu.vector_load %arg6[%swap3A_756, %swap3A_757] {strides = array<i32>} : memref<3328x16xf32, #tpu.memory_space<vmem>>, vector<1x16xf32>,
        %swap3A_759 = vector.shape_cast %swap3A_758 : vector<1x16xf32> to vector<16xf32>
        %swap3A_760 = vector.shape_cast %mul3A_755 : vector<16xf32> to vector<1x16xf32>
        tpu.vector_store %arg6[%swap3A_756, %swap3A_757], %swap3A_760 {strides = array<i32>} : memref<3328x16xf32, #tpu.memory_space<vmem>>, vector<1x16xf32>,
        %mul3A_761 = arith.constant 16 : i32
        %mul3A_762 = arith.muli %scan3A_329, %mul3A_761 : i32
        %add3A_763 = arith.constant 14 : i32
        %add3A_764 = arith.addi %mul3A_762, %add3A_763 : i32
        %mul3A_765 = arith.constant 0 : i32
        %mul3A_766 = vector.broadcast %mul3A_765 : i32 to vector<16xi32>
        %mul3A_767 = arith.muli %iota3A, %mul3A_766 : vector<16xi32>
        %add3A_768 = arith.constant 14 : i32
        %add3A_769 = vector.broadcast %add3A_768 : i32 to vector<16xi32>
        %add3A_770 = arith.addi %mul3A_767, %add3A_769 : vector<16xi32>
        %lt3A_771 = arith.constant 0 : i32
        %lt3A_772 = vector.broadcast %lt3A_771 : i32 to vector<16xi32>
        %lt3A_773 = arith.cmpi slt, %add3A_770, %lt3A_772 : vector<16xi32>
        %add3A_774 = arith.constant 16 : i32
        %add3A_775 = vector.broadcast %add3A_774 : i32 to vector<16xi32>
        %add3A_776 = arith.addi %add3A_770, %add3A_775 : vector<16xi32>
        %select_n3A_777 = arith.select %lt3A_773, %add3A_776, %add3A_770 : vector<16xi1>, vector<16xi32>
        %broadcast_in_dim3A_778 = vector.shape_cast %select_n3A_777 : vector<16xi32> to vector<16x1xi32>
        %gather3A_779 = vector.shape_cast %broadcast_in_dim3A_778 : vector<16x1xi32> to vector<16xi32>
        %gather3A_780 = tpu.dynamic_gather %select_n3A_341[%gather3A_779] in [0] : vector<16xf32>, vector<16xi32> -> vector<16xf32>
        %get3A_781 = arith.index_cast %add3A_764 : i32 to index
        %get3A_782 = arith.constant 0 : index
        %get3A_783 = tpu.vector_load %arg6[%get3A_781, %get3A_782] {strides = array<i32>} : memref<3328x16xf32, #tpu.memory_space<vmem>>, vector<1x16xf32>,
        %get3A_784 = vector.shape_cast %get3A_783 : vector<1x16xf32> to vector<16xf32>
        %mul3A_785 = arith.mulf %get3A_784, %gather3A_780 : vector<16xf32>
        %swap3A_786 = arith.index_cast %add3A_764 : i32 to index
        %swap3A_787 = arith.constant 0 : index
        %swap3A_788 = tpu.vector_load %arg6[%swap3A_786, %swap3A_787] {strides = array<i32>} : memref<3328x16xf32, #tpu.memory_space<vmem>>, vector<1x16xf32>,
        %swap3A_789 = vector.shape_cast %swap3A_788 : vector<1x16xf32> to vector<16xf32>
        %swap3A_790 = vector.shape_cast %mul3A_785 : vector<16xf32> to vector<1x16xf32>
        tpu.vector_store %arg6[%swap3A_786, %swap3A_787], %swap3A_790 {strides = array<i32>} : memref<3328x16xf32, #tpu.memory_space<vmem>>, vector<1x16xf32>,
        %mul3A_791 = arith.constant 16 : i32
        %mul3A_792 = arith.muli %scan3A_329, %mul3A_791 : i32
        %add3A_793 = arith.constant 15 : i32
        %add3A_794 = arith.addi %mul3A_792, %add3A_793 : i32
        %mul3A_795 = arith.constant 0 : i32
        %mul3A_796 = vector.broadcast %mul3A_795 : i32 to vector<16xi32>
        %mul3A_797 = arith.muli %iota3A, %mul3A_796 : vector<16xi32>
        %add3A_798 = arith.constant 15 : i32
        %add3A_799 = vector.broadcast %add3A_798 : i32 to vector<16xi32>
        %add3A_800 = arith.addi %mul3A_797, %add3A_799 : vector<16xi32>
        %lt3A_801 = arith.constant 0 : i32
        %lt3A_802 = vector.broadcast %lt3A_801 : i32 to vector<16xi32>
        %lt3A_803 = arith.cmpi slt, %add3A_800, %lt3A_802 : vector<16xi32>
        %add3A_804 = arith.constant 16 : i32
        %add3A_805 = vector.broadcast %add3A_804 : i32 to vector<16xi32>
        %add3A_806 = arith.addi %add3A_800, %add3A_805 : vector<16xi32>
        %select_n3A_807 = arith.select %lt3A_803, %add3A_806, %add3A_800 : vector<16xi1>, vector<16xi32>
        %broadcast_in_dim3A_808 = vector.shape_cast %select_n3A_807 : vector<16xi32> to vector<16x1xi32>
        %gather3A_809 = vector.shape_cast %broadcast_in_dim3A_808 : vector<16x1xi32> to vector<16xi32>
        %gather3A_810 = tpu.dynamic_gather %select_n3A_341[%gather3A_809] in [0] : vector<16xf32>, vector<16xi32> -> vector<16xf32>
        %get3A_811 = arith.index_cast %add3A_794 : i32 to index
        %get3A_812 = arith.constant 0 : index
        %get3A_813 = tpu.vector_load %arg6[%get3A_811, %get3A_812] {strides = array<i32>} : memref<3328x16xf32, #tpu.memory_space<vmem>>, vector<1x16xf32>,
        %get3A_814 = vector.shape_cast %get3A_813 : vector<1x16xf32> to vector<16xf32>
        %mul3A_815 = arith.mulf %get3A_814, %gather3A_810 : vector<16xf32>
        %swap3A_816 = arith.index_cast %add3A_794 : i32 to index
        %swap3A_817 = arith.constant 0 : index
        %swap3A_818 = tpu.vector_load %arg6[%swap3A_816, %swap3A_817] {strides = array<i32>} : memref<3328x16xf32, #tpu.memory_space<vmem>>, vector<1x16xf32>,
        %swap3A_819 = vector.shape_cast %swap3A_818 : vector<1x16xf32> to vector<16xf32>
        %swap3A_820 = vector.shape_cast %mul3A_815 : vector<16xf32> to vector<1x16xf32>
        tpu.vector_store %arg6[%swap3A_816, %swap3A_817], %swap3A_820 {strides = array<i32>} : memref<3328x16xf32, #tpu.memory_space<vmem>>, vector<1x16xf32>,
      }
      %scan3A_328 = arith.constant 208 : i32
    } else {
    }
    %add3A_321 = arith.constant 9984 : i32
    %add3A_322 = arith.addi %mul3A_2, %add3A_321 : i32
    "tpu.region"() ({
      %run_scoped3A = tpu.sem_alloc : memref<!tpu.dma_semaphore, #tpu.memory_space<semaphore_mem>>
      %dma_start3A_323 = arith.constant 0 : i32
      %dma_start3A_324 = tpu.memref_slice %arg4[%add3A_322, %dma_start3A_323] : memref<425984x16xf32, #tpu.memory_space<hbm>> -> memref<3328x16xf32, #tpu.memory_space<hbm>>
      %dma_start3A_325 = arith.constant 0 : i32
      %dma_start3A_326 = tpu.memref_slice %arg4[%add3A_322, %dma_start3A_325] : memref<425984x16xf32, #tpu.memory_space<hbm>> -> memref<3328x16xf32, #tpu.memory_space<hbm>>
      tpu.enqueue_dma source(%arg6 : memref<3328x16xf32, #tpu.memory_space<vmem>>) target(%dma_start3A_326 : memref<3328x16xf32, #tpu.memory_space<hbm>>) target_semaphore(%run_scoped3A : memref<!tpu.dma_semaphore, #tpu.memory_space<semaphore_mem>>)
      %dma_wait3A_327 = arith.constant 0 : i32
      %dma_wait3A_328 = tpu.memref_slice %arg4[%add3A_322, %dma_wait3A_327] : memref<425984x16xf32, #tpu.memory_space<hbm>> -> memref<3328x16xf32, #tpu.memory_space<hbm>>
      %dma_wait3A_329 = arith.constant 0 : i32
      %dma_wait3A_330 = tpu.memref_slice %arg4[%add3A_322, %dma_wait3A_329] : memref<425984x16xf32, #tpu.memory_space<hbm>> -> memref<3328x16xf32, #tpu.memory_space<hbm>>
      tpu.wait_dma2 semaphore(%run_scoped3A : memref<!tpu.dma_semaphore, #tpu.memory_space<semaphore_mem>>) src(%arg6 : memref<3328x16xf32, #tpu.memory_space<vmem>>) dst(%dma_wait3A_330 : memref<3328x16xf32, #tpu.memory_space<hbm>>)
      tpu.yield
    }) : () -> ()
    return
  }
}

</mosaic_0001>

<sc_bundles>
// kernel: kernel.3.cloned.1.call-start
scs
__scs_entry_jumppad:
0x0: {  	(pc) =	sbr.rel $0x88, $3  }
0x1: {  	(tag) =	ssettag $0x0;
	lr =	simm.s32 $0x1  }
0x2: {  	[smem:$0x3F9F] =	sst lr;
	_ =	strace $0xD0000000  }
0x3: {  	_ = 	snop  }
0x4: {  	_ = 	snop  }
0x5: {  	_ = 	snop  }
0x6: {  	_ = 	snop  }
0x7: {  	_ = 	snop  }
__scs_overlays_trampoline_lowered:
0x8: {  	[smem:$0x3FAE] =	sst s0  }
0x9: {  	[smem:$0x3FAF] =	sst s1  }
0xa: {  	[smem:$0x3FB0] =	sst s2  }
0xb: {  	[smem:$0x3FB1] =	sst s3  }
0xc: {  	[smem:$0x3FB2] =	sst s4  }
0xd: {  	[smem:$0x3FB3] =	sst s5  }
0xe: {  	[smem:$0x3FB4] =	sst s6  }
0xf: {  	[smem:$0x3FB5] =	sst s7  }
0x10: {  	[smem:$0x3FB6] =	sst s8  }
0x11: {  	[smem:$0x3FB7] =	sst s9;
	s0 =	simm.s32 @!p0 $0x0  }
0x12: {  	s1 =	sld [smem:$0x3F9D];
	s0 =	simm.s32 @p0 $0x1  }
0x13: {  	[smem:$0x3FB8] =	sst s0;
	s0 =	simm.s32 @!p1 $0x0  }
0x14: {  	s2 =	sld [smem:$0x3F9C];
	s0 =	simm.s32 @p1 $0x1  }
0x15: {  	[smem:$0x3FB9] =	sst s0;
	s0 =	simm.s32 @!p2 $0x0  }
0x16: {  	s3 =	sld [smem:$0x3FDB];
	s0 =	simm.s32 @p2 $0x1  }
0x17: {  	s4 =	simm.s32 $0x1BF5;
	[smem:$0x3FBB] =	sst s0  }
0x18: {  	s0 =	sld [smem:$0x3F9E];
	_ =	swait.ge [sflag:s4], $0x0  }
0x19: {  	s7 =	sld [smem:$0x3F9F]  }
0x1a: {  	s8 =	sadd.s32 $0xFFFFE003, lr  }
0x1b: {  	s9 =	sadd.s32 $0xFFFFFEF7, lr;
	s5 =	simm.s32 $0xFFFFFFFF;
	p2 =	slt.u32 s8, $0xFFFFF086  }
0x1c: {  	p1 =	slt.u32 s9, $0xF7A;
	s5 =	simm.s32 @!p2 $0x0  }
0x1d: {  	s5 =	simm.s32 @p1 $0x1;
	p0 =	seq.s32 s7, s2  }
0x1e: {  	s7 =	smul.u32 @!p0 $0xF7A, s2;
	p2 =	seq.s32 @!p0 s5, $0x0  }
0x1f: {  	s9 =	smul.u32 $0xF7A, s1;
	s8 =	simm.s32 @!p0 $0x1BF5;
	p2 =	por !p2, p0  }
0x20: {  	[sflag:s8] =	ssyncset.s32 @!p0 $0xFFFFF086;
	s6 =	sadd.s32 @!p0 s3, s7;
	s7 =	simm.s32 @!p0 $0x108  }
0x21: {  	s3 =	sadd.s32 s3, s9;
	s6 =	sadd.s32 @!p0 $0x88, s6;
	s7 =	simm.s32 @p2 $0x1082  }
0x22: {  	[simem:s7], [sflag:s8] =	dma.local @!p0 [hbm:s6], $0xF7A  }
0x23: {  	s9 =	sor.u32 $0xD0000000, s2;
	s6 =	simm.s32 $0x108;
	_ =	swait.ge @!p0 [sflag:s8], $0x0  }
0x24: {  	s3 =	sadd.s32 $0x88, s3;
	s6 =	simm.s32 @!p1 $0x1082;
	[sflag:s4] =	ssyncset.s32 $0xFFFFF086  }
0x25: {  	[simem:s6], [sflag:s4] =	dma.local [hbm:s3], $0xF7A  }
0x26: {  	[smem:$0x3F9F] =	sst s1;
	(tag) =	ssettag s2;
	_ =	strace s9  }
0x27: {  	s1 =	sld [smem:$0x3FAF]  }
0x28: {  	s2 =	sld [smem:$0x3FB0]  }
0x29: {  	s4 =	sld [smem:$0x3FB2]  }
0x2a: {  	p0 =	seq.s32 s5, $0x0;
	s5 =	sld [smem:$0x3FB3]  }
0x2b: {  	s6 =	sld [smem:$0x3FB4]  }
0x2c: {  	s7 =	sld [smem:$0x3FB5]  }
0x2d: {  	s3 =	simm.s32 $0x108;
	s8 =	sld [smem:$0x3FB6]  }
0x2e: {  	s3 =	simm.s32 @!p0 $0x1082;
	s9 =	sld [smem:$0x3FB7]  }
0x2f: {  	lr =	sadd.s32 s0, s3;
	s0 =	sld [smem:$0x3FAE]  }
0x30: {  	s3 =	sld [smem:$0x3FB1]  }
0x31: {  	[smem:$0x3FBA] =	sst s10  }
0x32: {  	s10 =	sld [smem:$0x3FB8];
	_ =	sdelay $0x3  }
0x33: {  	p0 =	seq.s32 s10, $0x1;
	s10 =	sld [smem:$0x3FBA];
	_ =	sdelay $0x3  }
0x34: {  	[smem:$0x3FBA] =	sst s10  }
0x35: {  	s10 =	sld [smem:$0x3FB9];
	_ =	sdelay $0x3  }
0x36: {  	p1 =	seq.s32 s10, $0x1;
	s10 =	sld [smem:$0x3FBA];
	_ =	sdelay $0x3  }
0x37: {  	[smem:$0x3FBA] =	sst s10  }
0x38: {  	s10 =	sld [smem:$0x3FBB]  }
0x39: {  	_ = 	snop;
	(pc) =	sbr.ind lr, $3  }
0x3a: {  	_ = 	snop  }
0x3b: {  	_ = 	snop  }
0x3c: {  	p2 =	seq.s32 s10, $0x1;
	s10 =	sld [smem:$0x3FBA]  }
0x3d: {  	_ =	shalt  }
0x3e: {  	_ =	shalt  }
0x3f: {  	_ =	shalt  }
0x40: {  	_ =	shalt  }
0x41: {  	_ =	shalt  }
0x42: {  	_ =	shalt  }
0x43: {  	_ =	shalt  }
0x44: {  	_ =	shalt  }
0x45: {  	_ =	shalt  }
0x46: {  	_ =	shalt  }
0x47: {  	_ =	shalt  }
0x48: {  	_ =	shalt  }
0x49: {  	_ =	shalt  }
0x4a: {  	_ =	shalt  }
0x4b: {  	_ =	shalt  }
0x4c: {  	_ =	shalt  }
0x4d: {  	_ =	shalt  }
0x4e: {  	_ =	shalt  }
0x4f: {  	_ =	shalt  }
0x50: {  	_ =	shalt  }
0x51: {  	_ =	shalt  }
0x52: {  	_ =	shalt  }
0x53: {  	_ =	shalt  }
0x54: {  	_ =	shalt  }
0x55: {  	_ =	shalt  }
0x56: {  	_ =	shalt  }
0x57: {  	_ =	shalt  }
0x58: {  	_ =	shalt  }
0x59: {  	_ =	shalt  }
0x5a: {  	_ =	shalt  }
0x5b: {  	_ =	shalt  }
0x5c: {  	_ =	shalt  }
0x5d: {  	_ =	shalt  }
0x5e: {  	_ =	shalt  }
0x5f: {  	_ =	shalt  }
0x60: {  	_ =	shalt  }
0x61: {  	_ =	shalt  }
0x62: {  	_ =	shalt  }
0x63: {  	_ =	shalt  }
0x64: {  	_ =	shalt  }
0x65: {  	_ =	shalt  }
0x66: {  	_ =	shalt  }
0x67: {  	_ =	shalt  }
0x68: {  	_ =	shalt  }
0x69: {  	_ =	shalt  }
0x6a: {  	_ =	shalt  }
0x6b: {  	_ =	shalt  }
0x6c: {  	_ =	shalt  }
0x6d: {  	_ =	shalt  }
0x6e: {  	_ =	shalt  }
0x6f: {  	_ =	shalt  }
0x70: {  	_ =	shalt  }
0x71: {  	_ =	shalt  }
0x72: {  	_ =	shalt  }
0x73: {  	_ =	shalt  }
0x74: {  	_ =	shalt  }
0x75: {  	_ =	shalt  }
0x76: {  	_ =	shalt  }
0x77: {  	_ =	shalt  }
0x78: {  	_ =	shalt  }
0x79: {  	_ =	shalt  }
0x7a: {  	_ =	shalt  }
0x7b: {  	_ =	shalt  }
0x7c: {  	_ =	shalt  }
0x7d: {  	_ =	shalt  }
0x7e: {  	_ =	shalt  }
0x7f: {  	_ =	shalt  }
0x80: {  	_ =	shalt  }
0x81: {  	_ =	shalt  }
0x82: {  	_ =	shalt  }
0x83: {  	_ =	shalt  }
0x84: {  	_ =	shalt  }
0x85: {  	_ =	shalt  }
0x86: {  	_ =	shalt  }
0x87: {  	_ =	shalt  }
.Lfunc_end0:
.L_simem_size_0:
called_computation_lowered:
.L_overlay_start_0:
0x88: {  	s2 =	sld [smem:$0x3FD9]  }
0x89: {  	s3 =	sld [smem:$0x3FFE];
	_ =	sdelay $0x1  }
0x8a: {  	s1 =	srdreg.scid  }
0x8b: {  	s0 =	sand.u32 $0x1, s1  }
0x8c: {  	s17 =	sshll.u32 s0, $0xA;
	s2 =	sadd.s32 s3, s2  }
0x8d: {  	s2 =	sadd.s32 s2, s17  }
0x8e: {  	[smem:$0x3FC6] =	sst s2  }
0x8f: {  	_ = 	snop  }
0x90: {  	s2 =	sld [smem:$0x3FD0];
	(tm) =	ssettm $0x1  }
0x91: {  	s18 =	sld [smem:$0x3FFB];
	_ =	sdelay $0x3  }
0x92: {  	_ =	strace s18  }
0x93: {  	s3 =	sld [smem:$0x3FFC];
	_ =	sdelay $0x3  }
0x94: {  	_ =	strace s3  }
0x95: {  	s3 =	sld [smem:$0x3FFD];
	_ =	sdelay $0x3  }
0x96: {  	_ =	strace s3  }
0x97: {  	_ =	strace $0x8FFFFFFF  }
0x98: {  	s19 =	sld [smem:$0x3FDB];
	_ =	sdelay $0x1  }
0x99: {  	s4 =	simm.s32 $_scs_section_size  }
0x9a: {  	s5 =	simm.s32 $_size__tile_overlayer_lowered;
	s6 =	simm.s32 $_tile_overlayer_lowered  }
0x9b: {  	s22 =	simm.s32 $0x1BFF;
	s21 =	sshll.u32 s6, $0x1;
	s3 =	sadd.s32 s4, s19  }
0x9c: {  	s7 =	simm.s32 $0x0;
	s20 =	sshll.u32 s5, $0x1;
	s5 =	sadd.s32 s21, s3  }
0x9d: {  	[timem:s7], [sflag:s22] =	dma.local [hbm:s5], s20  }
0x9e: {  	_ =	swait.ge [sflag:s22], s20  }
0x9f: {  	s4 =	ssub.s32 $0x0, s20;
	[sflag:s22] =	ssyncset.done $0x0  }
0xa0: {  	[sflag:s22] =	ssyncadd.s32 s4;
	_ =	sdelay $0x1  }
0xa1: {  	s23 =	simm.s32 $0x1B8B  }
0xa2: {  	_ =	swait.ge [sflag:s23], $0x1  }
0xa3: {  	[sflag:s23] =	ssyncset.done $0x0  }
0xa4: {  	s25 =	simm.s32 $0x1B8E;
	s24 =	sld [smem:$0x3FFE];
	[sflag:s23] =	ssyncadd.s32 $0xFFFFFFFF  }
0xa5: {  	s26 =	simm.s32 $execute0_lowered;
	[smem:$0x3FD2] =	sst s25  }
0xa6: {  	s5 =	sshll.u32 s26, $0x1;
	_ =	strace $0x80000046;
	[dreg:$0x1] =	wrdreg $0xFFFFFFFF  }
0xa7: {  	s28 =	simm.s32 $_size_execute0_lowered;
	s3 =	sadd.s32 s3, s5;
	[dreg:$0x0] =	wrdreg $0x0  }
0xa8: {  	s5 =	sshll.u32 s28, $0x1;
	[dreg:$0x2] =	wrdreg s3  }
0xa9: {  	[dreg:$0x3] =	wrdreg s5  }
0xaa: {  	[dreg:$0x4] =	wrdreg $0xC0  }
0xab: {  	_ =	task [dreg:s7], $0x5FFFF  }
0xac: {  	[dreg:$0x1] =	wrdreg $0xFFFFFFFF  }
0xad: {  	[dreg:$0x0] =	wrdreg $0x60  }
0xae: {  	[dreg:$0x2] =	wrdreg s24  }
0xaf: {  	[dreg:$0x3] =	wrdreg s2  }
0xb0: {  	[dreg:$0x4] =	wrdreg $0x9  }
0xb1: {  	_ =	task.clear_ibuf [dreg:s7], $0x5FFFF;
	_ =	strace $0x90000046  }
0xb2: {  	s29 =	simm.s32 $0x9;
	_ =	strace $0x80000048  }
0xb3: {  	_ =	swait.ge [sflag:s29], $0x1  }
0xb4: {  	[sflag:s29] =	ssyncadd.s32 $0xFFFFFFFF  }
0xb5: {  	_ =	strace $0x90000048  }
0xb6: {  	_ =	sfence  }
0xb7: {  	s30 =	sld [smem:$0x0];
	_ =	sdelay $0x2  }
0xb8: {  	s31 =	sshll.u32 s1, $0xD;
	s1 =	sshrl.u32 s1, $0x2  }
0xb9: {  	s3 =	sand.u32 $0x4000, s31;
	s1 =	sadd.s32 s1, s30  }
0xba: {  	s0 =	sor.u32 s3, s0;
	s1 =	sshll.u32 s1, $0x11  }
0xbb: {  	s0 =	sor.u32 s1, s0  }
0xbc: {  	s0 =	sadd.s32 $0x8F2B, s0  }
0xbd: {  	[sflag:s0] =	ssyncadd.remote.s32 $0x1  }
0xbe: {  	_ =	sfence.sel $0xFFFF  }
0xbf: {  	[dreg:$0x0] =	wrdreg $0xFFFFFFFF;
	(pc) =	sbr.abs _section_cstart, $3  }
0xc0: {  	[dreg:$0x1] =	wrdreg $0xFFFFFFFF  }
0xc1: {  	_ =	task.clear_ibuf [dreg:s7], $0x2FFFF;
	_ =	strace $0x9FFFFFFF  }
0xc2: {  	(tm) =	ssettm $0x7FFFFFFF  }
0xc3: {  	_ =	shalt  }
tec
execute0_lowered:
.L_overlay_start_1:
0x0: {  	(tag) =	ssettag $0x1  }
0x1: {  	v0 =	vimm.s32 $0xFEDCBA98  }
0x2: {  	v1 =	vimm.s32 $0x76543210;
	v3 =	vimm.s32 $0x32107654;
	v4 =	vimm.s32 $0xDCFE98BA  }
0x3: {  	v5 =	vimm.s32 $0x54761032;
	v6 =	vimm.s32 $0xEFCDAB89;
	v7 =	vimm.s32 $0x67452301  }
0x4: {  	v9 =	vimm.s32 $0x4;
	v10 =	vimm.s32 $0x5;
	v11 =	vimm.s32 $0x6  }
0x5: {  	s3 =	rddreg [dreg:$0x0];
	s1 =	srdreg.scid;
	v12 =	vimm.s32 $0x7;
	v13 =	vimm.s32 $0x8;
	v0 =	vunpack.c.l.s4.s8 v0  }
0x6: {  	s0 =	stileid.u32;
	s5 =	rddreg [dreg:$0x1];
	s2 =	simm.s32 $0x0;
	v14 =	vimm.s32 $0x9;
	v15 =	vimm.s32 $0xA;
	v16 =	vimm.s32 $0xB  }
0x7: {  	s10 =	simm.s32 $0x2;
	s11 =	simm.s32 $0xD00;
	s12 =	simm.s32 $0x3400;
	v17 =	vimm.s32 $0xC;
	v18 =	vimm.s32 $0xD;
	v0 =	vunpack.c.0.s8.s32 v0  }
0x8: {  	s13 =	simm.s32 $0x1;
	v19 =	vimm.s32 $0xE;
	v20 =	vimm.s32 $0xF;
	v1 =	vunpack.c.l.s4.s8 v1;
	s4 =	sand.u32 $0x1, s1;
	s6 =	sshll.u32 s0, $0x1  }
0x9: {  	s14 =	simm.s32 $0x1A00;
	s15 =	simm.s32 $0x2700;
	v3 =	vunpack.c.l.s4.s8 v3;
	s6 =	sor.u32 s4, s6;
	v2 =	vand.u32 $0xF, v0;
	v0 =	vimm.s32 $0xBA98FEDC  }
0xa: {  	s16 =	simm.s32 $0x0;
	v4 =	vunpack.c.l.s4.s8 v4;
	s1 =	rddreg [dreg:$0x2];
	v5 =	vunpack.c.l.s4.s8 v5;
	s7 =	smul.u32 $0x680, s6;
	v0 =	vunpack.c.l.s4.s8 v0  }
0xb: {  	v6 =	vunpack.c.l.s4.s8 v6;
	v7 =	vunpack.c.l.s4.s8 v7;
	[smem:$0x7FF] =	sst s2;
	s4 =	ssub.s32 $0x2, s4;
	v1 =	vunpack.c.0.s8.s32 v1;
	s8 =	smul.u32 $0x34000, s6  }
.Ltmp0:
0xc: {  	_ =	strace $0x80000047;
	v3 =	vunpack.c.0.s8.s32 v3;
	v4 =	vunpack.c.0.s8.s32 v4;
	s9 =	sshrl.u32 s4, $0x1;
	v8 =	vunpack.c.0.s8.s32 v0;
	(pc) =	sbr.rel .LBB2_1-.Ltmp0, $4  }
0xd: {  	v5 =	vunpack.c.0.s8.s32 v5;
	v6 =	vunpack.c.0.s8.s32 v6;
	v7 =	vunpack.c.0.s8.s32 v7;
	s6 =	smul.u32 $0x6800, s6;
	s9 =	ssub.s32 s4, s9;
	s7 =	sadd.s32 s7, s3  }
0xe: {  	s3 =	sadd.s32 $0xF42A00, s3;
	s8 =	sshrl.u32 s8, $0x3;
	s9 =	smax.u32 s9, $0x1;
	v1 =	vcombine.low v2, v1;
	v0 =	vimm.s32 $0x0;
	v2 =	vcombine.low v3, v8  }
0xf: {  	s4 =	sadd.s32 $0x600, s7;
	s8 =	sadd.s32 s5, s8;
	s5 =	sadd.s32 s5, s6;
	v3 =	vcombine.low v5, v4;
	v4 =	vcombine.low v7, v6;
	v5 =	vimm.f32 $1.000000000e+00  }
0x10: {  	s6 =	sadd.s32 $0x1A00, s8;
	s7 =	sadd.s32 $0x3400, s8;
	s8 =	sadd.s32 $0x4E00, s8;
	v6 =	vimm.s32 $0x1;
	v7 =	vimm.s32 $0x2;
	v8 =	vimm.s32 $0x3  }
.LBB2_24:
0x11: {  	v21 =	vld [tilespmem:s19+$0x2700];
	_ =	sdelay $0x2  }
0x12: {  	s17 =	sadd.s32 $0x100, s17  }
0x13: {  	v22 =	vld [tilespmem:s17+$0xFFFFFF80]  }
0x14: {  	v23 =	vld [tilespmem:s17+$0xFFFFFF90];
	vm0 =	veq.s32 v21, $0x0  }
0x15: {  	v25 =	vld [tilespmem:s17+$0xFFFFFFB0];
	v24 =	vsel vm0, $0x0, v5  }
0x16: {  	v21 =	vld [tilespmem:s17+$0xFFFFFFA0];
	v26 =	vperm.xlane v24, v0  }
0x17: {  	v29 =	vld [tilespmem:s17+$0xFFFFFFD0];
	v27 =	vperm.xlane v24, v6  }
0x18: {  	v28 =	vld [tilespmem:s17+$0xFFFFFFC0];
	v50 =	vperm.xlane v24, v8;
	v22 =	vmul.f32 v22, v26  }
0x19: {  	v51 =	vld [tilespmem:s17+$0xFFFFFFE0];
	v30 =	vperm.xlane v24, v7;
	v23 =	vmul.f32 v23, v27  }
0x1a: {  	v53 =	vld [tilespmem:s17+$0x10];
	v52 =	vperm.xlane v24, v10;
	v25 =	vmul.f32 v25, v50;
	[tilespmem:s17+$0xFFFFFF80] =	vst v22  }
0x1b: {  	v31 =	vld [tilespmem:s17+$0xFFFFFFF0];
	v21 =	vmul.f32 v21, v30;
	v22 =	vperm.xlane v24, v9;
	[tilespmem:s17+$0xFFFFFF90] =	vst v23  }
0x1c: {  	v32 =	vperm.xlane v24, v11;
	v26 =	vmul.f32 v29, v52;
	v23 =	vld [tilespmem:s17+$0x0];
	[tilespmem:s17+$0xFFFFFFB0] =	vst v25  }
0x1d: {  	v58 =	vld [tilespmem:s17+$0x50];
	v56 =	vperm.xlane v24, v14;
	[tilespmem:s17+$0xFFFFFFA0] =	vst v21;
	v21 =	vmul.f32 v28, v22  }
0x1e: {  	v54 =	vld [tilespmem:s17+$0x20];
	v27 =	vmul.f32 v51, v32;
	[tilespmem:s17+$0xFFFFFFD0] =	vst v26;
	v22 =	vperm.xlane v24, v12  }
0x1f: {  	v55 =	vld [tilespmem:s17+$0x30];
	v60 =	vmul.f32 v53, v56;
	[tilespmem:s17+$0xFFFFFFC0] =	vst v21;
	v21 =	vperm.xlane v24, v13  }
0x20: {  	v57 =	vld [tilespmem:s17+$0x40];
	v62 =	vperm.xlane v24, v18;
	[tilespmem:s17+$0xFFFFFFE0] =	vst v27;
	v22 =	vmul.f32 v31, v22  }
0x21: {  	v61 =	vld [tilespmem:s17+$0x60];
	v59 =	vperm.xlane v24, v15;
	[tilespmem:s17+$0x10] =	vst v60;
	v21 =	vmul.f32 v23, v21  }
0x22: {  	v25 =	vmul.f32 v58, v62;
	v23 =	vperm.xlane v24, v16;
	[tilespmem:s17+$0xFFFFFFF0] =	vst v22;
	v22 =	vld [tilespmem:s17+$0x70]  }
0x23: {  	v28 =	vmul.f32 v54, v59;
	[tilespmem:s17+$0x0] =	vst v21;
	v21 =	vperm.xlane v24, v17  }
0x24: {  	v63 =	vperm.xlane v24, v19;
	[tilespmem:s17+$0x50] =	vst v25;
	v23 =	vmul.f32 v55, v23  }
0x25: {  	[tilespmem:s17+$0x20] =	vst v28;
	v24 =	vperm.xlane v24, v20;
	v21 =	vmul.f32 v57, v21  }
0x26: {  	[tilespmem:s17+$0x30] =	vst v23;
	v23 =	vmul.f32 v61, v63  }
0x27: {  	[tilespmem:s17+$0x40] =	vst v21;
	v21 =	vmul.f32 v22, v24  }
0x28: {  	[tilespmem:s17+$0x60] =	vst v23  }
0x29: {  	[tilespmem:s17+$0x70] =	vst v21  }
.LBB2_25:
0x2a: {  	s16 =	sadd.s32 $0x1, s16  }
0x2b: {  	p0 =	sne.s32 s16, s9  }
.Ltmp1:
0x2c: {  	_ = 	snop;
	(pc) =	sbr.rel @!p0 .LBB2_26-.Ltmp1, $4  }
0x2d: {  	[hbm4b:s8+s2] =	stream.linear.scatter [tilespmem:s12], [sflag:$0x2], $0xD000, $0x38;
	[tilespmem:$0x10400] =	vst v63  }
0x2e: {  	_ =	swait.ge [sflag:s10], $0xD000  }
0x2f: {  	[sflag:s10] =	ssyncset.done $0x0  }
0x30: {  	[sflag:s10] =	ssyncadd.s32 $0xFFFF3000  }
.LBB2_1:
0x31: {  	[tilespmem:s2], [sflag:$0x2] =	stream.linear.gather [hbm4b:s4+s2], $0x3400, $0x38;
	[tilespmem:$0x10400] =	vst v63  }
0x32: {  	_ =	swait.ge [sflag:s10], $0x3400  }
0x33: {  	[sflag:s10] =	ssyncset.done $0x0  }
0x34: {  	[sflag:s10] =	ssyncadd.s32 $0xFFFFCC00  }
0x35: {  	[tilespmem:s12], [sflag:$0x1] =	stream.indirect.gather [hbm4b:s3+s11], $0x10, s2, s11, $0xb8;
	[tilespmem:$0x10400] =	vst v63  }
0x36: {  	_ =	swait.ge [sflag:s13], $0xD000  }
0x37: {  	[sflag:s13] =	ssyncset.done $0x0  }
0x38: {  	s18 =	simm.s32 $0x0;
	[sflag:s13] =	ssyncadd.s32 $0xFFFF3000  }
0x39: {  	v22 =	vld [tilespmem:s18+$0x0]  }
0x3a: {  	s17 =	simm.s32 $0x40;
	v21 =	vimm.s32 $0x0  }
.LBB2_2:
0x3b: {  	p0 =	sne.s32 s17, $0x33C0  }
.Ltmp2:
0x3c: {  	_ = 	snop;
	(pc) =	sbr.rel @p0 .LBB2_2-.Ltmp2, $4  }
0x3d: {  	_ = 	snop  }
0x3e: {  	s18 =	sshra.s32 s17, $0x2;
	s17 =	sadd.s32 $0x40, s17;
	vm0 =	veq.s32 v22, $0x0  }
0x3f: {  	v22 =	vld [tilespmem:s18+$0x0];
	v23 =	vsel vm0, $0x1, v0  }
0x40: {  	v21 =	vor.u32 v23, v21  }
0x41: {  	_ =	sdelay $0x2  }
0x42: {  	vm0 =	veq.s32 v22, $0x0  }
0x43: {  	v22 =	vsel vm0, $0x1, v0  }
0x44: {  	v21 =	vor.u32 v22, v21  }
0x45: {  	v22 =	vperm.xlane v21, v1;
	_ =	sdelay $0x1  }
0x46: {  	v21 =	vor.u32 v21, v22  }
0x47: {  	v22 =	vperm.xlane v21, v2;
	_ =	sdelay $0x1  }
0x48: {  	v21 =	vor.u32 v22, v21  }
0x49: {  	v22 =	vperm.xlane v21, v3;
	_ =	sdelay $0x1  }
0x4a: {  	v21 =	vor.u32 v22, v21  }
0x4b: {  	v22 =	vperm.xlane v21, v4;
	_ =	sdelay $0x1  }
0x4c: {  	v21 =	vor.u32 v22, v21  }
0x4d: {  	(v2sf) =	vpush v21, $0x0;
	_ =	sdelay $0xe  }
0x4e: {  	s17 =	spop (v2sf)  }
0x4f: {  	p0 =	slt.s32 s17, $0x1  }
.Ltmp3:
0x50: {  	_ = 	snop;
	(pc) =	sbr.rel @p0 .LBB2_7-.Ltmp3, $1  }
0x51: {  	_ =	sdelay $0x3  }
0x52: {  	s17 =	simm.s32 $0x0  }
0x53: {  	v21 =	vld [tilespmem:s17+$0x0];
	_ =	sdelay $0x2  }
0x54: {  	s17 =	simm.s32 $0x3480  }
0x55: {  	v22 =	vld [tilespmem:s17+$0xFFFFFF80]  }
0x56: {  	v23 =	vld [tilespmem:s17+$0xFFFFFF90];
	vm0 =	veq.s32 v21, $0x0  }
0x57: {  	v25 =	vld [tilespmem:s17+$0xFFFFFFB0];
	v24 =	vsel vm0, $0x0, v5  }
0x58: {  	v21 =	vld [tilespmem:s17+$0xFFFFFFA0];
	v26 =	vperm.xlane v24, v0  }
0x59: {  	v29 =	vld [tilespmem:s17+$0xFFFFFFD0];
	v27 =	vperm.xlane v24, v6  }
0x5a: {  	v28 =	vld [tilespmem:s17+$0xFFFFFFC0];
	v50 =	vperm.xlane v24, v8;
	v22 =	vmul.f32 v22, v26  }
0x5b: {  	v51 =	vld [tilespmem:s17+$0xFFFFFFE0];
	v30 =	vperm.xlane v24, v7;
	v23 =	vmul.f32 v23, v27  }
0x5c: {  	v53 =	vld [tilespmem:s17+$0x10];
	v52 =	vperm.xlane v24, v10;
	v25 =	vmul.f32 v25, v50;
	[tilespmem:s17+$0xFFFFFF80] =	vst v22  }
0x5d: {  	v31 =	vld [tilespmem:s17+$0xFFFFFFF0];
	v21 =	vmul.f32 v21, v30;
	v22 =	vperm.xlane v24, v9;
	[tilespmem:s17+$0xFFFFFF90] =	vst v23  }
0x5e: {  	v32 =	vperm.xlane v24, v11;
	v26 =	vmul.f32 v29, v52;
	v23 =	vld [tilespmem:s17+$0x0];
	[tilespmem:s17+$0xFFFFFFB0] =	vst v25  }
0x5f: {  	v58 =	vld [tilespmem:s17+$0x50];
	v56 =	vperm.xlane v24, v14;
	[tilespmem:s17+$0xFFFFFFA0] =	vst v21;
	v21 =	vmul.f32 v28, v22  }
0x60: {  	v54 =	vld [tilespmem:s17+$0x20];
	v27 =	vmul.f32 v51, v32;
	[tilespmem:s17+$0xFFFFFFD0] =	vst v26;
	v22 =	vperm.xlane v24, v12  }
0x61: {  	v55 =	vld [tilespmem:s17+$0x30];
	v60 =	vmul.f32 v53, v56;
	[tilespmem:s17+$0xFFFFFFC0] =	vst v21;
	v21 =	vperm.xlane v24, v13  }
0x62: {  	v57 =	vld [tilespmem:s17+$0x40];
	v62 =	vperm.xlane v24, v18;
	[tilespmem:s17+$0xFFFFFFE0] =	vst v27;
	v22 =	vmul.f32 v31, v22  }
0x63: {  	v61 =	vld [tilespmem:s17+$0x60];
	v59 =	vperm.xlane v24, v15;
	[tilespmem:s17+$0x10] =	vst v60;
	v21 =	vmul.f32 v23, v21  }
0x64: {  	v25 =	vmul.f32 v58, v62;
	v23 =	vperm.xlane v24, v16;
	[tilespmem:s17+$0xFFFFFFF0] =	vst v22;
	v22 =	vld [tilespmem:s17+$0x70]  }
0x65: {  	v28 =	vmul.f32 v54, v59;
	[tilespmem:s17+$0x0] =	vst v21;
	v21 =	vperm.xlane v24, v17  }
0x66: {  	v63 =	vperm.xlane v24, v19;
	[tilespmem:s17+$0x50] =	vst v25;
	v23 =	vmul.f32 v55, v23  }
0x67: {  	[tilespmem:s17+$0x20] =	vst v28;
	v24 =	vperm.xlane v24, v20;
	v21 =	vmul.f32 v57, v21  }
0x68: {  	[tilespmem:s17+$0x30] =	vst v23;
	v23 =	vmul.f32 v61, v63  }
0x69: {  	[tilespmem:s17+$0x40] =	vst v21;
	v21 =	vmul.f32 v22, v24  }
0x6a: {  	[tilespmem:s17+$0x60] =	vst v23  }
0x6b: {  	s19 =	simm.s32 $0x10;
	s18 =	simm.s32 $0x80;
	[tilespmem:s17+$0x70] =	vst v21  }
.LBB2_5:
0x6c: {  	p0 =	sne.s32 s18, $0x33C0;
	v21 =	vld [tilespmem:s19+$0x0]  }
0x6d: {  	s17 =	sadd.s32 $0x100, s17  }
0x6e: {  	v22 =	vld [tilespmem:s17+$0xFFFFFFB0]  }
0x6f: {  	v23 =	vld [tilespmem:s17+$0xFFFFFF90]  }
0x70: {  	v24 =	vld [tilespmem:s17+$0xFFFFFF80]  }
0x71: {  	vm0 =	veq.s32 v21, $0x0;
	v21 =	vld [tilespmem:s17+$0xFFFFFFA0]  }
0x72: {  	v25 =	vsel vm0, $0x0, v5;
	v26 =	vld [tilespmem:s17+$0xFFFFFFF0]  }
0x73: {  	v27 =	vperm.xlane v25, v0;
	v28 =	vperm.xlane v25, v6;
	v29 =	vld [tilespmem:s17+$0xFFFFFFD0]  }
0x74: {  	v30 =	vperm.xlane v25, v7;
	v31 =	vperm.xlane v25, v8;
	v32 =	vld [tilespmem:s17+$0xFFFFFFC0]  }
0x75: {  	v24 =	vmul.f32 v24, v27;
	v23 =	vmul.f32 v23, v28;
	v27 =	vld [tilespmem:s17+$0xFFFFFFE0]  }
0x76: {  	v22 =	vmul.f32 v22, v31;
	v21 =	vmul.f32 v21, v30;
	v28 =	vld [tilespmem:s17+$0x30]  }
0x77: {  	v30 =	vperm.xlane v25, v10;
	[tilespmem:s17+$0xFFFFFF80] =	vst v24;
	v24 =	vperm.xlane v25, v9;
	v31 =	vld [tilespmem:s17+$0x10]  }
0x78: {  	v33 =	vperm.xlane v25, v12;
	[tilespmem:s17+$0xFFFFFF90] =	vst v23;
	v23 =	vperm.xlane v25, v11;
	v34 =	vld [tilespmem:s17+$0x0]  }
0x79: {  	[tilespmem:s17+$0xFFFFFFA0] =	vst v21;
	v21 =	vmul.f32 v32, v24;
	v24 =	vmul.f32 v29, v30;
	v29 =	vld [tilespmem:s17+$0x20]  }
0x7a: {  	[tilespmem:s17+$0xFFFFFFB0] =	vst v22;
	v22 =	vmul.f32 v27, v23;
	v23 =	vmul.f32 v26, v33;
	v26 =	vld [tilespmem:s17+$0x70]  }
0x7b: {  	v27 =	vperm.xlane v25, v14;
	[tilespmem:s17+$0xFFFFFFC0] =	vst v21;
	v21 =	vperm.xlane v25, v13;
	v30 =	vld [tilespmem:s17+$0x50]  }
0x7c: {  	v32 =	vperm.xlane v25, v16;
	[tilespmem:s17+$0xFFFFFFD0] =	vst v24;
	v24 =	vperm.xlane v25, v15;
	v33 =	vld [tilespmem:s17+$0x40]  }
0x7d: {  	[tilespmem:s17+$0xFFFFFFE0] =	vst v22;
	v21 =	vmul.f32 v34, v21;
	v22 =	vmul.f32 v31, v27;
	v27 =	vld [tilespmem:s17+$0x60]  }
0x7e: {  	[tilespmem:s17+$0xFFFFFFF0] =	vst v23;
	v23 =	vmul.f32 v29, v24;
	v24 =	vmul.f32 v28, v32  }
0x7f: {  	v28 =	vperm.xlane v25, v18;
	[tilespmem:s17+$0x0] =	vst v21;
	v21 =	vperm.xlane v25, v17  }
0x80: {  	[tilespmem:s17+$0x10] =	vst v22;
	v22 =	vperm.xlane v25, v19;
	v25 =	vperm.xlane v25, v20  }
0x81: {  	[tilespmem:s17+$0x20] =	vst v23;
	v21 =	vmul.f32 v33, v21;
	v23 =	vmul.f32 v30, v28  }
.Ltmp4:
0x82: {  	[tilespmem:s17+$0x30] =	vst v24;
	v22 =	vmul.f32 v27, v22;
	v24 =	vmul.f32 v26, v25;
	(pc) =	sbr.rel @p0 .LBB2_5-.Ltmp4, $4  }
0x83: {  	[tilespmem:s17+$0x40] =	vst v21  }
0x84: {  	[tilespmem:s17+$0x50] =	vst v23  }
0x85: {  	[tilespmem:s17+$0x60] =	vst v22  }
0x86: {  	s19 =	sshra.s32 s18, $0x2;
	s18 =	sadd.s32 $0x40, s18;
	[tilespmem:s17+$0x70] =	vst v24  }
0x87: {  	v21 =	vld [tilespmem:s19+$0x0];
	_ =	sdelay $0x2  }
0x88: {  	s17 =	sadd.s32 $0x100, s17  }
0x89: {  	v22 =	vld [tilespmem:s17+$0xFFFFFF80]  }
0x8a: {  	v23 =	vld [tilespmem:s17+$0xFFFFFF90];
	vm0 =	veq.s32 v21, $0x0  }
0x8b: {  	v25 =	vld [tilespmem:s17+$0xFFFFFFB0];
	v24 =	vsel vm0, $0x0, v5  }
0x8c: {  	v21 =	vld [tilespmem:s17+$0xFFFFFFA0];
	v26 =	vperm.xlane v24, v0  }
0x8d: {  	v29 =	vld [tilespmem:s17+$0xFFFFFFD0];
	v27 =	vperm.xlane v24, v6  }
0x8e: {  	v28 =	vld [tilespmem:s17+$0xFFFFFFC0];
	v50 =	vperm.xlane v24, v8;
	v22 =	vmul.f32 v22, v26  }
0x8f: {  	v51 =	vld [tilespmem:s17+$0xFFFFFFE0];
	v30 =	vperm.xlane v24, v7;
	v23 =	vmul.f32 v23, v27  }
0x90: {  	v53 =	vld [tilespmem:s17+$0x10];
	v52 =	vperm.xlane v24, v10;
	v25 =	vmul.f32 v25, v50;
	[tilespmem:s17+$0xFFFFFF80] =	vst v22  }
0x91: {  	v31 =	vld [tilespmem:s17+$0xFFFFFFF0];
	v21 =	vmul.f32 v21, v30;
	v22 =	vperm.xlane v24, v9;
	[tilespmem:s17+$0xFFFFFF90] =	vst v23  }
0x92: {  	v32 =	vperm.xlane v24, v11;
	v26 =	vmul.f32 v29, v52;
	v23 =	vld [tilespmem:s17+$0x0];
	[tilespmem:s17+$0xFFFFFFB0] =	vst v25  }
0x93: {  	v58 =	vld [tilespmem:s17+$0x50];
	v56 =	vperm.xlane v24, v14;
	[tilespmem:s17+$0xFFFFFFA0] =	vst v21;
	v21 =	vmul.f32 v28, v22  }
0x94: {  	v54 =	vld [tilespmem:s17+$0x20];
	v27 =	vmul.f32 v51, v32;
	[tilespmem:s17+$0xFFFFFFD0] =	vst v26;
	v22 =	vperm.xlane v24, v12  }
0x95: {  	v55 =	vld [tilespmem:s17+$0x30];
	v60 =	vmul.f32 v53, v56;
	[tilespmem:s17+$0xFFFFFFC0] =	vst v21;
	v21 =	vperm.xlane v24, v13  }
0x96: {  	v57 =	vld [tilespmem:s17+$0x40];
	v62 =	vperm.xlane v24, v18;
	[tilespmem:s17+$0xFFFFFFE0] =	vst v27;
	v22 =	vmul.f32 v31, v22  }
0x97: {  	v61 =	vld [tilespmem:s17+$0x60];
	v59 =	vperm.xlane v24, v15;
	[tilespmem:s17+$0x10] =	vst v60;
	v21 =	vmul.f32 v23, v21  }
0x98: {  	v25 =	vmul.f32 v58, v62;
	v23 =	vperm.xlane v24, v16;
	[tilespmem:s17+$0xFFFFFFF0] =	vst v22;
	v22 =	vld [tilespmem:s17+$0x70]  }
0x99: {  	v28 =	vmul.f32 v54, v59;
	[tilespmem:s17+$0x0] =	vst v21;
	v21 =	vperm.xlane v24, v17  }
0x9a: {  	v63 =	vperm.xlane v24, v19;
	[tilespmem:s17+$0x50] =	vst v25;
	v23 =	vmul.f32 v55, v23  }
0x9b: {  	[tilespmem:s17+$0x20] =	vst v28;
	v24 =	vperm.xlane v24, v20;
	v21 =	vmul.f32 v57, v21  }
0x9c: {  	[tilespmem:s17+$0x30] =	vst v23;
	v23 =	vmul.f32 v61, v63  }
0x9d: {  	[tilespmem:s17+$0x40] =	vst v21;
	v21 =	vmul.f32 v22, v24  }
0x9e: {  	[tilespmem:s17+$0x60] =	vst v23  }
0x9f: {  	[tilespmem:s17+$0x70] =	vst v21  }
.LBB2_7:
0xa0: {  	s17 =	simm.s32 $0x0  }
0xa1: {  	[hbm4b:s5+s17] =	stream.linear.scatter [tilespmem:s12], [sflag:$0x2], $0xD000, $0x38;
	[tilespmem:$0x10400] =	vst v63  }
0xa2: {  	_ =	swait.ge [sflag:s10], $0xD000  }
0xa3: {  	[sflag:s10] =	ssyncset.done $0x0  }
0xa4: {  	[sflag:s10] =	ssyncadd.s32 $0xFFFF3000  }
0xa5: {  	[tilespmem:s12], [sflag:$0x1] =	stream.indirect.gather [hbm4b:s3+s11], $0x10, s11, s11, $0xb8;
	[tilespmem:$0x10400] =	vst v63  }
0xa6: {  	_ =	swait.ge [sflag:s13], $0xD000  }
0xa7: {  	[sflag:s13] =	ssyncset.done $0x0  }
0xa8: {  	s18 =	simm.s32 $0x0;
	[sflag:s13] =	ssyncadd.s32 $0xFFFF3000  }
0xa9: {  	v22 =	vld [tilespmem:s18+$0xD00]  }
0xaa: {  	v21 =	vimm.s32 $0x0;
	s17 =	simm.s32 $0x40  }
.LBB2_8:
0xab: {  	p0 =	sne.s32 s17, $0x33C0  }
.Ltmp5:
0xac: {  	_ = 	snop;
	(pc) =	sbr.rel @p0 .LBB2_8-.Ltmp5, $4  }
0xad: {  	_ = 	snop  }
0xae: {  	s18 =	sshra.s32 s17, $0x2;
	s17 =	sadd.s32 $0x40, s17;
	vm0 =	veq.s32 v22, $0x0  }
0xaf: {  	v22 =	vld [tilespmem:s18+$0xD00];
	v23 =	vsel vm0, $0x1, v0  }
0xb0: {  	v21 =	vor.u32 v23, v21  }
0xb1: {  	_ =	sdelay $0x2  }
0xb2: {  	vm0 =	veq.s32 v22, $0x0  }
0xb3: {  	v22 =	vsel vm0, $0x1, v0  }
0xb4: {  	v21 =	vor.u32 v22, v21  }
0xb5: {  	v22 =	vperm.xlane v21, v1;
	_ =	sdelay $0x1  }
0xb6: {  	v21 =	vor.u32 v21, v22  }
0xb7: {  	v22 =	vperm.xlane v21, v2;
	_ =	sdelay $0x1  }
0xb8: {  	v21 =	vor.u32 v22, v21  }
0xb9: {  	v22 =	vperm.xlane v21, v3;
	_ =	sdelay $0x1  }
0xba: {  	v21 =	vor.u32 v22, v21  }
0xbb: {  	v22 =	vperm.xlane v21, v4;
	_ =	sdelay $0x1  }
0xbc: {  	v21 =	vor.u32 v22, v21  }
0xbd: {  	(v2sf) =	vpush v21, $0x0;
	_ =	sdelay $0xe  }
0xbe: {  	s17 =	spop (v2sf)  }
0xbf: {  	p0 =	slt.s32 s17, $0x1  }
.Ltmp6:
0xc0: {  	_ = 	snop;
	(pc) =	sbr.rel @p0 .LBB2_13-.Ltmp6, $1  }
0xc1: {  	_ =	sdelay $0x3  }
0xc2: {  	s17 =	simm.s32 $0x0  }
0xc3: {  	v21 =	vld [tilespmem:s17+$0xD00];
	_ =	sdelay $0x2  }
0xc4: {  	s17 =	simm.s32 $0x3480  }
0xc5: {  	v22 =	vld [tilespmem:s17+$0xFFFFFF80]  }
0xc6: {  	v23 =	vld [tilespmem:s17+$0xFFFFFF90];
	vm0 =	veq.s32 v21, $0x0  }
0xc7: {  	v25 =	vld [tilespmem:s17+$0xFFFFFFB0];
	v24 =	vsel vm0, $0x0, v5  }
0xc8: {  	v21 =	vld [tilespmem:s17+$0xFFFFFFA0];
	v26 =	vperm.xlane v24, v0  }
0xc9: {  	v29 =	vld [tilespmem:s17+$0xFFFFFFD0];
	v27 =	vperm.xlane v24, v6  }
0xca: {  	v28 =	vld [tilespmem:s17+$0xFFFFFFC0];
	v50 =	vperm.xlane v24, v8;
	v22 =	vmul.f32 v22, v26  }
0xcb: {  	v51 =	vld [tilespmem:s17+$0xFFFFFFE0];
	v30 =	vperm.xlane v24, v7;
	v23 =	vmul.f32 v23, v27  }
0xcc: {  	v53 =	vld [tilespmem:s17+$0x10];
	v52 =	vperm.xlane v24, v10;
	v25 =	vmul.f32 v25, v50;
	[tilespmem:s17+$0xFFFFFF80] =	vst v22  }
0xcd: {  	v31 =	vld [tilespmem:s17+$0xFFFFFFF0];
	v21 =	vmul.f32 v21, v30;
	v22 =	vperm.xlane v24, v9;
	[tilespmem:s17+$0xFFFFFF90] =	vst v23  }
0xce: {  	v32 =	vperm.xlane v24, v11;
	v26 =	vmul.f32 v29, v52;
	v23 =	vld [tilespmem:s17+$0x0];
	[tilespmem:s17+$0xFFFFFFB0] =	vst v25  }
0xcf: {  	v58 =	vld [tilespmem:s17+$0x50];
	v56 =	vperm.xlane v24, v14;
	[tilespmem:s17+$0xFFFFFFA0] =	vst v21;
	v21 =	vmul.f32 v28, v22  }
0xd0: {  	v54 =	vld [tilespmem:s17+$0x20];
	v27 =	vmul.f32 v51, v32;
	[tilespmem:s17+$0xFFFFFFD0] =	vst v26;
	v22 =	vperm.xlane v24, v12  }
0xd1: {  	v55 =	vld [tilespmem:s17+$0x30];
	v60 =	vmul.f32 v53, v56;
	[tilespmem:s17+$0xFFFFFFC0] =	vst v21;
	v21 =	vperm.xlane v24, v13  }
0xd2: {  	v57 =	vld [tilespmem:s17+$0x40];
	v62 =	vperm.xlane v24, v18;
	[tilespmem:s17+$0xFFFFFFE0] =	vst v27;
	v22 =	vmul.f32 v31, v22  }
0xd3: {  	v61 =	vld [tilespmem:s17+$0x60];
	v59 =	vperm.xlane v24, v15;
	[tilespmem:s17+$0x10] =	vst v60;
	v21 =	vmul.f32 v23, v21  }
0xd4: {  	v25 =	vmul.f32 v58, v62;
	v23 =	vperm.xlane v24, v16;
	[tilespmem:s17+$0xFFFFFFF0] =	vst v22;
	v22 =	vld [tilespmem:s17+$0x70]  }
0xd5: {  	v28 =	vmul.f32 v54, v59;
	[tilespmem:s17+$0x0] =	vst v21;
	v21 =	vperm.xlane v24, v17  }
0xd6: {  	v63 =	vperm.xlane v24, v19;
	[tilespmem:s17+$0x50] =	vst v25;
	v23 =	vmul.f32 v55, v23  }
0xd7: {  	[tilespmem:s17+$0x20] =	vst v28;
	v24 =	vperm.xlane v24, v20;
	v21 =	vmul.f32 v57, v21  }
0xd8: {  	[tilespmem:s17+$0x30] =	vst v23;
	v23 =	vmul.f32 v61, v63  }
0xd9: {  	[tilespmem:s17+$0x40] =	vst v21;
	v21 =	vmul.f32 v22, v24  }
0xda: {  	[tilespmem:s17+$0x60] =	vst v23  }
0xdb: {  	s19 =	simm.s32 $0x10;
	s18 =	simm.s32 $0x80;
	[tilespmem:s17+$0x70] =	vst v21  }
.LBB2_11:
0xdc: {  	p0 =	sne.s32 s18, $0x33C0;
	v21 =	vld [tilespmem:s19+$0xD00]  }
0xdd: {  	s17 =	sadd.s32 $0x100, s17  }
0xde: {  	v22 =	vld [tilespmem:s17+$0xFFFFFFB0]  }
0xdf: {  	v23 =	vld [tilespmem:s17+$0xFFFFFF90]  }
0xe0: {  	v24 =	vld [tilespmem:s17+$0xFFFFFF80]  }
0xe1: {  	vm0 =	veq.s32 v21, $0x0;
	v21 =	vld [tilespmem:s17+$0xFFFFFFA0]  }
0xe2: {  	v25 =	vsel vm0, $0x0, v5;
	v26 =	vld [tilespmem:s17+$0xFFFFFFF0]  }
0xe3: {  	v27 =	vperm.xlane v25, v0;
	v28 =	vperm.xlane v25, v6;
	v29 =	vld [tilespmem:s17+$0xFFFFFFD0]  }
0xe4: {  	v30 =	vperm.xlane v25, v7;
	v31 =	vperm.xlane v25, v8;
	v32 =	vld [tilespmem:s17+$0xFFFFFFC0]  }
0xe5: {  	v24 =	vmul.f32 v24, v27;
	v23 =	vmul.f32 v23, v28;
	v27 =	vld [tilespmem:s17+$0xFFFFFFE0]  }
0xe6: {  	v22 =	vmul.f32 v22, v31;
	v21 =	vmul.f32 v21, v30;
	v28 =	vld [tilespmem:s17+$0x30]  }
0xe7: {  	v30 =	vperm.xlane v25, v10;
	[tilespmem:s17+$0xFFFFFF80] =	vst v24;
	v24 =	vperm.xlane v25, v9;
	v31 =	vld [tilespmem:s17+$0x10]  }
0xe8: {  	v33 =	vperm.xlane v25, v12;
	[tilespmem:s17+$0xFFFFFF90] =	vst v23;
	v23 =	vperm.xlane v25, v11;
	v34 =	vld [tilespmem:s17+$0x0]  }
0xe9: {  	[tilespmem:s17+$0xFFFFFFA0] =	vst v21;
	v21 =	vmul.f32 v32, v24;
	v24 =	vmul.f32 v29, v30;
	v29 =	vld [tilespmem:s17+$0x20]  }
0xea: {  	[tilespmem:s17+$0xFFFFFFB0] =	vst v22;
	v22 =	vmul.f32 v27, v23;
	v23 =	vmul.f32 v26, v33;
	v26 =	vld [tilespmem:s17+$0x70]  }
0xeb: {  	v27 =	vperm.xlane v25, v14;
	[tilespmem:s17+$0xFFFFFFC0] =	vst v21;
	v21 =	vperm.xlane v25, v13;
	v30 =	vld [tilespmem:s17+$0x50]  }
0xec: {  	v32 =	vperm.xlane v25, v16;
	[tilespmem:s17+$0xFFFFFFD0] =	vst v24;
	v24 =	vperm.xlane v25, v15;
	v33 =	vld [tilespmem:s17+$0x40]  }
0xed: {  	[tilespmem:s17+$0xFFFFFFE0] =	vst v22;
	v21 =	vmul.f32 v34, v21;
	v22 =	vmul.f32 v31, v27;
	v27 =	vld [tilespmem:s17+$0x60]  }
0xee: {  	[tilespmem:s17+$0xFFFFFFF0] =	vst v23;
	v23 =	vmul.f32 v29, v24;
	v24 =	vmul.f32 v28, v32  }
0xef: {  	v28 =	vperm.xlane v25, v18;
	[tilespmem:s17+$0x0] =	vst v21;
	v21 =	vperm.xlane v25, v17  }
0xf0: {  	[tilespmem:s17+$0x10] =	vst v22;
	v22 =	vperm.xlane v25, v19;
	v25 =	vperm.xlane v25, v20  }
0xf1: {  	[tilespmem:s17+$0x20] =	vst v23;
	v21 =	vmul.f32 v33, v21;
	v23 =	vmul.f32 v30, v28  }
.Ltmp7:
0xf2: {  	[tilespmem:s17+$0x30] =	vst v24;
	v22 =	vmul.f32 v27, v22;
	v24 =	vmul.f32 v26, v25;
	(pc) =	sbr.rel @p0 .LBB2_11-.Ltmp7, $4  }
0xf3: {  	[tilespmem:s17+$0x40] =	vst v21  }
0xf4: {  	[tilespmem:s17+$0x50] =	vst v23  }
0xf5: {  	[tilespmem:s17+$0x60] =	vst v22  }
0xf6: {  	s19 =	sshra.s32 s18, $0x2;
	s18 =	sadd.s32 $0x40, s18;
	[tilespmem:s17+$0x70] =	vst v24  }
0xf7: {  	v21 =	vld [tilespmem:s19+$0xD00];
	_ =	sdelay $0x2  }
0xf8: {  	s17 =	sadd.s32 $0x100, s17  }
0xf9: {  	v22 =	vld [tilespmem:s17+$0xFFFFFF80]  }
0xfa: {  	v23 =	vld [tilespmem:s17+$0xFFFFFF90];
	vm0 =	veq.s32 v21, $0x0  }
0xfb: {  	v25 =	vld [tilespmem:s17+$0xFFFFFFB0];
	v24 =	vsel vm0, $0x0, v5  }
0xfc: {  	v21 =	vld [tilespmem:s17+$0xFFFFFFA0];
	v26 =	vperm.xlane v24, v0  }
0xfd: {  	v29 =	vld [tilespmem:s17+$0xFFFFFFD0];
	v27 =	vperm.xlane v24, v6  }
0xfe: {  	v28 =	vld [tilespmem:s17+$0xFFFFFFC0];
	v50 =	vperm.xlane v24, v8;
	v22 =	vmul.f32 v22, v26  }
0xff: {  	v51 =	vld [tilespmem:s17+$0xFFFFFFE0];
	v30 =	vperm.xlane v24, v7;
	v23 =	vmul.f32 v23, v27  }
0x100: {  	v53 =	vld [tilespmem:s17+$0x10];
	v52 =	vperm.xlane v24, v10;
	v25 =	vmul.f32 v25, v50;
	[tilespmem:s17+$0xFFFFFF80] =	vst v22  }
0x101: {  	v31 =	vld [tilespmem:s17+$0xFFFFFFF0];
	v21 =	vmul.f32 v21, v30;
	v22 =	vperm.xlane v24, v9;
	[tilespmem:s17+$0xFFFFFF90] =	vst v23  }
0x102: {  	v32 =	vperm.xlane v24, v11;
	v26 =	vmul.f32 v29, v52;
	v23 =	vld [tilespmem:s17+$0x0];
	[tilespmem:s17+$0xFFFFFFB0] =	vst v25  }
0x103: {  	v58 =	vld [tilespmem:s17+$0x50];
	v56 =	vperm.xlane v24, v14;
	[tilespmem:s17+$0xFFFFFFA0] =	vst v21;
	v21 =	vmul.f32 v28, v22  }
0x104: {  	v54 =	vld [tilespmem:s17+$0x20];
	v27 =	vmul.f32 v51, v32;
	[tilespmem:s17+$0xFFFFFFD0] =	vst v26;
	v22 =	vperm.xlane v24, v12  }
0x105: {  	v55 =	vld [tilespmem:s17+$0x30];
	v60 =	vmul.f32 v53, v56;
	[tilespmem:s17+$0xFFFFFFC0] =	vst v21;
	v21 =	vperm.xlane v24, v13  }
0x106: {  	v57 =	vld [tilespmem:s17+$0x40];
	v62 =	vperm.xlane v24, v18;
	[tilespmem:s17+$0xFFFFFFE0] =	vst v27;
	v22 =	vmul.f32 v31, v22  }
0x107: {  	v61 =	vld [tilespmem:s17+$0x60];
	v59 =	vperm.xlane v24, v15;
	[tilespmem:s17+$0x10] =	vst v60;
	v21 =	vmul.f32 v23, v21  }
0x108: {  	v25 =	vmul.f32 v58, v62;
	v23 =	vperm.xlane v24, v16;
	[tilespmem:s17+$0xFFFFFFF0] =	vst v22;
	v22 =	vld [tilespmem:s17+$0x70]  }
0x109: {  	v28 =	vmul.f32 v54, v59;
	[tilespmem:s17+$0x0] =	vst v21;
	v21 =	vperm.xlane v24, v17  }
0x10a: {  	v63 =	vperm.xlane v24, v19;
	[tilespmem:s17+$0x50] =	vst v25;
	v23 =	vmul.f32 v55, v23  }
0x10b: {  	[tilespmem:s17+$0x20] =	vst v28;
	v24 =	vperm.xlane v24, v20;
	v21 =	vmul.f32 v57, v21  }
0x10c: {  	[tilespmem:s17+$0x30] =	vst v23;
	v23 =	vmul.f32 v61, v63  }
0x10d: {  	[tilespmem:s17+$0x40] =	vst v21;
	v21 =	vmul.f32 v22, v24  }
0x10e: {  	[tilespmem:s17+$0x60] =	vst v23  }
0x10f: {  	[tilespmem:s17+$0x70] =	vst v21  }
.LBB2_13:
0x110: {  	s17 =	simm.s32 $0x0  }
0x111: {  	[hbm4b:s6+s17] =	stream.linear.scatter [tilespmem:s12], [sflag:$0x2], $0xD000, $0x38;
	[tilespmem:$0x10400] =	vst v63  }
0x112: {  	_ =	swait.ge [sflag:s10], $0xD000  }
0x113: {  	[sflag:s10] =	ssyncset.done $0x0  }
0x114: {  	[sflag:s10] =	ssyncadd.s32 $0xFFFF3000  }
0x115: {  	[tilespmem:s12], [sflag:$0x1] =	stream.indirect.gather [hbm4b:s3+s11], $0x10, s14, s11, $0xb8;
	[tilespmem:$0x10400] =	vst v63  }
0x116: {  	_ =	swait.ge [sflag:s13], $0xD000  }
0x117: {  	[sflag:s13] =	ssyncset.done $0x0  }
0x118: {  	s18 =	simm.s32 $0x0;
	[sflag:s13] =	ssyncadd.s32 $0xFFFF3000  }
0x119: {  	v22 =	vld [tilespmem:s18+$0x1A00]  }
0x11a: {  	v21 =	vimm.s32 $0x0;
	s17 =	simm.s32 $0x40  }
.LBB2_14:
0x11b: {  	p0 =	sne.s32 s17, $0x33C0  }
.Ltmp8:
0x11c: {  	_ = 	snop;
	(pc) =	sbr.rel @p0 .LBB2_14-.Ltmp8, $4  }
0x11d: {  	_ = 	snop  }
0x11e: {  	s18 =	sshra.s32 s17, $0x2;
	s17 =	sadd.s32 $0x40, s17;
	vm0 =	veq.s32 v22, $0x0  }
0x11f: {  	v22 =	vld [tilespmem:s18+$0x1A00];
	v23 =	vsel vm0, $0x1, v0  }
0x120: {  	v21 =	vor.u32 v23, v21  }
0x121: {  	_ =	sdelay $0x2  }
0x122: {  	vm0 =	veq.s32 v22, $0x0  }
0x123: {  	v22 =	vsel vm0, $0x1, v0  }
0x124: {  	v21 =	vor.u32 v22, v21  }
0x125: {  	v22 =	vperm.xlane v21, v1;
	_ =	sdelay $0x1  }
0x126: {  	v21 =	vor.u32 v21, v22  }
0x127: {  	v22 =	vperm.xlane v21, v2;
	_ =	sdelay $0x1  }
0x128: {  	v21 =	vor.u32 v22, v21  }
0x129: {  	v22 =	vperm.xlane v21, v3;
	_ =	sdelay $0x1  }
0x12a: {  	v21 =	vor.u32 v22, v21  }
0x12b: {  	v22 =	vperm.xlane v21, v4;
	_ =	sdelay $0x1  }
0x12c: {  	v21 =	vor.u32 v22, v21  }
0x12d: {  	(v2sf) =	vpush v21, $0x0;
	_ =	sdelay $0xe  }
0x12e: {  	s17 =	spop (v2sf)  }
0x12f: {  	p0 =	slt.s32 s17, $0x1  }
.Ltmp9:
0x130: {  	_ = 	snop;
	(pc) =	sbr.rel @p0 .LBB2_19-.Ltmp9, $1  }
0x131: {  	_ =	sdelay $0x3  }
0x132: {  	s17 =	simm.s32 $0x0  }
0x133: {  	v21 =	vld [tilespmem:s17+$0x1A00];
	_ =	sdelay $0x2  }
0x134: {  	s17 =	simm.s32 $0x3480  }
0x135: {  	v22 =	vld [tilespmem:s17+$0xFFFFFF80]  }
0x136: {  	v23 =	vld [tilespmem:s17+$0xFFFFFF90];
	vm0 =	veq.s32 v21, $0x0  }
0x137: {  	v25 =	vld [tilespmem:s17+$0xFFFFFFB0];
	v24 =	vsel vm0, $0x0, v5  }
0x138: {  	v21 =	vld [tilespmem:s17+$0xFFFFFFA0];
	v26 =	vperm.xlane v24, v0  }
0x139: {  	v29 =	vld [tilespmem:s17+$0xFFFFFFD0];
	v27 =	vperm.xlane v24, v6  }
0x13a: {  	v28 =	vld [tilespmem:s17+$0xFFFFFFC0];
	v50 =	vperm.xlane v24, v8;
	v22 =	vmul.f32 v22, v26  }
0x13b: {  	v51 =	vld [tilespmem:s17+$0xFFFFFFE0];
	v30 =	vperm.xlane v24, v7;
	v23 =	vmul.f32 v23, v27  }
0x13c: {  	v53 =	vld [tilespmem:s17+$0x10];
	v52 =	vperm.xlane v24, v10;
	v25 =	vmul.f32 v25, v50;
	[tilespmem:s17+$0xFFFFFF80] =	vst v22  }
0x13d: {  	v31 =	vld [tilespmem:s17+$0xFFFFFFF0];
	v21 =	vmul.f32 v21, v30;
	v22 =	vperm.xlane v24, v9;
	[tilespmem:s17+$0xFFFFFF90] =	vst v23  }
0x13e: {  	v32 =	vperm.xlane v24, v11;
	v26 =	vmul.f32 v29, v52;
	v23 =	vld [tilespmem:s17+$0x0];
	[tilespmem:s17+$0xFFFFFFB0] =	vst v25  }
0x13f: {  	v58 =	vld [tilespmem:s17+$0x50];
	v56 =	vperm.xlane v24, v14;
	[tilespmem:s17+$0xFFFFFFA0] =	vst v21;
	v21 =	vmul.f32 v28, v22  }
0x140: {  	v54 =	vld [tilespmem:s17+$0x20];
	v27 =	vmul.f32 v51, v32;
	[tilespmem:s17+$0xFFFFFFD0] =	vst v26;
	v22 =	vperm.xlane v24, v12  }
0x141: {  	v55 =	vld [tilespmem:s17+$0x30];
	v60 =	vmul.f32 v53, v56;
	[tilespmem:s17+$0xFFFFFFC0] =	vst v21;
	v21 =	vperm.xlane v24, v13  }
0x142: {  	v57 =	vld [tilespmem:s17+$0x40];
	v62 =	vperm.xlane v24, v18;
	[tilespmem:s17+$0xFFFFFFE0] =	vst v27;
	v22 =	vmul.f32 v31, v22  }
0x143: {  	v61 =	vld [tilespmem:s17+$0x60];
	v59 =	vperm.xlane v24, v15;
	[tilespmem:s17+$0x10] =	vst v60;
	v21 =	vmul.f32 v23, v21  }
0x144: {  	v25 =	vmul.f32 v58, v62;
	v23 =	vperm.xlane v24, v16;
	[tilespmem:s17+$0xFFFFFFF0] =	vst v22;
	v22 =	vld [tilespmem:s17+$0x70]  }
0x145: {  	v28 =	vmul.f32 v54, v59;
	[tilespmem:s17+$0x0] =	vst v21;
	v21 =	vperm.xlane v24, v17  }
0x146: {  	v63 =	vperm.xlane v24, v19;
	[tilespmem:s17+$0x50] =	vst v25;
	v23 =	vmul.f32 v55, v23  }
0x147: {  	[tilespmem:s17+$0x20] =	vst v28;
	v24 =	vperm.xlane v24, v20;
	v21 =	vmul.f32 v57, v21  }
0x148: {  	[tilespmem:s17+$0x30] =	vst v23;
	v23 =	vmul.f32 v61, v63  }
0x149: {  	[tilespmem:s17+$0x40] =	vst v21;
	v21 =	vmul.f32 v22, v24  }
0x14a: {  	[tilespmem:s17+$0x60] =	vst v23  }
0x14b: {  	s19 =	simm.s32 $0x10;
	s18 =	simm.s32 $0x80;
	[tilespmem:s17+$0x70] =	vst v21  }
.LBB2_17:
0x14c: {  	p0 =	sne.s32 s18, $0x33C0;
	v21 =	vld [tilespmem:s19+$0x1A00]  }
0x14d: {  	s17 =	sadd.s32 $0x100, s17  }
0x14e: {  	v22 =	vld [tilespmem:s17+$0xFFFFFFB0]  }
0x14f: {  	v23 =	vld [tilespmem:s17+$0xFFFFFF90]  }
0x150: {  	v24 =	vld [tilespmem:s17+$0xFFFFFF80]  }
0x151: {  	vm0 =	veq.s32 v21, $0x0;
	v21 =	vld [tilespmem:s17+$0xFFFFFFA0]  }
0x152: {  	v25 =	vsel vm0, $0x0, v5;
	v26 =	vld [tilespmem:s17+$0xFFFFFFF0]  }
0x153: {  	v27 =	vperm.xlane v25, v0;
	v28 =	vperm.xlane v25, v6;
	v29 =	vld [tilespmem:s17+$0xFFFFFFD0]  }
0x154: {  	v30 =	vperm.xlane v25, v7;
	v31 =	vperm.xlane v25, v8;
	v32 =	vld [tilespmem:s17+$0xFFFFFFC0]  }
0x155: {  	v24 =	vmul.f32 v24, v27;
	v23 =	vmul.f32 v23, v28;
	v27 =	vld [tilespmem:s17+$0xFFFFFFE0]  }
0x156: {  	v22 =	vmul.f32 v22, v31;
	v21 =	vmul.f32 v21, v30;
	v28 =	vld [tilespmem:s17+$0x30]  }
0x157: {  	v30 =	vperm.xlane v25, v10;
	[tilespmem:s17+$0xFFFFFF80] =	vst v24;
	v24 =	vperm.xlane v25, v9;
	v31 =	vld [tilespmem:s17+$0x10]  }
0x158: {  	v33 =	vperm.xlane v25, v12;
	[tilespmem:s17+$0xFFFFFF90] =	vst v23;
	v23 =	vperm.xlane v25, v11;
	v34 =	vld [tilespmem:s17+$0x0]  }
0x159: {  	[tilespmem:s17+$0xFFFFFFA0] =	vst v21;
	v21 =	vmul.f32 v32, v24;
	v24 =	vmul.f32 v29, v30;
	v29 =	vld [tilespmem:s17+$0x20]  }
0x15a: {  	[tilespmem:s17+$0xFFFFFFB0] =	vst v22;
	v22 =	vmul.f32 v27, v23;
	v23 =	vmul.f32 v26, v33;
	v26 =	vld [tilespmem:s17+$0x70]  }
0x15b: {  	v27 =	vperm.xlane v25, v14;
	[tilespmem:s17+$0xFFFFFFC0] =	vst v21;
	v21 =	vperm.xlane v25, v13;
	v30 =	vld [tilespmem:s17+$0x50]  }
0x15c: {  	v32 =	vperm.xlane v25, v16;
	[tilespmem:s17+$0xFFFFFFD0] =	vst v24;
	v24 =	vperm.xlane v25, v15;
	v33 =	vld [tilespmem:s17+$0x40]  }
0x15d: {  	[tilespmem:s17+$0xFFFFFFE0] =	vst v22;
	v21 =	vmul.f32 v34, v21;
	v22 =	vmul.f32 v31, v27;
	v27 =	vld [tilespmem:s17+$0x60]  }
0x15e: {  	[tilespmem:s17+$0xFFFFFFF0] =	vst v23;
	v23 =	vmul.f32 v29, v24;
	v24 =	vmul.f32 v28, v32  }
0x15f: {  	v28 =	vperm.xlane v25, v18;
	[tilespmem:s17+$0x0] =	vst v21;
	v21 =	vperm.xlane v25, v17  }
0x160: {  	[tilespmem:s17+$0x10] =	vst v22;
	v22 =	vperm.xlane v25, v19;
	v25 =	vperm.xlane v25, v20  }
0x161: {  	[tilespmem:s17+$0x20] =	vst v23;
	v21 =	vmul.f32 v33, v21;
	v23 =	vmul.f32 v30, v28  }
.Ltmp10:
0x162: {  	[tilespmem:s17+$0x30] =	vst v24;
	v22 =	vmul.f32 v27, v22;
	v24 =	vmul.f32 v26, v25;
	(pc) =	sbr.rel @p0 .LBB2_17-.Ltmp10, $4  }
0x163: {  	[tilespmem:s17+$0x40] =	vst v21  }
0x164: {  	[tilespmem:s17+$0x50] =	vst v23  }
0x165: {  	[tilespmem:s17+$0x60] =	vst v22  }
0x166: {  	s19 =	sshra.s32 s18, $0x2;
	s18 =	sadd.s32 $0x40, s18;
	[tilespmem:s17+$0x70] =	vst v24  }
0x167: {  	v21 =	vld [tilespmem:s19+$0x1A00];
	_ =	sdelay $0x2  }
0x168: {  	s17 =	sadd.s32 $0x100, s17  }
0x169: {  	v22 =	vld [tilespmem:s17+$0xFFFFFF80]  }
0x16a: {  	v23 =	vld [tilespmem:s17+$0xFFFFFF90];
	vm0 =	veq.s32 v21, $0x0  }
0x16b: {  	v25 =	vld [tilespmem:s17+$0xFFFFFFB0];
	v24 =	vsel vm0, $0x0, v5  }
0x16c: {  	v21 =	vld [tilespmem:s17+$0xFFFFFFA0];
	v26 =	vperm.xlane v24, v0  }
0x16d: {  	v29 =	vld [tilespmem:s17+$0xFFFFFFD0];
	v27 =	vperm.xlane v24, v6  }
0x16e: {  	v28 =	vld [tilespmem:s17+$0xFFFFFFC0];
	v50 =	vperm.xlane v24, v8;
	v22 =	vmul.f32 v22, v26  }
0x16f: {  	v51 =	vld [tilespmem:s17+$0xFFFFFFE0];
	v30 =	vperm.xlane v24, v7;
	v23 =	vmul.f32 v23, v27  }
0x170: {  	v53 =	vld [tilespmem:s17+$0x10];
	v52 =	vperm.xlane v24, v10;
	v25 =	vmul.f32 v25, v50;
	[tilespmem:s17+$0xFFFFFF80] =	vst v22  }
0x171: {  	v31 =	vld [tilespmem:s17+$0xFFFFFFF0];
	v21 =	vmul.f32 v21, v30;
	v22 =	vperm.xlane v24, v9;
	[tilespmem:s17+$0xFFFFFF90] =	vst v23  }
0x172: {  	v32 =	vperm.xlane v24, v11;
	v26 =	vmul.f32 v29, v52;
	v23 =	vld [tilespmem:s17+$0x0];
	[tilespmem:s17+$0xFFFFFFB0] =	vst v25  }
0x173: {  	v58 =	vld [tilespmem:s17+$0x50];
	v56 =	vperm.xlane v24, v14;
	[tilespmem:s17+$0xFFFFFFA0] =	vst v21;
	v21 =	vmul.f32 v28, v22  }
0x174: {  	v54 =	vld [tilespmem:s17+$0x20];
	v27 =	vmul.f32 v51, v32;
	[tilespmem:s17+$0xFFFFFFD0] =	vst v26;
	v22 =	vperm.xlane v24, v12  }
0x175: {  	v55 =	vld [tilespmem:s17+$0x30];
	v60 =	vmul.f32 v53, v56;
	[tilespmem:s17+$0xFFFFFFC0] =	vst v21;
	v21 =	vperm.xlane v24, v13  }
0x176: {  	v57 =	vld [tilespmem:s17+$0x40];
	v62 =	vperm.xlane v24, v18;
	[tilespmem:s17+$0xFFFFFFE0] =	vst v27;
	v22 =	vmul.f32 v31, v22  }
0x177: {  	v61 =	vld [tilespmem:s17+$0x60];
	v59 =	vperm.xlane v24, v15;
	[tilespmem:s17+$0x10] =	vst v60;
	v21 =	vmul.f32 v23, v21  }
0x178: {  	v25 =	vmul.f32 v58, v62;
	v23 =	vperm.xlane v24, v16;
	[tilespmem:s17+$0xFFFFFFF0] =	vst v22;
	v22 =	vld [tilespmem:s17+$0x70]  }
0x179: {  	v28 =	vmul.f32 v54, v59;
	[tilespmem:s17+$0x0] =	vst v21;
	v21 =	vperm.xlane v24, v17  }
0x17a: {  	v63 =	vperm.xlane v24, v19;
	[tilespmem:s17+$0x50] =	vst v25;
	v23 =	vmul.f32 v55, v23  }
0x17b: {  	[tilespmem:s17+$0x20] =	vst v28;
	v24 =	vperm.xlane v24, v20;
	v21 =	vmul.f32 v57, v21  }
0x17c: {  	[tilespmem:s17+$0x30] =	vst v23;
	v23 =	vmul.f32 v61, v63  }
0x17d: {  	[tilespmem:s17+$0x40] =	vst v21;
	v21 =	vmul.f32 v22, v24  }
0x17e: {  	[tilespmem:s17+$0x60] =	vst v23  }
0x17f: {  	[tilespmem:s17+$0x70] =	vst v21  }
.LBB2_19:
0x180: {  	s17 =	simm.s32 $0x0  }
0x181: {  	[hbm4b:s7+s17] =	stream.linear.scatter [tilespmem:s12], [sflag:$0x2], $0xD000, $0x38;
	[tilespmem:$0x10400] =	vst v63  }
0x182: {  	_ =	swait.ge [sflag:s10], $0xD000  }
0x183: {  	[sflag:s10] =	ssyncset.done $0x0  }
0x184: {  	[sflag:s10] =	ssyncadd.s32 $0xFFFF3000  }
0x185: {  	[tilespmem:s12], [sflag:$0x1] =	stream.indirect.gather [hbm4b:s3+s11], $0x10, s15, s11, $0xb8;
	[tilespmem:$0x10400] =	vst v63  }
0x186: {  	_ =	swait.ge [sflag:s13], $0xD000  }
0x187: {  	[sflag:s13] =	ssyncset.done $0x0  }
0x188: {  	s18 =	simm.s32 $0x0;
	[sflag:s13] =	ssyncadd.s32 $0xFFFF3000  }
0x189: {  	v22 =	vld [tilespmem:s18+$0x2700]  }
0x18a: {  	v21 =	vimm.s32 $0x0;
	s17 =	simm.s32 $0x40  }
.LBB2_20:
0x18b: {  	p0 =	sne.s32 s17, $0x33C0  }
.Ltmp11:
0x18c: {  	_ = 	snop;
	(pc) =	sbr.rel @p0 .LBB2_20-.Ltmp11, $4  }
0x18d: {  	_ = 	snop  }
0x18e: {  	s18 =	sshra.s32 s17, $0x2;
	s17 =	sadd.s32 $0x40, s17;
	vm0 =	veq.s32 v22, $0x0  }
0x18f: {  	v22 =	vld [tilespmem:s18+$0x2700];
	v23 =	vsel vm0, $0x1, v0  }
0x190: {  	v21 =	vor.u32 v23, v21  }
0x191: {  	_ =	sdelay $0x2  }
0x192: {  	vm0 =	veq.s32 v22, $0x0  }
0x193: {  	v22 =	vsel vm0, $0x1, v0  }
0x194: {  	v21 =	vor.u32 v22, v21  }
0x195: {  	v22 =	vperm.xlane v21, v1;
	_ =	sdelay $0x1  }
0x196: {  	v21 =	vor.u32 v21, v22  }
0x197: {  	v22 =	vperm.xlane v21, v2;
	_ =	sdelay $0x1  }
0x198: {  	v21 =	vor.u32 v22, v21  }
0x199: {  	v22 =	vperm.xlane v21, v3;
	_ =	sdelay $0x1  }
0x19a: {  	v21 =	vor.u32 v22, v21  }
0x19b: {  	v22 =	vperm.xlane v21, v4;
	_ =	sdelay $0x1  }
0x19c: {  	v21 =	vor.u32 v22, v21  }
0x19d: {  	(v2sf) =	vpush v21, $0x0;
	_ =	sdelay $0xe  }
0x19e: {  	s17 =	spop (v2sf)  }
0x19f: {  	p0 =	slt.s32 s17, $0x1  }
.Ltmp12:
0x1a0: {  	_ = 	snop;
	(pc) =	sbr.rel @p0 .LBB2_25-.Ltmp12, $1  }
0x1a1: {  	_ =	sdelay $0x3  }
0x1a2: {  	s17 =	simm.s32 $0x0  }
0x1a3: {  	v21 =	vld [tilespmem:s17+$0x2700];
	_ =	sdelay $0x2  }
0x1a4: {  	s17 =	simm.s32 $0x3480  }
0x1a5: {  	v22 =	vld [tilespmem:s17+$0xFFFFFF80]  }
0x1a6: {  	v23 =	vld [tilespmem:s17+$0xFFFFFF90];
	vm0 =	veq.s32 v21, $0x0  }
0x1a7: {  	v25 =	vld [tilespmem:s17+$0xFFFFFFB0];
	v24 =	vsel vm0, $0x0, v5  }
0x1a8: {  	v21 =	vld [tilespmem:s17+$0xFFFFFFA0];
	v26 =	vperm.xlane v24, v0  }
0x1a9: {  	v29 =	vld [tilespmem:s17+$0xFFFFFFD0];
	v27 =	vperm.xlane v24, v6  }
0x1aa: {  	v28 =	vld [tilespmem:s17+$0xFFFFFFC0];
	v50 =	vperm.xlane v24, v8;
	v22 =	vmul.f32 v22, v26  }
0x1ab: {  	v51 =	vld [tilespmem:s17+$0xFFFFFFE0];
	v30 =	vperm.xlane v24, v7;
	v23 =	vmul.f32 v23, v27  }
0x1ac: {  	v53 =	vld [tilespmem:s17+$0x10];
	v52 =	vperm.xlane v24, v10;
	v25 =	vmul.f32 v25, v50;
	[tilespmem:s17+$0xFFFFFF80] =	vst v22  }
0x1ad: {  	v31 =	vld [tilespmem:s17+$0xFFFFFFF0];
	v21 =	vmul.f32 v21, v30;
	v22 =	vperm.xlane v24, v9;
	[tilespmem:s17+$0xFFFFFF90] =	vst v23  }
0x1ae: {  	v32 =	vperm.xlane v24, v11;
	v26 =	vmul.f32 v29, v52;
	v23 =	vld [tilespmem:s17+$0x0];
	[tilespmem:s17+$0xFFFFFFB0] =	vst v25  }
0x1af: {  	v58 =	vld [tilespmem:s17+$0x50];
	v56 =	vperm.xlane v24, v14;
	[tilespmem:s17+$0xFFFFFFA0] =	vst v21;
	v21 =	vmul.f32 v28, v22  }
0x1b0: {  	v54 =	vld [tilespmem:s17+$0x20];
	v27 =	vmul.f32 v51, v32;
	[tilespmem:s17+$0xFFFFFFD0] =	vst v26;
	v22 =	vperm.xlane v24, v12  }
0x1b1: {  	v55 =	vld [tilespmem:s17+$0x30];
	v60 =	vmul.f32 v53, v56;
	[tilespmem:s17+$0xFFFFFFC0] =	vst v21;
	v21 =	vperm.xlane v24, v13  }
0x1b2: {  	v57 =	vld [tilespmem:s17+$0x40];
	v62 =	vperm.xlane v24, v18;
	[tilespmem:s17+$0xFFFFFFE0] =	vst v27;
	v22 =	vmul.f32 v31, v22  }
0x1b3: {  	v61 =	vld [tilespmem:s17+$0x60];
	v59 =	vperm.xlane v24, v15;
	[tilespmem:s17+$0x10] =	vst v60;
	v21 =	vmul.f32 v23, v21  }
0x1b4: {  	v25 =	vmul.f32 v58, v62;
	v23 =	vperm.xlane v24, v16;
	[tilespmem:s17+$0xFFFFFFF0] =	vst v22;
	v22 =	vld [tilespmem:s17+$0x70]  }
0x1b5: {  	v28 =	vmul.f32 v54, v59;
	[tilespmem:s17+$0x0] =	vst v21;
	v21 =	vperm.xlane v24, v17  }
0x1b6: {  	v63 =	vperm.xlane v24, v19;
	[tilespmem:s17+$0x50] =	vst v25;
	v23 =	vmul.f32 v55, v23  }
0x1b7: {  	[tilespmem:s17+$0x20] =	vst v28;
	v24 =	vperm.xlane v24, v20;
	v21 =	vmul.f32 v57, v21  }
0x1b8: {  	[tilespmem:s17+$0x30] =	vst v23;
	v23 =	vmul.f32 v61, v63  }
0x1b9: {  	[tilespmem:s17+$0x40] =	vst v21;
	v21 =	vmul.f32 v22, v24  }
0x1ba: {  	[tilespmem:s17+$0x60] =	vst v23  }
0x1bb: {  	s19 =	simm.s32 $0x10;
	s18 =	simm.s32 $0x80;
	[tilespmem:s17+$0x70] =	vst v21  }
.LBB2_23:
0x1bc: {  	p0 =	sne.s32 s18, $0x33C0;
	v21 =	vld [tilespmem:s19+$0x2700]  }
0x1bd: {  	s17 =	sadd.s32 $0x100, s17  }
0x1be: {  	v22 =	vld [tilespmem:s17+$0xFFFFFFB0]  }
0x1bf: {  	v23 =	vld [tilespmem:s17+$0xFFFFFF90]  }
0x1c0: {  	v24 =	vld [tilespmem:s17+$0xFFFFFF80]  }
0x1c1: {  	vm0 =	veq.s32 v21, $0x0;
	v21 =	vld [tilespmem:s17+$0xFFFFFFA0]  }
0x1c2: {  	v25 =	vsel vm0, $0x0, v5;
	v26 =	vld [tilespmem:s17+$0xFFFFFFF0]  }
0x1c3: {  	v27 =	vperm.xlane v25, v0;
	v28 =	vperm.xlane v25, v6;
	v29 =	vld [tilespmem:s17+$0xFFFFFFD0]  }
0x1c4: {  	v30 =	vperm.xlane v25, v7;
	v31 =	vperm.xlane v25, v8;
	v32 =	vld [tilespmem:s17+$0xFFFFFFC0]  }
0x1c5: {  	v24 =	vmul.f32 v24, v27;
	v23 =	vmul.f32 v23, v28;
	v27 =	vld [tilespmem:s17+$0xFFFFFFE0]  }
0x1c6: {  	v22 =	vmul.f32 v22, v31;
	v21 =	vmul.f32 v21, v30;
	v28 =	vld [tilespmem:s17+$0x30]  }
0x1c7: {  	v30 =	vperm.xlane v25, v10;
	[tilespmem:s17+$0xFFFFFF80] =	vst v24;
	v24 =	vperm.xlane v25, v9;
	v31 =	vld [tilespmem:s17+$0x10]  }
0x1c8: {  	v33 =	vperm.xlane v25, v12;
	[tilespmem:s17+$0xFFFFFF90] =	vst v23;
	v23 =	vperm.xlane v25, v11;
	v34 =	vld [tilespmem:s17+$0x0]  }
0x1c9: {  	[tilespmem:s17+$0xFFFFFFA0] =	vst v21;
	v21 =	vmul.f32 v32, v24;
	v24 =	vmul.f32 v29, v30;
	v29 =	vld [tilespmem:s17+$0x20]  }
0x1ca: {  	[tilespmem:s17+$0xFFFFFFB0] =	vst v22;
	v22 =	vmul.f32 v27, v23;
	v23 =	vmul.f32 v26, v33;
	v26 =	vld [tilespmem:s17+$0x70]  }
0x1cb: {  	v27 =	vperm.xlane v25, v14;
	[tilespmem:s17+$0xFFFFFFC0] =	vst v21;
	v21 =	vperm.xlane v25, v13;
	v30 =	vld [tilespmem:s17+$0x50]  }
0x1cc: {  	v32 =	vperm.xlane v25, v16;
	[tilespmem:s17+$0xFFFFFFD0] =	vst v24;
	v24 =	vperm.xlane v25, v15;
	v33 =	vld [tilespmem:s17+$0x40]  }
0x1cd: {  	[tilespmem:s17+$0xFFFFFFE0] =	vst v22;
	v21 =	vmul.f32 v34, v21;
	v22 =	vmul.f32 v31, v27;
	v27 =	vld [tilespmem:s17+$0x60]  }
0x1ce: {  	[tilespmem:s17+$0xFFFFFFF0] =	vst v23;
	v23 =	vmul.f32 v29, v24;
	v24 =	vmul.f32 v28, v32  }
0x1cf: {  	v28 =	vperm.xlane v25, v18;
	[tilespmem:s17+$0x0] =	vst v21;
	v21 =	vperm.xlane v25, v17  }
0x1d0: {  	[tilespmem:s17+$0x10] =	vst v22;
	v22 =	vperm.xlane v25, v19;
	v25 =	vperm.xlane v25, v20  }
0x1d1: {  	[tilespmem:s17+$0x20] =	vst v23;
	v21 =	vmul.f32 v33, v21;
	v23 =	vmul.f32 v30, v28  }
.Ltmp13:
0x1d2: {  	[tilespmem:s17+$0x30] =	vst v24;
	v22 =	vmul.f32 v27, v22;
	v24 =	vmul.f32 v26, v25;
	(pc) =	sbr.rel @p0 .LBB2_23-.Ltmp13, $4  }
0x1d3: {  	[tilespmem:s17+$0x40] =	vst v21  }
0x1d4: {  	[tilespmem:s17+$0x50] =	vst v23  }
0x1d5: {  	[tilespmem:s17+$0x60] =	vst v22  }
0x1d6: {  	s19 =	sshra.s32 s18, $0x2;
	s18 =	sadd.s32 $0x40, s18;
	[tilespmem:s17+$0x70] =	vst v24  }
.Ltmp14:
0x1d7: {  	_ = 	snop;
	(pc) =	sbr.rel .LBB2_24-.Ltmp14, $1  }
0x1d8: {  	_ =	sdelay $0x3  }
.LBB2_26:
0x1d9: {  	_ =	sfence.sel $0x180000  }
0x1da: {  	[bflag:$0x0] =	sbarrier.arrive $0xFFFF  }
0x1db: {  	p0 =	sne.s32 s0, $0x0;
	_ =	strace $0x90000047  }
0x1dc: {  	s0 =	sadd.s32 @!p0 $0x100000, s1;
	[bflag:$0x2] =	sbarrier.arrive $0xFFFF  }
0x1dd: {  	[sflag:s0] =	ssyncadd.tile.s32 @!p0 $0x1;
	_ =	shalt  }
.Lfunc_end2:
_tile_overlayer_lowered:
.L_overlay_start_2:
0x1de: {  	(tag) =	ssettag $0x2  }
0x1df: {  	s0 =	rddreg [dreg:$0x0];
	s2 =	stileid.u32  }
0x1e0: {  	s1 =	rddreg [dreg:$0x1];
	p0 =	sne.s32 s2, $0x0  }
0x1e1: {  	s3 =	rddreg [dreg:$0x2];
	[bflag:$0x3] =	sbarrier.arrive $0xFFFF;
	s2 =	simm.s32 @!p0 $0x1C02  }
0x1e2: {  	[timem:s3], [sflag:s2] =	dma.local @!p0 [hbm:s0], s1  }
0x1e3: {  	s0 =	simm.s32 @!p0 $0x2  }
0x1e4: {  	_ =	swait.ge @!p0 [sflag:s0], s1  }
0x1e5: {  	s1 =	ssub.s32 @!p0 $0x0, s1;
	[sflag:s0] =	ssyncset.done @!p0 $0x0  }
0x1e6: {  	[sflag:s0] =	ssyncadd.s32 @!p0 s1  }
0x1e7: {  	[bflag:$0x3] =	sbarrier.arrive $0xFFFF  }
0x1e8: {  	_ =	shalt  }

</sc_bundles>
